<compile_context>
chip_gen: v7x
topology: tpu7x:2x2x1
jax: 0.10.2.dev20260603
libtpu: 0.0.44.dev20260713+nightly
codegen_flags: <defaults>
</compile_context>

<pallas_src>
import functools

import jax
import jax.numpy as jnp
import numpy as np
from jax import lax
from jax.experimental import pallas as pl
from jax.experimental.pallas import tpu as pltpu
from jax.experimental.pallas import tpu_sc as plsc

_NC = 2
_NS = 16
_NW = _NC * _NS
_CH = 128
_K = 5
_TW = 2048


def _eye(dim):
    return (lax.broadcasted_iota(jnp.int32, (dim, dim), 0)
            == lax.broadcasted_iota(jnp.int32, (dim, dim), 1)
            ).astype(jnp.float32)


def _tc_table_rows(table_t, vocab, dim):
    w = _TW * 4
    nblk = -(-vocab // w)

    def body(in_ref, out_ref):
        s = jnp.concatenate(
            [in_ref[:, a * _TW:(a + 1) * _TW] for a in range(4)], axis=0)
        out_ref[...] = s.T

    return pl.pallas_call(
        body,
        grid=(nblk,),
        in_specs=[pl.BlockSpec((dim, w), lambda i: (0, i))],
        out_specs=pl.BlockSpec((_TW, 128), lambda i: (i, 0)),
        out_shape=jax.ShapeDtypeStruct((nblk * _TW, 128), table_t.dtype),
        compiler_params=pltpu.CompilerParams(
            dimension_semantics=("parallel",)),
    )(table_t)


def _sc_gather_scatter(staging, idx, oidx, n, dim):
    per_w = n // _NW
    nch = per_w // _CH
    nsuper = nch // _K
    assert per_w * _NW == n and nsuper * _K * _CH == per_w and nsuper % 2 == 0
    mesh = plsc.VectorSubcoreMesh(core_axis_name="c", subcore_axis_name="s")

    @functools.partial(
        pl.kernel,
        mesh=mesh,
        out_type=jax.ShapeDtypeStruct((n, dim), staging.dtype),
        compiler_params=pltpu.CompilerParams(use_tc_tiling_on_sc=False),
        scratch_types=[
            pltpu.VMEM((nch, _CH), jnp.int32),
            pltpu.VMEM((nch, _CH), jnp.int32),
            pltpu.VMEM((2, _K, _CH, dim), jnp.float32),
            pltpu.SemaphoreType.DMA,
            pltpu.SemaphoreType.DMA,
            pltpu.SemaphoreType.DMA,
            pltpu.SemaphoreType.DMA,
        ],
    )
    def gather_kernel(tab_hbm, idx_hbm, oidx_hbm, out_hbm, idx_v, oidx_v,
                      rows_v, gsem0, gsem1, osem0, osem1):
        wid = lax.axis_index("s") * _NC + lax.axis_index("c")
        pltpu.sync_copy(idx_hbm.at[pl.ds(wid * nch, nch)], idx_v)
        pltpu.sync_copy(oidx_hbm.at[pl.ds(wid * nch, nch)], oidx_v)
        gsems = (gsem0, gsem1)
        osems = (osem0, osem1)

        def fire_gathers(s, b):
            for j in range(_K):
                c = s * _K + j
                pltpu.async_copy(tab_hbm.at[idx_v.at[c]],
                                 rows_v.at[b].at[j], gsems[b])

        def drain_gathers(s, b):
            for j in range(_K):
                c = s * _K + j
                pltpu.make_async_copy(tab_hbm.at[idx_v.at[c]],
                                      rows_v.at[b].at[j], gsems[b]).wait()

        def fire_stores(s, b):
            for j in range(_K):
                c = s * _K + j
                pltpu.async_copy(rows_v.at[b].at[j],
                                 out_hbm.at[oidx_v.at[c]], osems[b])

        def drain_stores(s, b):
            for j in range(_K):
                c = s * _K + j
                pltpu.make_async_copy(rows_v.at[b].at[j],
                                      out_hbm.at[oidx_v.at[c]],
                                      osems[b]).wait()

        for s in range(2):
            fire_gathers(s, s)
            drain_gathers(s, s)
            fire_stores(s, s)

        @pl.loop(2, nsuper, step=2)
        def _(s0):
            for b in range(2):
                s = s0 + b
                drain_stores(s - 2, b)
                fire_gathers(s, b)
                drain_gathers(s, b)
                fire_stores(s, b)

        drain_stores(nsuper - 2, 0)
        drain_stores(nsuper - 1, 1)

    idx2 = idx.reshape(n // _CH, _CH)
    oidx2 = oidx.reshape(n // _CH, _CH)
    return gather_kernel(staging, idx2, oidx2)


def _tc_retile(rows, hist, dim, batch):
    rows128 = rows.reshape(hist * batch * dim // 128, 128)
    blk = batch // 4
    q = batch // 4

    def body(in_ref, out_ref):
        t = in_ref[...].T
        for k in range(4):
            out_ref[0, :, k * q:(k + 1) * q] = t[k * dim:(k + 1) * dim, :]

    return pl.pallas_call(
        body,
        grid=(hist,),
        in_specs=[pl.BlockSpec((blk, 128), lambda h: (h, 0))],
        out_specs=pl.BlockSpec((1, dim, batch), lambda h: (h, 0, 0)),
        out_shape=jax.ShapeDtypeStruct((hist, dim, batch), rows.dtype),
        compiler_params=pltpu.CompilerParams(
            dimension_semantics=("parallel",)),
    )(rows128)


def kernel(x, table):
    batch, hist = x.shape
    vocab, dim = table.shape
    n = batch * hist

    table_t = jnp.swapaxes(table, 0, 1)
    staging = _tc_table_rows(table_t, vocab, dim)
    srows = staging.shape[0] * (128 // dim)
    staging = staging.reshape(srows, dim)

    v = x.reshape(n).astype(jnp.int32)
    r = v % (_TW * 4)
    idx = (v - r) + 4 * (r % _TW) + r // _TW

    i = np.arange(n, dtype=np.int64)
    b, h = i // hist, i % hist
    qb = batch // 4
    oidx = jnp.asarray(h * batch + 4 * (b % qb) + b // qb, dtype=jnp.int32)

    rows = _sc_gather_scatter(staging, idx, oidx, n, dim)
    out_t = _tc_retile(rows, hist, dim, batch)
    return out_t.transpose(2, 0, 1)

# --- scband reference (transcript-rebuilt; emitter-appended) ---
"""Pipeline reference for scband-token-embedding-18322330485511 (READ-ONLY COPY).

The authoritative reference and input builder live on the scoring server;
editing this copy changes nothing except your own understanding.
"""

import jax, jax.numpy as jnp
import numpy as np

VOCAB = 1000000
EMBED_DIM = 32
BATCH = 4096
HIST = 200

def setup_inputs(seed: int = 0) -> dict:
    key = jax.random.key(seed)
    k1, k2 = jax.random.split(key)
    x = jax.random.randint(k1, (BATCH, HIST), 0, VOCAB, dtype=jnp.int64) if jax.config.jax_enable_x64 else jax.random.randint(k1, (BATCH, HIST), 0, VOCAB, dtype=jnp.int32)
    table = jax.random.normal(k2, (VOCAB, EMBED_DIM), dtype=jnp.float32) * 0.02
    return {"x": x, "table": table}

def reference(x, table):
    # TokenEmbedding.forward: embedding lookup followed by dropout (p=0.0 -> identity)
    out = jnp.take(table, x, axis=0)
    return out

if __name__ == "__main__":
    import jax
    _d = setup_inputs()
    print(jax.jit(kernel)(*tuple(_d.values())))

</pallas_src>

<mosaic_0001>
#map = affine_map<(d0, d1) -> (0, 0)>
module attributes {stable_mosaic.version = 14 : i64} {
  func.func @gather_kernel(%arg0: i32, %arg1: i32, %arg2: memref<1007616x32xf32, #tpu.memory_space<hbm>>, %arg3: memref<6400x128xi32, #tpu.memory_space<hbm>>, %arg4: memref<6400x128xi32, #tpu.memory_space<hbm>>, %arg5: memref<819200x32xf32, #tpu.memory_space<hbm>>, %arg6: memref<200x128xi32, #tpu.memory_space<vmem>>, %arg7: memref<200x128xi32, #tpu.memory_space<vmem>>, %arg8: memref<2x5x128x32xf32, #tpu.memory_space<vmem>>, %arg9: memref<!tpu.dma_semaphore, #tpu.memory_space<semaphore_mem>>, %arg10: memref<!tpu.dma_semaphore, #tpu.memory_space<semaphore_mem>>, %arg11: memref<!tpu.dma_semaphore, #tpu.memory_space<semaphore_mem>>, %arg12: memref<!tpu.dma_semaphore, #tpu.memory_space<semaphore_mem>>) attributes {dimension_semantics = [#tpu.dimension_semantics<core_parallel>, #tpu.dimension_semantics<subcore_parallel>], iteration_bounds = array<i64: 2, 16>, scalar_prefetch = 0 : i64, scratch_operands = 7 : i64, tpu.core_type = #tpu.core_type<sc_vector_subcore>, window_params = [{transform_indices = #map}, {transform_indices = #map}, {transform_indices = #map}, {transform_indices = #map}]} {
    %mul3A = arith.constant 2 : i32
    %mul3A_0 = arith.muli %arg1, %mul3A : i32
    %add3A = arith.addi %mul3A_0, %arg0 : i32
    %mul3A_1 = arith.constant 200 : i32
    %mul3A_2 = arith.muli %add3A, %mul3A_1 : i32
    "tpu.region"() ({
      %run_scoped3A = tpu.sem_alloc : memref<!tpu.dma_semaphore, #tpu.memory_space<semaphore_mem>>
      %dma_start3A_727 = arith.constant 0 : i32
      %dma_start3A_728 = tpu.memref_slice %arg3[%mul3A_2, %dma_start3A_727] : memref<6400x128xi32, #tpu.memory_space<hbm>> -> memref<200x128xi32, #tpu.memory_space<hbm>>
      %dma_start3A_729 = arith.constant 0 : i32
      %dma_start3A_730 = tpu.memref_slice %arg3[%mul3A_2, %dma_start3A_729] : memref<6400x128xi32, #tpu.memory_space<hbm>> -> memref<200x128xi32, #tpu.memory_space<hbm>>
      tpu.enqueue_dma source(%dma_start3A_730 : memref<200x128xi32, #tpu.memory_space<hbm>>) target(%arg6 : memref<200x128xi32, #tpu.memory_space<vmem>>) target_semaphore(%run_scoped3A : memref<!tpu.dma_semaphore, #tpu.memory_space<semaphore_mem>>)
      %dma_wait3A_731 = arith.constant 0 : i32
      %dma_wait3A_732 = tpu.memref_slice %arg3[%mul3A_2, %dma_wait3A_731] : memref<6400x128xi32, #tpu.memory_space<hbm>> -> memref<200x128xi32, #tpu.memory_space<hbm>>
      %dma_wait3A_733 = arith.constant 0 : i32
      %dma_wait3A_734 = tpu.memref_slice %arg3[%mul3A_2, %dma_wait3A_733] : memref<6400x128xi32, #tpu.memory_space<hbm>> -> memref<200x128xi32, #tpu.memory_space<hbm>>
      tpu.wait_dma2 semaphore(%run_scoped3A : memref<!tpu.dma_semaphore, #tpu.memory_space<semaphore_mem>>) src(%dma_wait3A_734 : memref<200x128xi32, #tpu.memory_space<hbm>>) dst(%arg6 : memref<200x128xi32, #tpu.memory_space<vmem>>)
      tpu.yield
    }) : () -> ()
    %mul3A_3 = arith.constant 200 : i32
    %mul3A_4 = arith.muli %add3A, %mul3A_3 : i32
    "tpu.region"() ({
      %run_scoped3A = tpu.sem_alloc : memref<!tpu.dma_semaphore, #tpu.memory_space<semaphore_mem>>
      %dma_start3A_727 = arith.constant 0 : i32
      %dma_start3A_728 = tpu.memref_slice %arg4[%mul3A_4, %dma_start3A_727] : memref<6400x128xi32, #tpu.memory_space<hbm>> -> memref<200x128xi32, #tpu.memory_space<hbm>>
      %dma_start3A_729 = arith.constant 0 : i32
      %dma_start3A_730 = tpu.memref_slice %arg4[%mul3A_4, %dma_start3A_729] : memref<6400x128xi32, #tpu.memory_space<hbm>> -> memref<200x128xi32, #tpu.memory_space<hbm>>
      tpu.enqueue_dma source(%dma_start3A_730 : memref<200x128xi32, #tpu.memory_space<hbm>>) target(%arg7 : memref<200x128xi32, #tpu.memory_space<vmem>>) target_semaphore(%run_scoped3A : memref<!tpu.dma_semaphore, #tpu.memory_space<semaphore_mem>>)
      %dma_wait3A_731 = arith.constant 0 : i32
      %dma_wait3A_732 = tpu.memref_slice %arg4[%mul3A_4, %dma_wait3A_731] : memref<6400x128xi32, #tpu.memory_space<hbm>> -> memref<200x128xi32, #tpu.memory_space<hbm>>
      %dma_wait3A_733 = arith.constant 0 : i32
      %dma_wait3A_734 = tpu.memref_slice %arg4[%mul3A_4, %dma_wait3A_733] : memref<6400x128xi32, #tpu.memory_space<hbm>> -> memref<200x128xi32, #tpu.memory_space<hbm>>
      tpu.wait_dma2 semaphore(%run_scoped3A : memref<!tpu.dma_semaphore, #tpu.memory_space<semaphore_mem>>) src(%dma_wait3A_734 : memref<200x128xi32, #tpu.memory_space<hbm>>) dst(%arg7 : memref<200x128xi32, #tpu.memory_space<vmem>>)
      tpu.yield
    }) : () -> ()
    %dma_start3A = arith.constant 0 : i32
    %dma_start3A_5 = arith.constant 0 : i32
    %dma_start3A_6 = arith.constant 0 : i32
    %dma_start3A_7 = arith.constant 0 : i32
    %dma_start3A_8 = arith.constant 0 : i32
    %dma_start3A_9 = arith.constant 0 : i32
    %dma_start3A_10 = tpu.memref_slice %arg8[%dma_start3A_5, %dma_start3A_7, %dma_start3A_8, %dma_start3A_9] : memref<2x5x128x32xf32, #tpu.memory_space<vmem>> -> memref<1x5x128x32xf32, #tpu.memory_space<vmem>>
    %dma_start3A_11 = tpu.memref_squeeze %dma_start3A_10 : memref<1x5x128x32xf32, #tpu.memory_space<vmem>> -> memref<5x128x32xf32, #tpu.memory_space<vmem>>
    %dma_start3A_12 = arith.constant 0 : i32
    %dma_start3A_13 = arith.constant 0 : i32
    %dma_start3A_14 = tpu.memref_slice %dma_start3A_11[%dma_start3A_6, %dma_start3A_12, %dma_start3A_13] : memref<5x128x32xf32, #tpu.memory_space<vmem>> -> memref<1x128x32xf32, #tpu.memory_space<vmem>>
    %dma_start3A_15 = tpu.memref_squeeze %dma_start3A_14 : memref<1x128x32xf32, #tpu.memory_space<vmem>> -> memref<128x32xf32, #tpu.memory_space<vmem>>
    %dma_start3A_16 = arith.constant 0 : i32
    %dma_start3A_17 = tpu.memref_slice %arg6[%dma_start3A, %dma_start3A_16] : memref<200x128xi32, #tpu.memory_space<vmem>> -> memref<1x128xi32, #tpu.memory_space<vmem>>
    %dma_start3A_18 = tpu.memref_squeeze %dma_start3A_17 : memref<1x128xi32, #tpu.memory_space<vmem>> -> memref<128xi32, #tpu.memory_space<vmem>>
    %dma_start3A_19 = arith.constant 0 : i32
    %dma_start3A_20 = arith.constant 0 : i32
    %dma_start3A_21 = tpu.memref_slice %arg2[%dma_start3A_19, %dma_start3A_20] : memref<1007616x32xf32, #tpu.memory_space<hbm>> -> memref<1007616x32xf32, #tpu.memory_space<hbm>>
    tpu.enqueue_indirect_dma source(%dma_start3A_21 : memref<1007616x32xf32, #tpu.memory_space<hbm>>) target(%dma_start3A_15 : memref<128x32xf32, #tpu.memory_space<vmem>>) offsets(%dma_start3A_18 : memref<128xi32, #tpu.memory_space<vmem>>) semaphore(%arg9 : memref<!tpu.dma_semaphore, #tpu.memory_space<semaphore_mem>>)
    %dma_start3A_22 = arith.constant 1 : i32
    %dma_start3A_23 = arith.constant 0 : i32
    %dma_start3A_24 = arith.constant 1 : i32
    %dma_start3A_25 = arith.constant 0 : i32
    %dma_start3A_26 = arith.constant 0 : i32
    %dma_start3A_27 = arith.constant 0 : i32
    %dma_start3A_28 = tpu.memref_slice %arg8[%dma_start3A_23, %dma_start3A_25, %dma_start3A_26, %dma_start3A_27] : memref<2x5x128x32xf32, #tpu.memory_space<vmem>> -> memref<1x5x128x32xf32, #tpu.memory_space<vmem>>
    %dma_start3A_29 = tpu.memref_squeeze %dma_start3A_28 : memref<1x5x128x32xf32, #tpu.memory_space<vmem>> -> memref<5x128x32xf32, #tpu.memory_space<vmem>>
    %dma_start3A_30 = arith.constant 0 : i32
    %dma_start3A_31 = arith.constant 0 : i32
    %dma_start3A_32 = tpu.memref_slice %dma_start3A_29[%dma_start3A_24, %dma_start3A_30, %dma_start3A_31] : memref<5x128x32xf32, #tpu.memory_space<vmem>> -> memref<1x128x32xf32, #tpu.memory_space<vmem>>
    %dma_start3A_33 = tpu.memref_squeeze %dma_start3A_32 : memref<1x128x32xf32, #tpu.memory_space<vmem>> -> memref<128x32xf32, #tpu.memory_space<vmem>>
    %dma_start3A_34 = arith.constant 0 : i32
    %dma_start3A_35 = tpu.memref_slice %arg6[%dma_start3A_22, %dma_start3A_34] : memref<200x128xi32, #tpu.memory_space<vmem>> -> memref<1x128xi32, #tpu.memory_space<vmem>>
    %dma_start3A_36 = tpu.memref_squeeze %dma_start3A_35 : memref<1x128xi32, #tpu.memory_space<vmem>> -> memref<128xi32, #tpu.memory_space<vmem>>
    %dma_start3A_37 = arith.constant 0 : i32
    %dma_start3A_38 = arith.constant 0 : i32
    %dma_start3A_39 = tpu.memref_slice %arg2[%dma_start3A_37, %dma_start3A_38] : memref<1007616x32xf32, #tpu.memory_space<hbm>> -> memref<1007616x32xf32, #tpu.memory_space<hbm>>
    tpu.enqueue_indirect_dma source(%dma_start3A_39 : memref<1007616x32xf32, #tpu.memory_space<hbm>>) target(%dma_start3A_33 : memref<128x32xf32, #tpu.memory_space<vmem>>) offsets(%dma_start3A_36 : memref<128xi32, #tpu.memory_space<vmem>>) semaphore(%arg9 : memref<!tpu.dma_semaphore, #tpu.memory_space<semaphore_mem>>)
    %dma_start3A_40 = arith.constant 2 : i32
    %dma_start3A_41 = arith.constant 0 : i32
    %dma_start3A_42 = arith.constant 2 : i32
    %dma_start3A_43 = arith.constant 0 : i32
    %dma_start3A_44 = arith.constant 0 : i32
    %dma_start3A_45 = arith.constant 0 : i32
    %dma_start3A_46 = tpu.memref_slice %arg8[%dma_start3A_41, %dma_start3A_43, %dma_start3A_44, %dma_start3A_45] : memref<2x5x128x32xf32, #tpu.memory_space<vmem>> -> memref<1x5x128x32xf32, #tpu.memory_space<vmem>>
    %dma_start3A_47 = tpu.memref_squeeze %dma_start3A_46 : memref<1x5x128x32xf32, #tpu.memory_space<vmem>> -> memref<5x128x32xf32, #tpu.memory_space<vmem>>
    %dma_start3A_48 = arith.constant 0 : i32
    %dma_start3A_49 = arith.constant 0 : i32
    %dma_start3A_50 = tpu.memref_slice %dma_start3A_47[%dma_start3A_42, %dma_start3A_48, %dma_start3A_49] : memref<5x128x32xf32, #tpu.memory_space<vmem>> -> memref<1x128x32xf32, #tpu.memory_space<vmem>>
    %dma_start3A_51 = tpu.memref_squeeze %dma_start3A_50 : memref<1x128x32xf32, #tpu.memory_space<vmem>> -> memref<128x32xf32, #tpu.memory_space<vmem>>
    %dma_start3A_52 = arith.constant 0 : i32
    %dma_start3A_53 = tpu.memref_slice %arg6[%dma_start3A_40, %dma_start3A_52] : memref<200x128xi32, #tpu.memory_space<vmem>> -> memref<1x128xi32, #tpu.memory_space<vmem>>
    %dma_start3A_54 = tpu.memref_squeeze %dma_start3A_53 : memref<1x128xi32, #tpu.memory_space<vmem>> -> memref<128xi32, #tpu.memory_space<vmem>>
    %dma_start3A_55 = arith.constant 0 : i32
    %dma_start3A_56 = arith.constant 0 : i32
    %dma_start3A_57 = tpu.memref_slice %arg2[%dma_start3A_55, %dma_start3A_56] : memref<1007616x32xf32, #tpu.memory_space<hbm>> -> memref<1007616x32xf32, #tpu.memory_space<hbm>>
    tpu.enqueue_indirect_dma source(%dma_start3A_57 : memref<1007616x32xf32, #tpu.memory_space<hbm>>) target(%dma_start3A_51 : memref<128x32xf32, #tpu.memory_space<vmem>>) offsets(%dma_start3A_54 : memref<128xi32, #tpu.memory_space<vmem>>) semaphore(%arg9 : memref<!tpu.dma_semaphore, #tpu.memory_space<semaphore_mem>>)
    %dma_start3A_58 = arith.constant 3 : i32
    %dma_start3A_59 = arith.constant 0 : i32
    %dma_start3A_60 = arith.constant 3 : i32
    %dma_start3A_61 = arith.constant 0 : i32
    %dma_start3A_62 = arith.constant 0 : i32
    %dma_start3A_63 = arith.constant 0 : i32
    %dma_start3A_64 = tpu.memref_slice %arg8[%dma_start3A_59, %dma_start3A_61, %dma_start3A_62, %dma_start3A_63] : memref<2x5x128x32xf32, #tpu.memory_space<vmem>> -> memref<1x5x128x32xf32, #tpu.memory_space<vmem>>
    %dma_start3A_65 = tpu.memref_squeeze %dma_start3A_64 : memref<1x5x128x32xf32, #tpu.memory_space<vmem>> -> memref<5x128x32xf32, #tpu.memory_space<vmem>>
    %dma_start3A_66 = arith.constant 0 : i32
    %dma_start3A_67 = arith.constant 0 : i32
    %dma_start3A_68 = tpu.memref_slice %dma_start3A_65[%dma_start3A_60, %dma_start3A_66, %dma_start3A_67] : memref<5x128x32xf32, #tpu.memory_space<vmem>> -> memref<1x128x32xf32, #tpu.memory_space<vmem>>
    %dma_start3A_69 = tpu.memref_squeeze %dma_start3A_68 : memref<1x128x32xf32, #tpu.memory_space<vmem>> -> memref<128x32xf32, #tpu.memory_space<vmem>>
    %dma_start3A_70 = arith.constant 0 : i32
    %dma_start3A_71 = tpu.memref_slice %arg6[%dma_start3A_58, %dma_start3A_70] : memref<200x128xi32, #tpu.memory_space<vmem>> -> memref<1x128xi32, #tpu.memory_space<vmem>>
    %dma_start3A_72 = tpu.memref_squeeze %dma_start3A_71 : memref<1x128xi32, #tpu.memory_space<vmem>> -> memref<128xi32, #tpu.memory_space<vmem>>
    %dma_start3A_73 = arith.constant 0 : i32
    %dma_start3A_74 = arith.constant 0 : i32
    %dma_start3A_75 = tpu.memref_slice %arg2[%dma_start3A_73, %dma_start3A_74] : memref<1007616x32xf32, #tpu.memory_space<hbm>> -> memref<1007616x32xf32, #tpu.memory_space<hbm>>
    tpu.enqueue_indirect_dma source(%dma_start3A_75 : memref<1007616x32xf32, #tpu.memory_space<hbm>>) target(%dma_start3A_69 : memref<128x32xf32, #tpu.memory_space<vmem>>) offsets(%dma_start3A_72 : memref<128xi32, #tpu.memory_space<vmem>>) semaphore(%arg9 : memref<!tpu.dma_semaphore, #tpu.memory_space<semaphore_mem>>)
    %dma_start3A_76 = arith.constant 4 : i32
    %dma_start3A_77 = arith.constant 0 : i32
    %dma_start3A_78 = arith.constant 4 : i32
    %dma_start3A_79 = arith.constant 0 : i32
    %dma_start3A_80 = arith.constant 0 : i32
    %dma_start3A_81 = arith.constant 0 : i32
    %dma_start3A_82 = tpu.memref_slice %arg8[%dma_start3A_77, %dma_start3A_79, %dma_start3A_80, %dma_start3A_81] : memref<2x5x128x32xf32, #tpu.memory_space<vmem>> -> memref<1x5x128x32xf32, #tpu.memory_space<vmem>>
    %dma_start3A_83 = tpu.memref_squeeze %dma_start3A_82 : memref<1x5x128x32xf32, #tpu.memory_space<vmem>> -> memref<5x128x32xf32, #tpu.memory_space<vmem>>
    %dma_start3A_84 = arith.constant 0 : i32
    %dma_start3A_85 = arith.constant 0 : i32
    %dma_start3A_86 = tpu.memref_slice %dma_start3A_83[%dma_start3A_78, %dma_start3A_84, %dma_start3A_85] : memref<5x128x32xf32, #tpu.memory_space<vmem>> -> memref<1x128x32xf32, #tpu.memory_space<vmem>>
    %dma_start3A_87 = tpu.memref_squeeze %dma_start3A_86 : memref<1x128x32xf32, #tpu.memory_space<vmem>> -> memref<128x32xf32, #tpu.memory_space<vmem>>
    %dma_start3A_88 = arith.constant 0 : i32
    %dma_start3A_89 = tpu.memref_slice %arg6[%dma_start3A_76, %dma_start3A_88] : memref<200x128xi32, #tpu.memory_space<vmem>> -> memref<1x128xi32, #tpu.memory_space<vmem>>
    %dma_start3A_90 = tpu.memref_squeeze %dma_start3A_89 : memref<1x128xi32, #tpu.memory_space<vmem>> -> memref<128xi32, #tpu.memory_space<vmem>>
    %dma_start3A_91 = arith.constant 0 : i32
    %dma_start3A_92 = arith.constant 0 : i32
    %dma_start3A_93 = tpu.memref_slice %arg2[%dma_start3A_91, %dma_start3A_92] : memref<1007616x32xf32, #tpu.memory_space<hbm>> -> memref<1007616x32xf32, #tpu.memory_space<hbm>>
    tpu.enqueue_indirect_dma source(%dma_start3A_93 : memref<1007616x32xf32, #tpu.memory_space<hbm>>) target(%dma_start3A_87 : memref<128x32xf32, #tpu.memory_space<vmem>>) offsets(%dma_start3A_90 : memref<128xi32, #tpu.memory_space<vmem>>) semaphore(%arg9 : memref<!tpu.dma_semaphore, #tpu.memory_space<semaphore_mem>>)
    %dma_wait3A = arith.constant 0 : i32
    %dma_wait3A_94 = arith.constant 0 : i32
    %dma_wait3A_95 = arith.constant 0 : i32
    %dma_wait3A_96 = arith.constant 0 : i32
    %dma_wait3A_97 = arith.constant 0 : i32
    %dma_wait3A_98 = arith.constant 0 : i32
    %dma_wait3A_99 = tpu.memref_slice %arg8[%dma_wait3A_94, %dma_wait3A_96, %dma_wait3A_97, %dma_wait3A_98] : memref<2x5x128x32xf32, #tpu.memory_space<vmem>> -> memref<1x5x128x32xf32, #tpu.memory_space<vmem>>
    %dma_wait3A_100 = tpu.memref_squeeze %dma_wait3A_99 : memref<1x5x128x32xf32, #tpu.memory_space<vmem>> -> memref<5x128x32xf32, #tpu.memory_space<vmem>>
    %dma_wait3A_101 = arith.constant 0 : i32
    %dma_wait3A_102 = arith.constant 0 : i32
    %dma_wait3A_103 = tpu.memref_slice %dma_wait3A_100[%dma_wait3A_95, %dma_wait3A_101, %dma_wait3A_102] : memref<5x128x32xf32, #tpu.memory_space<vmem>> -> memref<1x128x32xf32, #tpu.memory_space<vmem>>
    %dma_wait3A_104 = tpu.memref_squeeze %dma_wait3A_103 : memref<1x128x32xf32, #tpu.memory_space<vmem>> -> memref<128x32xf32, #tpu.memory_space<vmem>>
    %dma_wait3A_105 = arith.constant 0 : i32
    %dma_wait3A_106 = tpu.memref_slice %arg6[%dma_wait3A, %dma_wait3A_105] : memref<200x128xi32, #tpu.memory_space<vmem>> -> memref<1x128xi32, #tpu.memory_space<vmem>>
    %dma_wait3A_107 = tpu.memref_squeeze %dma_wait3A_106 : memref<1x128xi32, #tpu.memory_space<vmem>> -> memref<128xi32, #tpu.memory_space<vmem>>
    %dma_wait3A_108 = arith.constant 0 : i32
    %dma_wait3A_109 = arith.constant 0 : i32
    %dma_wait3A_110 = tpu.memref_slice %arg2[%dma_wait3A_108, %dma_wait3A_109] : memref<1007616x32xf32, #tpu.memory_space<hbm>> -> memref<1007616x32xf32, #tpu.memory_space<hbm>>
    tpu.wait_indirect_dma semaphore(%arg9 : memref<!tpu.dma_semaphore, #tpu.memory_space<semaphore_mem>>) src(%dma_wait3A_110 : memref<1007616x32xf32, #tpu.memory_space<hbm>>) dst(%dma_wait3A_104 : memref<128x32xf32, #tpu.memory_space<vmem>>)
    %dma_wait3A_111 = arith.constant 1 : i32
    %dma_wait3A_112 = arith.constant 0 : i32
    %dma_wait3A_113 = arith.constant 1 : i32
    %dma_wait3A_114 = arith.constant 0 : i32
    %dma_wait3A_115 = arith.constant 0 : i32
    %dma_wait3A_116 = arith.constant 0 : i32
    %dma_wait3A_117 = tpu.memref_slice %arg8[%dma_wait3A_112, %dma_wait3A_114, %dma_wait3A_115, %dma_wait3A_116] : memref<2x5x128x32xf32, #tpu.memory_space<vmem>> -> memref<1x5x128x32xf32, #tpu.memory_space<vmem>>
    %dma_wait3A_118 = tpu.memref_squeeze %dma_wait3A_117 : memref<1x5x128x32xf32, #tpu.memory_space<vmem>> -> memref<5x128x32xf32, #tpu.memory_space<vmem>>
    %dma_wait3A_119 = arith.constant 0 : i32
    %dma_wait3A_120 = arith.constant 0 : i32
    %dma_wait3A_121 = tpu.memref_slice %dma_wait3A_118[%dma_wait3A_113, %dma_wait3A_119, %dma_wait3A_120] : memref<5x128x32xf32, #tpu.memory_space<vmem>> -> memref<1x128x32xf32, #tpu.memory_space<vmem>>
    %dma_wait3A_122 = tpu.memref_squeeze %dma_wait3A_121 : memref<1x128x32xf32, #tpu.memory_space<vmem>> -> memref<128x32xf32, #tpu.memory_space<vmem>>
    %dma_wait3A_123 = arith.constant 0 : i32
    %dma_wait3A_124 = tpu.memref_slice %arg6[%dma_wait3A_111, %dma_wait3A_123] : memref<200x128xi32, #tpu.memory_space<vmem>> -> memref<1x128xi32, #tpu.memory_space<vmem>>
    %dma_wait3A_125 = tpu.memref_squeeze %dma_wait3A_124 : memref<1x128xi32, #tpu.memory_space<vmem>> -> memref<128xi32, #tpu.memory_space<vmem>>
    %dma_wait3A_126 = arith.constant 0 : i32
    %dma_wait3A_127 = arith.constant 0 : i32
    %dma_wait3A_128 = tpu.memref_slice %arg2[%dma_wait3A_126, %dma_wait3A_127] : memref<1007616x32xf32, #tpu.memory_space<hbm>> -> memref<1007616x32xf32, #tpu.memory_space<hbm>>
    tpu.wait_indirect_dma semaphore(%arg9 : memref<!tpu.dma_semaphore, #tpu.memory_space<semaphore_mem>>) src(%dma_wait3A_128 : memref<1007616x32xf32, #tpu.memory_space<hbm>>) dst(%dma_wait3A_122 : memref<128x32xf32, #tpu.memory_space<vmem>>)
    %dma_wait3A_129 = arith.constant 2 : i32
    %dma_wait3A_130 = arith.constant 0 : i32
    %dma_wait3A_131 = arith.constant 2 : i32
    %dma_wait3A_132 = arith.constant 0 : i32
    %dma_wait3A_133 = arith.constant 0 : i32
    %dma_wait3A_134 = arith.constant 0 : i32
    %dma_wait3A_135 = tpu.memref_slice %arg8[%dma_wait3A_130, %dma_wait3A_132, %dma_wait3A_133, %dma_wait3A_134] : memref<2x5x128x32xf32, #tpu.memory_space<vmem>> -> memref<1x5x128x32xf32, #tpu.memory_space<vmem>>
    %dma_wait3A_136 = tpu.memref_squeeze %dma_wait3A_135 : memref<1x5x128x32xf32, #tpu.memory_space<vmem>> -> memref<5x128x32xf32, #tpu.memory_space<vmem>>
    %dma_wait3A_137 = arith.constant 0 : i32
    %dma_wait3A_138 = arith.constant 0 : i32
    %dma_wait3A_139 = tpu.memref_slice %dma_wait3A_136[%dma_wait3A_131, %dma_wait3A_137, %dma_wait3A_138] : memref<5x128x32xf32, #tpu.memory_space<vmem>> -> memref<1x128x32xf32, #tpu.memory_space<vmem>>
    %dma_wait3A_140 = tpu.memref_squeeze %dma_wait3A_139 : memref<1x128x32xf32, #tpu.memory_space<vmem>> -> memref<128x32xf32, #tpu.memory_space<vmem>>
    %dma_wait3A_141 = arith.constant 0 : i32
    %dma_wait3A_142 = tpu.memref_slice %arg6[%dma_wait3A_129, %dma_wait3A_141] : memref<200x128xi32, #tpu.memory_space<vmem>> -> memref<1x128xi32, #tpu.memory_space<vmem>>
    %dma_wait3A_143 = tpu.memref_squeeze %dma_wait3A_142 : memref<1x128xi32, #tpu.memory_space<vmem>> -> memref<128xi32, #tpu.memory_space<vmem>>
    %dma_wait3A_144 = arith.constant 0 : i32
    %dma_wait3A_145 = arith.constant 0 : i32
    %dma_wait3A_146 = tpu.memref_slice %arg2[%dma_wait3A_144, %dma_wait3A_145] : memref<1007616x32xf32, #tpu.memory_space<hbm>> -> memref<1007616x32xf32, #tpu.memory_space<hbm>>
    tpu.wait_indirect_dma semaphore(%arg9 : memref<!tpu.dma_semaphore, #tpu.memory_space<semaphore_mem>>) src(%dma_wait3A_146 : memref<1007616x32xf32, #tpu.memory_space<hbm>>) dst(%dma_wait3A_140 : memref<128x32xf32, #tpu.memory_space<vmem>>)
    %dma_wait3A_147 = arith.constant 3 : i32
    %dma_wait3A_148 = arith.constant 0 : i32
    %dma_wait3A_149 = arith.constant 3 : i32
    %dma_wait3A_150 = arith.constant 0 : i32
    %dma_wait3A_151 = arith.constant 0 : i32
    %dma_wait3A_152 = arith.constant 0 : i32
    %dma_wait3A_153 = tpu.memref_slice %arg8[%dma_wait3A_148, %dma_wait3A_150, %dma_wait3A_151, %dma_wait3A_152] : memref<2x5x128x32xf32, #tpu.memory_space<vmem>> -> memref<1x5x128x32xf32, #tpu.memory_space<vmem>>
    %dma_wait3A_154 = tpu.memref_squeeze %dma_wait3A_153 : memref<1x5x128x32xf32, #tpu.memory_space<vmem>> -> memref<5x128x32xf32, #tpu.memory_space<vmem>>
    %dma_wait3A_155 = arith.constant 0 : i32
    %dma_wait3A_156 = arith.constant 0 : i32
    %dma_wait3A_157 = tpu.memref_slice %dma_wait3A_154[%dma_wait3A_149, %dma_wait3A_155, %dma_wait3A_156] : memref<5x128x32xf32, #tpu.memory_space<vmem>> -> memref<1x128x32xf32, #tpu.memory_space<vmem>>
    %dma_wait3A_158 = tpu.memref_squeeze %dma_wait3A_157 : memref<1x128x32xf32, #tpu.memory_space<vmem>> -> memref<128x32xf32, #tpu.memory_space<vmem>>
    %dma_wait3A_159 = arith.constant 0 : i32
    %dma_wait3A_160 = tpu.memref_slice %arg6[%dma_wait3A_147, %dma_wait3A_159] : memref<200x128xi32, #tpu.memory_space<vmem>> -> memref<1x128xi32, #tpu.memory_space<vmem>>
    %dma_wait3A_161 = tpu.memref_squeeze %dma_wait3A_160 : memref<1x128xi32, #tpu.memory_space<vmem>> -> memref<128xi32, #tpu.memory_space<vmem>>
    %dma_wait3A_162 = arith.constant 0 : i32
    %dma_wait3A_163 = arith.constant 0 : i32
    %dma_wait3A_164 = tpu.memref_slice %arg2[%dma_wait3A_162, %dma_wait3A_163] : memref<1007616x32xf32, #tpu.memory_space<hbm>> -> memref<1007616x32xf32, #tpu.memory_space<hbm>>
    tpu.wait_indirect_dma semaphore(%arg9 : memref<!tpu.dma_semaphore, #tpu.memory_space<semaphore_mem>>) src(%dma_wait3A_164 : memref<1007616x32xf32, #tpu.memory_space<hbm>>) dst(%dma_wait3A_158 : memref<128x32xf32, #tpu.memory_space<vmem>>)
    %dma_wait3A_165 = arith.constant 4 : i32
    %dma_wait3A_166 = arith.constant 0 : i32
    %dma_wait3A_167 = arith.constant 4 : i32
    %dma_wait3A_168 = arith.constant 0 : i32
    %dma_wait3A_169 = arith.constant 0 : i32
    %dma_wait3A_170 = arith.constant 0 : i32
    %dma_wait3A_171 = tpu.memref_slice %arg8[%dma_wait3A_166, %dma_wait3A_168, %dma_wait3A_169, %dma_wait3A_170] : memref<2x5x128x32xf32, #tpu.memory_space<vmem>> -> memref<1x5x128x32xf32, #tpu.memory_space<vmem>>
    %dma_wait3A_172 = tpu.memref_squeeze %dma_wait3A_171 : memref<1x5x128x32xf32, #tpu.memory_space<vmem>> -> memref<5x128x32xf32, #tpu.memory_space<vmem>>
    %dma_wait3A_173 = arith.constant 0 : i32
    %dma_wait3A_174 = arith.constant 0 : i32
    %dma_wait3A_175 = tpu.memref_slice %dma_wait3A_172[%dma_wait3A_167, %dma_wait3A_173, %dma_wait3A_174] : memref<5x128x32xf32, #tpu.memory_space<vmem>> -> memref<1x128x32xf32, #tpu.memory_space<vmem>>
    %dma_wait3A_176 = tpu.memref_squeeze %dma_wait3A_175 : memref<1x128x32xf32, #tpu.memory_space<vmem>> -> memref<128x32xf32, #tpu.memory_space<vmem>>
    %dma_wait3A_177 = arith.constant 0 : i32
    %dma_wait3A_178 = tpu.memref_slice %arg6[%dma_wait3A_165, %dma_wait3A_177] : memref<200x128xi32, #tpu.memory_space<vmem>> -> memref<1x128xi32, #tpu.memory_space<vmem>>
    %dma_wait3A_179 = tpu.memref_squeeze %dma_wait3A_178 : memref<1x128xi32, #tpu.memory_space<vmem>> -> memref<128xi32, #tpu.memory_space<vmem>>
    %dma_wait3A_180 = arith.constant 0 : i32
    %dma_wait3A_181 = arith.constant 0 : i32
    %dma_wait3A_182 = tpu.memref_slice %arg2[%dma_wait3A_180, %dma_wait3A_181] : memref<1007616x32xf32, #tpu.memory_space<hbm>> -> memref<1007616x32xf32, #tpu.memory_space<hbm>>
    tpu.wait_indirect_dma semaphore(%arg9 : memref<!tpu.dma_semaphore, #tpu.memory_space<semaphore_mem>>) src(%dma_wait3A_182 : memref<1007616x32xf32, #tpu.memory_space<hbm>>) dst(%dma_wait3A_176 : memref<128x32xf32, #tpu.memory_space<vmem>>)
    %dma_start3A_183 = arith.constant 0 : i32
    %dma_start3A_184 = arith.constant 0 : i32
    %dma_start3A_185 = arith.constant 0 : i32
    %dma_start3A_186 = arith.constant 0 : i32
    %dma_start3A_187 = arith.constant 0 : i32
    %dma_start3A_188 = arith.constant 0 : i32
    %dma_start3A_189 = tpu.memref_slice %arg8[%dma_start3A_183, %dma_start3A_186, %dma_start3A_187, %dma_start3A_188] : memref<2x5x128x32xf32, #tpu.memory_space<vmem>> -> memref<1x5x128x32xf32, #tpu.memory_space<vmem>>
    %dma_start3A_190 = tpu.memref_squeeze %dma_start3A_189 : memref<1x5x128x32xf32, #tpu.memory_space<vmem>> -> memref<5x128x32xf32, #tpu.memory_space<vmem>>
    %dma_start3A_191 = arith.constant 0 : i32
    %dma_start3A_192 = arith.constant 0 : i32
    %dma_start3A_193 = tpu.memref_slice %dma_start3A_190[%dma_start3A_184, %dma_start3A_191, %dma_start3A_192] : memref<5x128x32xf32, #tpu.memory_space<vmem>> -> memref<1x128x32xf32, #tpu.memory_space<vmem>>
    %dma_start3A_194 = tpu.memref_squeeze %dma_start3A_193 : memref<1x128x32xf32, #tpu.memory_space<vmem>> -> memref<128x32xf32, #tpu.memory_space<vmem>>
    %dma_start3A_195 = arith.constant 0 : i32
    %dma_start3A_196 = tpu.memref_slice %arg7[%dma_start3A_185, %dma_start3A_195] : memref<200x128xi32, #tpu.memory_space<vmem>> -> memref<1x128xi32, #tpu.memory_space<vmem>>
    %dma_start3A_197 = tpu.memref_squeeze %dma_start3A_196 : memref<1x128xi32, #tpu.memory_space<vmem>> -> memref<128xi32, #tpu.memory_space<vmem>>
    %dma_start3A_198 = arith.constant 0 : i32
    %dma_start3A_199 = arith.constant 0 : i32
    %dma_start3A_200 = tpu.memref_slice %arg5[%dma_start3A_198, %dma_start3A_199] : memref<819200x32xf32, #tpu.memory_space<hbm>> -> memref<819200x32xf32, #tpu.memory_space<hbm>>
    tpu.enqueue_indirect_dma source(%dma_start3A_194 : memref<128x32xf32, #tpu.memory_space<vmem>>) target(%dma_start3A_200 : memref<819200x32xf32, #tpu.memory_space<hbm>>) offsets(%dma_start3A_197 : memref<128xi32, #tpu.memory_space<vmem>>) semaphore(%arg11 : memref<!tpu.dma_semaphore, #tpu.memory_space<semaphore_mem>>)
    %dma_start3A_201 = arith.constant 0 : i32
    %dma_start3A_202 = arith.constant 1 : i32
    %dma_start3A_203 = arith.constant 1 : i32
    %dma_start3A_204 = arith.constant 0 : i32
    %dma_start3A_205 = arith.constant 0 : i32
    %dma_start3A_206 = arith.constant 0 : i32
    %dma_start3A_207 = tpu.memref_slice %arg8[%dma_start3A_201, %dma_start3A_204, %dma_start3A_205, %dma_start3A_206] : memref<2x5x128x32xf32, #tpu.memory_space<vmem>> -> memref<1x5x128x32xf32, #tpu.memory_space<vmem>>
    %dma_start3A_208 = tpu.memref_squeeze %dma_start3A_207 : memref<1x5x128x32xf32, #tpu.memory_space<vmem>> -> memref<5x128x32xf32, #tpu.memory_space<vmem>>
    %dma_start3A_209 = arith.constant 0 : i32
    %dma_start3A_210 = arith.constant 0 : i32
    %dma_start3A_211 = tpu.memref_slice %dma_start3A_208[%dma_start3A_202, %dma_start3A_209, %dma_start3A_210] : memref<5x128x32xf32, #tpu.memory_space<vmem>> -> memref<1x128x32xf32, #tpu.memory_space<vmem>>
    %dma_start3A_212 = tpu.memref_squeeze %dma_start3A_211 : memref<1x128x32xf32, #tpu.memory_space<vmem>> -> memref<128x32xf32, #tpu.memory_space<vmem>>
    %dma_start3A_213 = arith.constant 0 : i32
    %dma_start3A_214 = tpu.memref_slice %arg7[%dma_start3A_203, %dma_start3A_213] : memref<200x128xi32, #tpu.memory_space<vmem>> -> memref<1x128xi32, #tpu.memory_space<vmem>>
    %dma_start3A_215 = tpu.memref_squeeze %dma_start3A_214 : memref<1x128xi32, #tpu.memory_space<vmem>> -> memref<128xi32, #tpu.memory_space<vmem>>
    %dma_start3A_216 = arith.constant 0 : i32
    %dma_start3A_217 = arith.constant 0 : i32
    %dma_start3A_218 = tpu.memref_slice %arg5[%dma_start3A_216, %dma_start3A_217] : memref<819200x32xf32, #tpu.memory_space<hbm>> -> memref<819200x32xf32, #tpu.memory_space<hbm>>
    tpu.enqueue_indirect_dma source(%dma_start3A_212 : memref<128x32xf32, #tpu.memory_space<vmem>>) target(%dma_start3A_218 : memref<819200x32xf32, #tpu.memory_space<hbm>>) offsets(%dma_start3A_215 : memref<128xi32, #tpu.memory_space<vmem>>) semaphore(%arg11 : memref<!tpu.dma_semaphore, #tpu.memory_space<semaphore_mem>>)
    %dma_start3A_219 = arith.constant 0 : i32
    %dma_start3A_220 = arith.constant 2 : i32
    %dma_start3A_221 = arith.constant 2 : i32
    %dma_start3A_222 = arith.constant 0 : i32
    %dma_start3A_223 = arith.constant 0 : i32
    %dma_start3A_224 = arith.constant 0 : i32
    %dma_start3A_225 = tpu.memref_slice %arg8[%dma_start3A_219, %dma_start3A_222, %dma_start3A_223, %dma_start3A_224] : memref<2x5x128x32xf32, #tpu.memory_space<vmem>> -> memref<1x5x128x32xf32, #tpu.memory_space<vmem>>
    %dma_start3A_226 = tpu.memref_squeeze %dma_start3A_225 : memref<1x5x128x32xf32, #tpu.memory_space<vmem>> -> memref<5x128x32xf32, #tpu.memory_space<vmem>>
    %dma_start3A_227 = arith.constant 0 : i32
    %dma_start3A_228 = arith.constant 0 : i32
    %dma_start3A_229 = tpu.memref_slice %dma_start3A_226[%dma_start3A_220, %dma_start3A_227, %dma_start3A_228] : memref<5x128x32xf32, #tpu.memory_space<vmem>> -> memref<1x128x32xf32, #tpu.memory_space<vmem>>
    %dma_start3A_230 = tpu.memref_squeeze %dma_start3A_229 : memref<1x128x32xf32, #tpu.memory_space<vmem>> -> memref<128x32xf32, #tpu.memory_space<vmem>>
    %dma_start3A_231 = arith.constant 0 : i32
    %dma_start3A_232 = tpu.memref_slice %arg7[%dma_start3A_221, %dma_start3A_231] : memref<200x128xi32, #tpu.memory_space<vmem>> -> memref<1x128xi32, #tpu.memory_space<vmem>>
    %dma_start3A_233 = tpu.memref_squeeze %dma_start3A_232 : memref<1x128xi32, #tpu.memory_space<vmem>> -> memref<128xi32, #tpu.memory_space<vmem>>
    %dma_start3A_234 = arith.constant 0 : i32
    %dma_start3A_235 = arith.constant 0 : i32
    %dma_start3A_236 = tpu.memref_slice %arg5[%dma_start3A_234, %dma_start3A_235] : memref<819200x32xf32, #tpu.memory_space<hbm>> -> memref<819200x32xf32, #tpu.memory_space<hbm>>
    tpu.enqueue_indirect_dma source(%dma_start3A_230 : memref<128x32xf32, #tpu.memory_space<vmem>>) target(%dma_start3A_236 : memref<819200x32xf32, #tpu.memory_space<hbm>>) offsets(%dma_start3A_233 : memref<128xi32, #tpu.memory_space<vmem>>) semaphore(%arg11 : memref<!tpu.dma_semaphore, #tpu.memory_space<semaphore_mem>>)
    %dma_start3A_237 = arith.constant 0 : i32
    %dma_start3A_238 = arith.constant 3 : i32
    %dma_start3A_239 = arith.constant 3 : i32
    %dma_start3A_240 = arith.constant 0 : i32
    %dma_start3A_241 = arith.constant 0 : i32
    %dma_start3A_242 = arith.constant 0 : i32
    %dma_start3A_243 = tpu.memref_slice %arg8[%dma_start3A_237, %dma_start3A_240, %dma_start3A_241, %dma_start3A_242] : memref<2x5x128x32xf32, #tpu.memory_space<vmem>> -> memref<1x5x128x32xf32, #tpu.memory_space<vmem>>
    %dma_start3A_244 = tpu.memref_squeeze %dma_start3A_243 : memref<1x5x128x32xf32, #tpu.memory_space<vmem>> -> memref<5x128x32xf32, #tpu.memory_space<vmem>>
    %dma_start3A_245 = arith.constant 0 : i32
    %dma_start3A_246 = arith.constant 0 : i32
    %dma_start3A_247 = tpu.memref_slice %dma_start3A_244[%dma_start3A_238, %dma_start3A_245, %dma_start3A_246] : memref<5x128x32xf32, #tpu.memory_space<vmem>> -> memref<1x128x32xf32, #tpu.memory_space<vmem>>
    %dma_start3A_248 = tpu.memref_squeeze %dma_start3A_247 : memref<1x128x32xf32, #tpu.memory_space<vmem>> -> memref<128x32xf32, #tpu.memory_space<vmem>>
    %dma_start3A_249 = arith.constant 0 : i32
    %dma_start3A_250 = tpu.memref_slice %arg7[%dma_start3A_239, %dma_start3A_249] : memref<200x128xi32, #tpu.memory_space<vmem>> -> memref<1x128xi32, #tpu.memory_space<vmem>>
    %dma_start3A_251 = tpu.memref_squeeze %dma_start3A_250 : memref<1x128xi32, #tpu.memory_space<vmem>> -> memref<128xi32, #tpu.memory_space<vmem>>
    %dma_start3A_252 = arith.constant 0 : i32
    %dma_start3A_253 = arith.constant 0 : i32
    %dma_start3A_254 = tpu.memref_slice %arg5[%dma_start3A_252, %dma_start3A_253] : memref<819200x32xf32, #tpu.memory_space<hbm>> -> memref<819200x32xf32, #tpu.memory_space<hbm>>
    tpu.enqueue_indirect_dma source(%dma_start3A_248 : memref<128x32xf32, #tpu.memory_space<vmem>>) target(%dma_start3A_254 : memref<819200x32xf32, #tpu.memory_space<hbm>>) offsets(%dma_start3A_251 : memref<128xi32, #tpu.memory_space<vmem>>) semaphore(%arg11 : memref<!tpu.dma_semaphore, #tpu.memory_space<semaphore_mem>>)
    %dma_start3A_255 = arith.constant 0 : i32
    %dma_start3A_256 = arith.constant 4 : i32
    %dma_start3A_257 = arith.constant 4 : i32
    %dma_start3A_258 = arith.constant 0 : i32
    %dma_start3A_259 = arith.constant 0 : i32
    %dma_start3A_260 = arith.constant 0 : i32
    %dma_start3A_261 = tpu.memref_slice %arg8[%dma_start3A_255, %dma_start3A_258, %dma_start3A_259, %dma_start3A_260] : memref<2x5x128x32xf32, #tpu.memory_space<vmem>> -> memref<1x5x128x32xf32, #tpu.memory_space<vmem>>
    %dma_start3A_262 = tpu.memref_squeeze %dma_start3A_261 : memref<1x5x128x32xf32, #tpu.memory_space<vmem>> -> memref<5x128x32xf32, #tpu.memory_space<vmem>>
    %dma_start3A_263 = arith.constant 0 : i32
    %dma_start3A_264 = arith.constant 0 : i32
    %dma_start3A_265 = tpu.memref_slice %dma_start3A_262[%dma_start3A_256, %dma_start3A_263, %dma_start3A_264] : memref<5x128x32xf32, #tpu.memory_space<vmem>> -> memref<1x128x32xf32, #tpu.memory_space<vmem>>
    %dma_start3A_266 = tpu.memref_squeeze %dma_start3A_265 : memref<1x128x32xf32, #tpu.memory_space<vmem>> -> memref<128x32xf32, #tpu.memory_space<vmem>>
    %dma_start3A_267 = arith.constant 0 : i32
    %dma_start3A_268 = tpu.memref_slice %arg7[%dma_start3A_257, %dma_start3A_267] : memref<200x128xi32, #tpu.memory_space<vmem>> -> memref<1x128xi32, #tpu.memory_space<vmem>>
    %dma_start3A_269 = tpu.memref_squeeze %dma_start3A_268 : memref<1x128xi32, #tpu.memory_space<vmem>> -> memref<128xi32, #tpu.memory_space<vmem>>
    %dma_start3A_270 = arith.constant 0 : i32
    %dma_start3A_271 = arith.constant 0 : i32
    %dma_start3A_272 = tpu.memref_slice %arg5[%dma_start3A_270, %dma_start3A_271] : memref<819200x32xf32, #tpu.memory_space<hbm>> -> memref<819200x32xf32, #tpu.memory_space<hbm>>
    tpu.enqueue_indirect_dma source(%dma_start3A_266 : memref<128x32xf32, #tpu.memory_space<vmem>>) target(%dma_start3A_272 : memref<819200x32xf32, #tpu.memory_space<hbm>>) offsets(%dma_start3A_269 : memref<128xi32, #tpu.memory_space<vmem>>) semaphore(%arg11 : memref<!tpu.dma_semaphore, #tpu.memory_space<semaphore_mem>>)
    %dma_start3A_273 = arith.constant 5 : i32
    %dma_start3A_274 = arith.constant 1 : i32
    %dma_start3A_275 = arith.constant 0 : i32
    %dma_start3A_276 = arith.constant 0 : i32
    %dma_start3A_277 = arith.constant 0 : i32
    %dma_start3A_278 = arith.constant 0 : i32
    %dma_start3A_279 = tpu.memref_slice %arg8[%dma_start3A_274, %dma_start3A_276, %dma_start3A_277, %dma_start3A_278] : memref<2x5x128x32xf32, #tpu.memory_space<vmem>> -> memref<1x5x128x32xf32, #tpu.memory_space<vmem>>
    %dma_start3A_280 = tpu.memref_squeeze %dma_start3A_279 : memref<1x5x128x32xf32, #tpu.memory_space<vmem>> -> memref<5x128x32xf32, #tpu.memory_space<vmem>>
    %dma_start3A_281 = arith.constant 0 : i32
    %dma_start3A_282 = arith.constant 0 : i32
    %dma_start3A_283 = tpu.memref_slice %dma_start3A_280[%dma_start3A_275, %dma_start3A_281, %dma_start3A_282] : memref<5x128x32xf32, #tpu.memory_space<vmem>> -> memref<1x128x32xf32, #tpu.memory_space<vmem>>
    %dma_start3A_284 = tpu.memref_squeeze %dma_start3A_283 : memref<1x128x32xf32, #tpu.memory_space<vmem>> -> memref<128x32xf32, #tpu.memory_space<vmem>>
    %dma_start3A_285 = arith.constant 0 : i32
    %dma_start3A_286 = tpu.memref_slice %arg6[%dma_start3A_273, %dma_start3A_285] : memref<200x128xi32, #tpu.memory_space<vmem>> -> memref<1x128xi32, #tpu.memory_space<vmem>>
    %dma_start3A_287 = tpu.memref_squeeze %dma_start3A_286 : memref<1x128xi32, #tpu.memory_space<vmem>> -> memref<128xi32, #tpu.memory_space<vmem>>
    %dma_start3A_288 = arith.constant 0 : i32
    %dma_start3A_289 = arith.constant 0 : i32
    %dma_start3A_290 = tpu.memref_slice %arg2[%dma_start3A_288, %dma_start3A_289] : memref<1007616x32xf32, #tpu.memory_space<hbm>> -> memref<1007616x32xf32, #tpu.memory_space<hbm>>
    tpu.enqueue_indirect_dma source(%dma_start3A_290 : memref<1007616x32xf32, #tpu.memory_space<hbm>>) target(%dma_start3A_284 : memref<128x32xf32, #tpu.memory_space<vmem>>) offsets(%dma_start3A_287 : memref<128xi32, #tpu.memory_space<vmem>>) semaphore(%arg10 : memref<!tpu.dma_semaphore, #tpu.memory_space<semaphore_mem>>)
    %dma_start3A_291 = arith.constant 6 : i32
    %dma_start3A_292 = arith.constant 1 : i32
    %dma_start3A_293 = arith.constant 1 : i32
    %dma_start3A_294 = arith.constant 0 : i32
    %dma_start3A_295 = arith.constant 0 : i32
    %dma_start3A_296 = arith.constant 0 : i32
    %dma_start3A_297 = tpu.memref_slice %arg8[%dma_start3A_292, %dma_start3A_294, %dma_start3A_295, %dma_start3A_296] : memref<2x5x128x32xf32, #tpu.memory_space<vmem>> -> memref<1x5x128x32xf32, #tpu.memory_space<vmem>>
    %dma_start3A_298 = tpu.memref_squeeze %dma_start3A_297 : memref<1x5x128x32xf32, #tpu.memory_space<vmem>> -> memref<5x128x32xf32, #tpu.memory_space<vmem>>
    %dma_start3A_299 = arith.constant 0 : i32
    %dma_start3A_300 = arith.constant 0 : i32
    %dma_start3A_301 = tpu.memref_slice %dma_start3A_298[%dma_start3A_293, %dma_start3A_299, %dma_start3A_300] : memref<5x128x32xf32, #tpu.memory_space<vmem>> -> memref<1x128x32xf32, #tpu.memory_space<vmem>>
    %dma_start3A_302 = tpu.memref_squeeze %dma_start3A_301 : memref<1x128x32xf32, #tpu.memory_space<vmem>> -> memref<128x32xf32, #tpu.memory_space<vmem>>
    %dma_start3A_303 = arith.constant 0 : i32
    %dma_start3A_304 = tpu.memref_slice %arg6[%dma_start3A_291, %dma_start3A_303] : memref<200x128xi32, #tpu.memory_space<vmem>> -> memref<1x128xi32, #tpu.memory_space<vmem>>
    %dma_start3A_305 = tpu.memref_squeeze %dma_start3A_304 : memref<1x128xi32, #tpu.memory_space<vmem>> -> memref<128xi32, #tpu.memory_space<vmem>>
    %dma_start3A_306 = arith.constant 0 : i32
    %dma_start3A_307 = arith.constant 0 : i32
    %dma_start3A_308 = tpu.memref_slice %arg2[%dma_start3A_306, %dma_start3A_307] : memref<1007616x32xf32, #tpu.memory_space<hbm>> -> memref<1007616x32xf32, #tpu.memory_space<hbm>>
    tpu.enqueue_indirect_dma source(%dma_start3A_308 : memref<1007616x32xf32, #tpu.memory_space<hbm>>) target(%dma_start3A_302 : memref<128x32xf32, #tpu.memory_space<vmem>>) offsets(%dma_start3A_305 : memref<128xi32, #tpu.memory_space<vmem>>) semaphore(%arg10 : memref<!tpu.dma_semaphore, #tpu.memory_space<semaphore_mem>>)
    %dma_start3A_309 = arith.constant 7 : i32
    %dma_start3A_310 = arith.constant 1 : i32
    %dma_start3A_311 = arith.constant 2 : i32
    %dma_start3A_312 = arith.constant 0 : i32
    %dma_start3A_313 = arith.constant 0 : i32
    %dma_start3A_314 = arith.constant 0 : i32
    %dma_start3A_315 = tpu.memref_slice %arg8[%dma_start3A_310, %dma_start3A_312, %dma_start3A_313, %dma_start3A_314] : memref<2x5x128x32xf32, #tpu.memory_space<vmem>> -> memref<1x5x128x32xf32, #tpu.memory_space<vmem>>
    %dma_start3A_316 = tpu.memref_squeeze %dma_start3A_315 : memref<1x5x128x32xf32, #tpu.memory_space<vmem>> -> memref<5x128x32xf32, #tpu.memory_space<vmem>>
    %dma_start3A_317 = arith.constant 0 : i32
    %dma_start3A_318 = arith.constant 0 : i32
    %dma_start3A_319 = tpu.memref_slice %dma_start3A_316[%dma_start3A_311, %dma_start3A_317, %dma_start3A_318] : memref<5x128x32xf32, #tpu.memory_space<vmem>> -> memref<1x128x32xf32, #tpu.memory_space<vmem>>
    %dma_start3A_320 = tpu.memref_squeeze %dma_start3A_319 : memref<1x128x32xf32, #tpu.memory_space<vmem>> -> memref<128x32xf32, #tpu.memory_space<vmem>>
    %dma_start3A_321 = arith.constant 0 : i32
    %dma_start3A_322 = tpu.memref_slice %arg6[%dma_start3A_309, %dma_start3A_321] : memref<200x128xi32, #tpu.memory_space<vmem>> -> memref<1x128xi32, #tpu.memory_space<vmem>>
    %dma_start3A_323 = tpu.memref_squeeze %dma_start3A_322 : memref<1x128xi32, #tpu.memory_space<vmem>> -> memref<128xi32, #tpu.memory_space<vmem>>
    %dma_start3A_324 = arith.constant 0 : i32
    %dma_start3A_325 = arith.constant 0 : i32
    %dma_start3A_326 = tpu.memref_slice %arg2[%dma_start3A_324, %dma_start3A_325] : memref<1007616x32xf32, #tpu.memory_space<hbm>> -> memref<1007616x32xf32, #tpu.memory_space<hbm>>
    tpu.enqueue_indirect_dma source(%dma_start3A_326 : memref<1007616x32xf32, #tpu.memory_space<hbm>>) target(%dma_start3A_320 : memref<128x32xf32, #tpu.memory_space<vmem>>) offsets(%dma_start3A_323 : memref<128xi32, #tpu.memory_space<vmem>>) semaphore(%arg10 : memref<!tpu.dma_semaphore, #tpu.memory_space<semaphore_mem>>)
    %dma_start3A_327 = arith.constant 8 : i32
    %dma_start3A_328 = arith.constant 1 : i32
    %dma_start3A_329 = arith.constant 3 : i32
    %dma_start3A_330 = arith.constant 0 : i32
    %dma_start3A_331 = arith.constant 0 : i32
    %dma_start3A_332 = arith.constant 0 : i32
    %dma_start3A_333 = tpu.memref_slice %arg8[%dma_start3A_328, %dma_start3A_330, %dma_start3A_331, %dma_start3A_332] : memref<2x5x128x32xf32, #tpu.memory_space<vmem>> -> memref<1x5x128x32xf32, #tpu.memory_space<vmem>>
    %dma_start3A_334 = tpu.memref_squeeze %dma_start3A_333 : memref<1x5x128x32xf32, #tpu.memory_space<vmem>> -> memref<5x128x32xf32, #tpu.memory_space<vmem>>
    %dma_start3A_335 = arith.constant 0 : i32
    %dma_start3A_336 = arith.constant 0 : i32
    %dma_start3A_337 = tpu.memref_slice %dma_start3A_334[%dma_start3A_329, %dma_start3A_335, %dma_start3A_336] : memref<5x128x32xf32, #tpu.memory_space<vmem>> -> memref<1x128x32xf32, #tpu.memory_space<vmem>>
    %dma_start3A_338 = tpu.memref_squeeze %dma_start3A_337 : memref<1x128x32xf32, #tpu.memory_space<vmem>> -> memref<128x32xf32, #tpu.memory_space<vmem>>
    %dma_start3A_339 = arith.constant 0 : i32
    %dma_start3A_340 = tpu.memref_slice %arg6[%dma_start3A_327, %dma_start3A_339] : memref<200x128xi32, #tpu.memory_space<vmem>> -> memref<1x128xi32, #tpu.memory_space<vmem>>
    %dma_start3A_341 = tpu.memref_squeeze %dma_start3A_340 : memref<1x128xi32, #tpu.memory_space<vmem>> -> memref<128xi32, #tpu.memory_space<vmem>>
    %dma_start3A_342 = arith.constant 0 : i32
    %dma_start3A_343 = arith.constant 0 : i32
    %dma_start3A_344 = tpu.memref_slice %arg2[%dma_start3A_342, %dma_start3A_343] : memref<1007616x32xf32, #tpu.memory_space<hbm>> -> memref<1007616x32xf32, #tpu.memory_space<hbm>>
    tpu.enqueue_indirect_dma source(%dma_start3A_344 : memref<1007616x32xf32, #tpu.memory_space<hbm>>) target(%dma_start3A_338 : memref<128x32xf32, #tpu.memory_space<vmem>>) offsets(%dma_start3A_341 : memref<128xi32, #tpu.memory_space<vmem>>) semaphore(%arg10 : memref<!tpu.dma_semaphore, #tpu.memory_space<semaphore_mem>>)
    %dma_start3A_345 = arith.constant 9 : i32
    %dma_start3A_346 = arith.constant 1 : i32
    %dma_start3A_347 = arith.constant 4 : i32
    %dma_start3A_348 = arith.constant 0 : i32
    %dma_start3A_349 = arith.constant 0 : i32
    %dma_start3A_350 = arith.constant 0 : i32
    %dma_start3A_351 = tpu.memref_slice %arg8[%dma_start3A_346, %dma_start3A_348, %dma_start3A_349, %dma_start3A_350] : memref<2x5x128x32xf32, #tpu.memory_space<vmem>> -> memref<1x5x128x32xf32, #tpu.memory_space<vmem>>
    %dma_start3A_352 = tpu.memref_squeeze %dma_start3A_351 : memref<1x5x128x32xf32, #tpu.memory_space<vmem>> -> memref<5x128x32xf32, #tpu.memory_space<vmem>>
    %dma_start3A_353 = arith.constant 0 : i32
    %dma_start3A_354 = arith.constant 0 : i32
    %dma_start3A_355 = tpu.memref_slice %dma_start3A_352[%dma_start3A_347, %dma_start3A_353, %dma_start3A_354] : memref<5x128x32xf32, #tpu.memory_space<vmem>> -> memref<1x128x32xf32, #tpu.memory_space<vmem>>
    %dma_start3A_356 = tpu.memref_squeeze %dma_start3A_355 : memref<1x128x32xf32, #tpu.memory_space<vmem>> -> memref<128x32xf32, #tpu.memory_space<vmem>>
    %dma_start3A_357 = arith.constant 0 : i32
    %dma_start3A_358 = tpu.memref_slice %arg6[%dma_start3A_345, %dma_start3A_357] : memref<200x128xi32, #tpu.memory_space<vmem>> -> memref<1x128xi32, #tpu.memory_space<vmem>>
    %dma_start3A_359 = tpu.memref_squeeze %dma_start3A_358 : memref<1x128xi32, #tpu.memory_space<vmem>> -> memref<128xi32, #tpu.memory_space<vmem>>
    %dma_start3A_360 = arith.constant 0 : i32
    %dma_start3A_361 = arith.constant 0 : i32
    %dma_start3A_362 = tpu.memref_slice %arg2[%dma_start3A_360, %dma_start3A_361] : memref<1007616x32xf32, #tpu.memory_space<hbm>> -> memref<1007616x32xf32, #tpu.memory_space<hbm>>
    tpu.enqueue_indirect_dma source(%dma_start3A_362 : memref<1007616x32xf32, #tpu.memory_space<hbm>>) target(%dma_start3A_356 : memref<128x32xf32, #tpu.memory_space<vmem>>) offsets(%dma_start3A_359 : memref<128xi32, #tpu.memory_space<vmem>>) semaphore(%arg10 : memref<!tpu.dma_semaphore, #tpu.memory_space<semaphore_mem>>)
    %dma_wait3A_363 = arith.constant 5 : i32
    %dma_wait3A_364 = arith.constant 1 : i32
    %dma_wait3A_365 = arith.constant 0 : i32
    %dma_wait3A_366 = arith.constant 0 : i32
    %dma_wait3A_367 = arith.constant 0 : i32
    %dma_wait3A_368 = arith.constant 0 : i32
    %dma_wait3A_369 = tpu.memref_slice %arg8[%dma_wait3A_364, %dma_wait3A_366, %dma_wait3A_367, %dma_wait3A_368] : memref<2x5x128x32xf32, #tpu.memory_space<vmem>> -> memref<1x5x128x32xf32, #tpu.memory_space<vmem>>
    %dma_wait3A_370 = tpu.memref_squeeze %dma_wait3A_369 : memref<1x5x128x32xf32, #tpu.memory_space<vmem>> -> memref<5x128x32xf32, #tpu.memory_space<vmem>>
    %dma_wait3A_371 = arith.constant 0 : i32
    %dma_wait3A_372 = arith.constant 0 : i32
    %dma_wait3A_373 = tpu.memref_slice %dma_wait3A_370[%dma_wait3A_365, %dma_wait3A_371, %dma_wait3A_372] : memref<5x128x32xf32, #tpu.memory_space<vmem>> -> memref<1x128x32xf32, #tpu.memory_space<vmem>>
    %dma_wait3A_374 = tpu.memref_squeeze %dma_wait3A_373 : memref<1x128x32xf32, #tpu.memory_space<vmem>> -> memref<128x32xf32, #tpu.memory_space<vmem>>
    %dma_wait3A_375 = arith.constant 0 : i32
    %dma_wait3A_376 = tpu.memref_slice %arg6[%dma_wait3A_363, %dma_wait3A_375] : memref<200x128xi32, #tpu.memory_space<vmem>> -> memref<1x128xi32, #tpu.memory_space<vmem>>
    %dma_wait3A_377 = tpu.memref_squeeze %dma_wait3A_376 : memref<1x128xi32, #tpu.memory_space<vmem>> -> memref<128xi32, #tpu.memory_space<vmem>>
    %dma_wait3A_378 = arith.constant 0 : i32
    %dma_wait3A_379 = arith.constant 0 : i32
    %dma_wait3A_380 = tpu.memref_slice %arg2[%dma_wait3A_378, %dma_wait3A_379] : memref<1007616x32xf32, #tpu.memory_space<hbm>> -> memref<1007616x32xf32, #tpu.memory_space<hbm>>
    tpu.wait_indirect_dma semaphore(%arg10 : memref<!tpu.dma_semaphore, #tpu.memory_space<semaphore_mem>>) src(%dma_wait3A_380 : memref<1007616x32xf32, #tpu.memory_space<hbm>>) dst(%dma_wait3A_374 : memref<128x32xf32, #tpu.memory_space<vmem>>)
    %dma_wait3A_381 = arith.constant 6 : i32
    %dma_wait3A_382 = arith.constant 1 : i32
    %dma_wait3A_383 = arith.constant 1 : i32
    %dma_wait3A_384 = arith.constant 0 : i32
    %dma_wait3A_385 = arith.constant 0 : i32
    %dma_wait3A_386 = arith.constant 0 : i32
    %dma_wait3A_387 = tpu.memref_slice %arg8[%dma_wait3A_382, %dma_wait3A_384, %dma_wait3A_385, %dma_wait3A_386] : memref<2x5x128x32xf32, #tpu.memory_space<vmem>> -> memref<1x5x128x32xf32, #tpu.memory_space<vmem>>
    %dma_wait3A_388 = tpu.memref_squeeze %dma_wait3A_387 : memref<1x5x128x32xf32, #tpu.memory_space<vmem>> -> memref<5x128x32xf32, #tpu.memory_space<vmem>>
    %dma_wait3A_389 = arith.constant 0 : i32
    %dma_wait3A_390 = arith.constant 0 : i32
    %dma_wait3A_391 = tpu.memref_slice %dma_wait3A_388[%dma_wait3A_383, %dma_wait3A_389, %dma_wait3A_390] : memref<5x128x32xf32, #tpu.memory_space<vmem>> -> memref<1x128x32xf32, #tpu.memory_space<vmem>>
    %dma_wait3A_392 = tpu.memref_squeeze %dma_wait3A_391 : memref<1x128x32xf32, #tpu.memory_space<vmem>> -> memref<128x32xf32, #tpu.memory_space<vmem>>
    %dma_wait3A_393 = arith.constant 0 : i32
    %dma_wait3A_394 = tpu.memref_slice %arg6[%dma_wait3A_381, %dma_wait3A_393] : memref<200x128xi32, #tpu.memory_space<vmem>> -> memref<1x128xi32, #tpu.memory_space<vmem>>
    %dma_wait3A_395 = tpu.memref_squeeze %dma_wait3A_394 : memref<1x128xi32, #tpu.memory_space<vmem>> -> memref<128xi32, #tpu.memory_space<vmem>>
    %dma_wait3A_396 = arith.constant 0 : i32
    %dma_wait3A_397 = arith.constant 0 : i32
    %dma_wait3A_398 = tpu.memref_slice %arg2[%dma_wait3A_396, %dma_wait3A_397] : memref<1007616x32xf32, #tpu.memory_space<hbm>> -> memref<1007616x32xf32, #tpu.memory_space<hbm>>
    tpu.wait_indirect_dma semaphore(%arg10 : memref<!tpu.dma_semaphore, #tpu.memory_space<semaphore_mem>>) src(%dma_wait3A_398 : memref<1007616x32xf32, #tpu.memory_space<hbm>>) dst(%dma_wait3A_392 : memref<128x32xf32, #tpu.memory_space<vmem>>)
    %dma_wait3A_399 = arith.constant 7 : i32
    %dma_wait3A_400 = arith.constant 1 : i32
    %dma_wait3A_401 = arith.constant 2 : i32
    %dma_wait3A_402 = arith.constant 0 : i32
    %dma_wait3A_403 = arith.constant 0 : i32
    %dma_wait3A_404 = arith.constant 0 : i32
    %dma_wait3A_405 = tpu.memref_slice %arg8[%dma_wait3A_400, %dma_wait3A_402, %dma_wait3A_403, %dma_wait3A_404] : memref<2x5x128x32xf32, #tpu.memory_space<vmem>> -> memref<1x5x128x32xf32, #tpu.memory_space<vmem>>
    %dma_wait3A_406 = tpu.memref_squeeze %dma_wait3A_405 : memref<1x5x128x32xf32, #tpu.memory_space<vmem>> -> memref<5x128x32xf32, #tpu.memory_space<vmem>>
    %dma_wait3A_407 = arith.constant 0 : i32
    %dma_wait3A_408 = arith.constant 0 : i32
    %dma_wait3A_409 = tpu.memref_slice %dma_wait3A_406[%dma_wait3A_401, %dma_wait3A_407, %dma_wait3A_408] : memref<5x128x32xf32, #tpu.memory_space<vmem>> -> memref<1x128x32xf32, #tpu.memory_space<vmem>>
    %dma_wait3A_410 = tpu.memref_squeeze %dma_wait3A_409 : memref<1x128x32xf32, #tpu.memory_space<vmem>> -> memref<128x32xf32, #tpu.memory_space<vmem>>
    %dma_wait3A_411 = arith.constant 0 : i32
    %dma_wait3A_412 = tpu.memref_slice %arg6[%dma_wait3A_399, %dma_wait3A_411] : memref<200x128xi32, #tpu.memory_space<vmem>> -> memref<1x128xi32, #tpu.memory_space<vmem>>
    %dma_wait3A_413 = tpu.memref_squeeze %dma_wait3A_412 : memref<1x128xi32, #tpu.memory_space<vmem>> -> memref<128xi32, #tpu.memory_space<vmem>>
    %dma_wait3A_414 = arith.constant 0 : i32
    %dma_wait3A_415 = arith.constant 0 : i32
    %dma_wait3A_416 = tpu.memref_slice %arg2[%dma_wait3A_414, %dma_wait3A_415] : memref<1007616x32xf32, #tpu.memory_space<hbm>> -> memref<1007616x32xf32, #tpu.memory_space<hbm>>
    tpu.wait_indirect_dma semaphore(%arg10 : memref<!tpu.dma_semaphore, #tpu.memory_space<semaphore_mem>>) src(%dma_wait3A_416 : memref<1007616x32xf32, #tpu.memory_space<hbm>>) dst(%dma_wait3A_410 : memref<128x32xf32, #tpu.memory_space<vmem>>)
    %dma_wait3A_417 = arith.constant 8 : i32
    %dma_wait3A_418 = arith.constant 1 : i32
    %dma_wait3A_419 = arith.constant 3 : i32
    %dma_wait3A_420 = arith.constant 0 : i32
    %dma_wait3A_421 = arith.constant 0 : i32
    %dma_wait3A_422 = arith.constant 0 : i32
    %dma_wait3A_423 = tpu.memref_slice %arg8[%dma_wait3A_418, %dma_wait3A_420, %dma_wait3A_421, %dma_wait3A_422] : memref<2x5x128x32xf32, #tpu.memory_space<vmem>> -> memref<1x5x128x32xf32, #tpu.memory_space<vmem>>
    %dma_wait3A_424 = tpu.memref_squeeze %dma_wait3A_423 : memref<1x5x128x32xf32, #tpu.memory_space<vmem>> -> memref<5x128x32xf32, #tpu.memory_space<vmem>>
    %dma_wait3A_425 = arith.constant 0 : i32
    %dma_wait3A_426 = arith.constant 0 : i32
    %dma_wait3A_427 = tpu.memref_slice %dma_wait3A_424[%dma_wait3A_419, %dma_wait3A_425, %dma_wait3A_426] : memref<5x128x32xf32, #tpu.memory_space<vmem>> -> memref<1x128x32xf32, #tpu.memory_space<vmem>>
    %dma_wait3A_428 = tpu.memref_squeeze %dma_wait3A_427 : memref<1x128x32xf32, #tpu.memory_space<vmem>> -> memref<128x32xf32, #tpu.memory_space<vmem>>
    %dma_wait3A_429 = arith.constant 0 : i32
    %dma_wait3A_430 = tpu.memref_slice %arg6[%dma_wait3A_417, %dma_wait3A_429] : memref<200x128xi32, #tpu.memory_space<vmem>> -> memref<1x128xi32, #tpu.memory_space<vmem>>
    %dma_wait3A_431 = tpu.memref_squeeze %dma_wait3A_430 : memref<1x128xi32, #tpu.memory_space<vmem>> -> memref<128xi32, #tpu.memory_space<vmem>>
    %dma_wait3A_432 = arith.constant 0 : i32
    %dma_wait3A_433 = arith.constant 0 : i32
    %dma_wait3A_434 = tpu.memref_slice %arg2[%dma_wait3A_432, %dma_wait3A_433] : memref<1007616x32xf32, #tpu.memory_space<hbm>> -> memref<1007616x32xf32, #tpu.memory_space<hbm>>
    tpu.wait_indirect_dma semaphore(%arg10 : memref<!tpu.dma_semaphore, #tpu.memory_space<semaphore_mem>>) src(%dma_wait3A_434 : memref<1007616x32xf32, #tpu.memory_space<hbm>>) dst(%dma_wait3A_428 : memref<128x32xf32, #tpu.memory_space<vmem>>)
    %dma_wait3A_435 = arith.constant 9 : i32
    %dma_wait3A_436 = arith.constant 1 : i32
    %dma_wait3A_437 = arith.constant 4 : i32
    %dma_wait3A_438 = arith.constant 0 : i32
    %dma_wait3A_439 = arith.constant 0 : i32
    %dma_wait3A_440 = arith.constant 0 : i32
    %dma_wait3A_441 = tpu.memref_slice %arg8[%dma_wait3A_436, %dma_wait3A_438, %dma_wait3A_439, %dma_wait3A_440] : memref<2x5x128x32xf32, #tpu.memory_space<vmem>> -> memref<1x5x128x32xf32, #tpu.memory_space<vmem>>
    %dma_wait3A_442 = tpu.memref_squeeze %dma_wait3A_441 : memref<1x5x128x32xf32, #tpu.memory_space<vmem>> -> memref<5x128x32xf32, #tpu.memory_space<vmem>>
    %dma_wait3A_443 = arith.constant 0 : i32
    %dma_wait3A_444 = arith.constant 0 : i32
    %dma_wait3A_445 = tpu.memref_slice %dma_wait3A_442[%dma_wait3A_437, %dma_wait3A_443, %dma_wait3A_444] : memref<5x128x32xf32, #tpu.memory_space<vmem>> -> memref<1x128x32xf32, #tpu.memory_space<vmem>>
    %dma_wait3A_446 = tpu.memref_squeeze %dma_wait3A_445 : memref<1x128x32xf32, #tpu.memory_space<vmem>> -> memref<128x32xf32, #tpu.memory_space<vmem>>
    %dma_wait3A_447 = arith.constant 0 : i32
    %dma_wait3A_448 = tpu.memref_slice %arg6[%dma_wait3A_435, %dma_wait3A_447] : memref<200x128xi32, #tpu.memory_space<vmem>> -> memref<1x128xi32, #tpu.memory_space<vmem>>
    %dma_wait3A_449 = tpu.memref_squeeze %dma_wait3A_448 : memref<1x128xi32, #tpu.memory_space<vmem>> -> memref<128xi32, #tpu.memory_space<vmem>>
    %dma_wait3A_450 = arith.constant 0 : i32
    %dma_wait3A_451 = arith.constant 0 : i32
    %dma_wait3A_452 = tpu.memref_slice %arg2[%dma_wait3A_450, %dma_wait3A_451] : memref<1007616x32xf32, #tpu.memory_space<hbm>> -> memref<1007616x32xf32, #tpu.memory_space<hbm>>
    tpu.wait_indirect_dma semaphore(%arg10 : memref<!tpu.dma_semaphore, #tpu.memory_space<semaphore_mem>>) src(%dma_wait3A_452 : memref<1007616x32xf32, #tpu.memory_space<hbm>>) dst(%dma_wait3A_446 : memref<128x32xf32, #tpu.memory_space<vmem>>)
    %dma_start3A_453 = arith.constant 1 : i32
    %dma_start3A_454 = arith.constant 0 : i32
    %dma_start3A_455 = arith.constant 5 : i32
    %dma_start3A_456 = arith.constant 0 : i32
    %dma_start3A_457 = arith.constant 0 : i32
    %dma_start3A_458 = arith.constant 0 : i32
    %dma_start3A_459 = tpu.memref_slice %arg8[%dma_start3A_453, %dma_start3A_456, %dma_start3A_457, %dma_start3A_458] : memref<2x5x128x32xf32, #tpu.memory_space<vmem>> -> memref<1x5x128x32xf32, #tpu.memory_space<vmem>>
    %dma_start3A_460 = tpu.memref_squeeze %dma_start3A_459 : memref<1x5x128x32xf32, #tpu.memory_space<vmem>> -> memref<5x128x32xf32, #tpu.memory_space<vmem>>
    %dma_start3A_461 = arith.constant 0 : i32
    %dma_start3A_462 = arith.constant 0 : i32
    %dma_start3A_463 = tpu.memref_slice %dma_start3A_460[%dma_start3A_454, %dma_start3A_461, %dma_start3A_462] : memref<5x128x32xf32, #tpu.memory_space<vmem>> -> memref<1x128x32xf32, #tpu.memory_space<vmem>>
    %dma_start3A_464 = tpu.memref_squeeze %dma_start3A_463 : memref<1x128x32xf32, #tpu.memory_space<vmem>> -> memref<128x32xf32, #tpu.memory_space<vmem>>
    %dma_start3A_465 = arith.constant 0 : i32
    %dma_start3A_466 = tpu.memref_slice %arg7[%dma_start3A_455, %dma_start3A_465] : memref<200x128xi32, #tpu.memory_space<vmem>> -> memref<1x128xi32, #tpu.memory_space<vmem>>
    %dma_start3A_467 = tpu.memref_squeeze %dma_start3A_466 : memref<1x128xi32, #tpu.memory_space<vmem>> -> memref<128xi32, #tpu.memory_space<vmem>>
    %dma_start3A_468 = arith.constant 0 : i32
    %dma_start3A_469 = arith.constant 0 : i32
    %dma_start3A_470 = tpu.memref_slice %arg5[%dma_start3A_468, %dma_start3A_469] : memref<819200x32xf32, #tpu.memory_space<hbm>> -> memref<819200x32xf32, #tpu.memory_space<hbm>>
    tpu.enqueue_indirect_dma source(%dma_start3A_464 : memref<128x32xf32, #tpu.memory_space<vmem>>) target(%dma_start3A_470 : memref<819200x32xf32, #tpu.memory_space<hbm>>) offsets(%dma_start3A_467 : memref<128xi32, #tpu.memory_space<vmem>>) semaphore(%arg12 : memref<!tpu.dma_semaphore, #tpu.memory_space<semaphore_mem>>)
    %dma_start3A_471 = arith.constant 1 : i32
    %dma_start3A_472 = arith.constant 1 : i32
    %dma_start3A_473 = arith.constant 6 : i32
    %dma_start3A_474 = arith.constant 0 : i32
    %dma_start3A_475 = arith.constant 0 : i32
    %dma_start3A_476 = arith.constant 0 : i32
    %dma_start3A_477 = tpu.memref_slice %arg8[%dma_start3A_471, %dma_start3A_474, %dma_start3A_475, %dma_start3A_476] : memref<2x5x128x32xf32, #tpu.memory_space<vmem>> -> memref<1x5x128x32xf32, #tpu.memory_space<vmem>>
    %dma_start3A_478 = tpu.memref_squeeze %dma_start3A_477 : memref<1x5x128x32xf32, #tpu.memory_space<vmem>> -> memref<5x128x32xf32, #tpu.memory_space<vmem>>
    %dma_start3A_479 = arith.constant 0 : i32
    %dma_start3A_480 = arith.constant 0 : i32
    %dma_start3A_481 = tpu.memref_slice %dma_start3A_478[%dma_start3A_472, %dma_start3A_479, %dma_start3A_480] : memref<5x128x32xf32, #tpu.memory_space<vmem>> -> memref<1x128x32xf32, #tpu.memory_space<vmem>>
    %dma_start3A_482 = tpu.memref_squeeze %dma_start3A_481 : memref<1x128x32xf32, #tpu.memory_space<vmem>> -> memref<128x32xf32, #tpu.memory_space<vmem>>
    %dma_start3A_483 = arith.constant 0 : i32
    %dma_start3A_484 = tpu.memref_slice %arg7[%dma_start3A_473, %dma_start3A_483] : memref<200x128xi32, #tpu.memory_space<vmem>> -> memref<1x128xi32, #tpu.memory_space<vmem>>
    %dma_start3A_485 = tpu.memref_squeeze %dma_start3A_484 : memref<1x128xi32, #tpu.memory_space<vmem>> -> memref<128xi32, #tpu.memory_space<vmem>>
    %dma_start3A_486 = arith.constant 0 : i32
    %dma_start3A_487 = arith.constant 0 : i32
    %dma_start3A_488 = tpu.memref_slice %arg5[%dma_start3A_486, %dma_start3A_487] : memref<819200x32xf32, #tpu.memory_space<hbm>> -> memref<819200x32xf32, #tpu.memory_space<hbm>>
    tpu.enqueue_indirect_dma source(%dma_start3A_482 : memref<128x32xf32, #tpu.memory_space<vmem>>) target(%dma_start3A_488 : memref<819200x32xf32, #tpu.memory_space<hbm>>) offsets(%dma_start3A_485 : memref<128xi32, #tpu.memory_space<vmem>>) semaphore(%arg12 : memref<!tpu.dma_semaphore, #tpu.memory_space<semaphore_mem>>)
    %dma_start3A_489 = arith.constant 1 : i32
    %dma_start3A_490 = arith.constant 2 : i32
    %dma_start3A_491 = arith.constant 7 : i32
    %dma_start3A_492 = arith.constant 0 : i32
    %dma_start3A_493 = arith.constant 0 : i32
    %dma_start3A_494 = arith.constant 0 : i32
    %dma_start3A_495 = tpu.memref_slice %arg8[%dma_start3A_489, %dma_start3A_492, %dma_start3A_493, %dma_start3A_494] : memref<2x5x128x32xf32, #tpu.memory_space<vmem>> -> memref<1x5x128x32xf32, #tpu.memory_space<vmem>>
    %dma_start3A_496 = tpu.memref_squeeze %dma_start3A_495 : memref<1x5x128x32xf32, #tpu.memory_space<vmem>> -> memref<5x128x32xf32, #tpu.memory_space<vmem>>
    %dma_start3A_497 = arith.constant 0 : i32
    %dma_start3A_498 = arith.constant 0 : i32
    %dma_start3A_499 = tpu.memref_slice %dma_start3A_496[%dma_start3A_490, %dma_start3A_497, %dma_start3A_498] : memref<5x128x32xf32, #tpu.memory_space<vmem>> -> memref<1x128x32xf32, #tpu.memory_space<vmem>>
    %dma_start3A_500 = tpu.memref_squeeze %dma_start3A_499 : memref<1x128x32xf32, #tpu.memory_space<vmem>> -> memref<128x32xf32, #tpu.memory_space<vmem>>
    %dma_start3A_501 = arith.constant 0 : i32
    %dma_start3A_502 = tpu.memref_slice %arg7[%dma_start3A_491, %dma_start3A_501] : memref<200x128xi32, #tpu.memory_space<vmem>> -> memref<1x128xi32, #tpu.memory_space<vmem>>
    %dma_start3A_503 = tpu.memref_squeeze %dma_start3A_502 : memref<1x128xi32, #tpu.memory_space<vmem>> -> memref<128xi32, #tpu.memory_space<vmem>>
    %dma_start3A_504 = arith.constant 0 : i32
    %dma_start3A_505 = arith.constant 0 : i32
    %dma_start3A_506 = tpu.memref_slice %arg5[%dma_start3A_504, %dma_start3A_505] : memref<819200x32xf32, #tpu.memory_space<hbm>> -> memref<819200x32xf32, #tpu.memory_space<hbm>>
    tpu.enqueue_indirect_dma source(%dma_start3A_500 : memref<128x32xf32, #tpu.memory_space<vmem>>) target(%dma_start3A_506 : memref<819200x32xf32, #tpu.memory_space<hbm>>) offsets(%dma_start3A_503 : memref<128xi32, #tpu.memory_space<vmem>>) semaphore(%arg12 : memref<!tpu.dma_semaphore, #tpu.memory_space<semaphore_mem>>)
    %dma_start3A_507 = arith.constant 1 : i32
    %dma_start3A_508 = arith.constant 3 : i32
    %dma_start3A_509 = arith.constant 8 : i32
    %dma_start3A_510 = arith.constant 0 : i32
    %dma_start3A_511 = arith.constant 0 : i32
    %dma_start3A_512 = arith.constant 0 : i32
    %dma_start3A_513 = tpu.memref_slice %arg8[%dma_start3A_507, %dma_start3A_510, %dma_start3A_511, %dma_start3A_512] : memref<2x5x128x32xf32, #tpu.memory_space<vmem>> -> memref<1x5x128x32xf32, #tpu.memory_space<vmem>>
    %dma_start3A_514 = tpu.memref_squeeze %dma_start3A_513 : memref<1x5x128x32xf32, #tpu.memory_space<vmem>> -> memref<5x128x32xf32, #tpu.memory_space<vmem>>
    %dma_start3A_515 = arith.constant 0 : i32
    %dma_start3A_516 = arith.constant 0 : i32
    %dma_start3A_517 = tpu.memref_slice %dma_start3A_514[%dma_start3A_508, %dma_start3A_515, %dma_start3A_516] : memref<5x128x32xf32, #tpu.memory_space<vmem>> -> memref<1x128x32xf32, #tpu.memory_space<vmem>>
    %dma_start3A_518 = tpu.memref_squeeze %dma_start3A_517 : memref<1x128x32xf32, #tpu.memory_space<vmem>> -> memref<128x32xf32, #tpu.memory_space<vmem>>
    %dma_start3A_519 = arith.constant 0 : i32
    %dma_start3A_520 = tpu.memref_slice %arg7[%dma_start3A_509, %dma_start3A_519] : memref<200x128xi32, #tpu.memory_space<vmem>> -> memref<1x128xi32, #tpu.memory_space<vmem>>
    %dma_start3A_521 = tpu.memref_squeeze %dma_start3A_520 : memref<1x128xi32, #tpu.memory_space<vmem>> -> memref<128xi32, #tpu.memory_space<vmem>>
    %dma_start3A_522 = arith.constant 0 : i32
    %dma_start3A_523 = arith.constant 0 : i32
    %dma_start3A_524 = tpu.memref_slice %arg5[%dma_start3A_522, %dma_start3A_523] : memref<819200x32xf32, #tpu.memory_space<hbm>> -> memref<819200x32xf32, #tpu.memory_space<hbm>>
    tpu.enqueue_indirect_dma source(%dma_start3A_518 : memref<128x32xf32, #tpu.memory_space<vmem>>) target(%dma_start3A_524 : memref<819200x32xf32, #tpu.memory_space<hbm>>) offsets(%dma_start3A_521 : memref<128xi32, #tpu.memory_space<vmem>>) semaphore(%arg12 : memref<!tpu.dma_semaphore, #tpu.memory_space<semaphore_mem>>)
    %dma_start3A_525 = arith.constant 1 : i32
    %dma_start3A_526 = arith.constant 4 : i32
    %dma_start3A_527 = arith.constant 9 : i32
    %dma_start3A_528 = arith.constant 0 : i32
    %dma_start3A_529 = arith.constant 0 : i32
    %dma_start3A_530 = arith.constant 0 : i32
    %dma_start3A_531 = tpu.memref_slice %arg8[%dma_start3A_525, %dma_start3A_528, %dma_start3A_529, %dma_start3A_530] : memref<2x5x128x32xf32, #tpu.memory_space<vmem>> -> memref<1x5x128x32xf32, #tpu.memory_space<vmem>>
    %dma_start3A_532 = tpu.memref_squeeze %dma_start3A_531 : memref<1x5x128x32xf32, #tpu.memory_space<vmem>> -> memref<5x128x32xf32, #tpu.memory_space<vmem>>
    %dma_start3A_533 = arith.constant 0 : i32
    %dma_start3A_534 = arith.constant 0 : i32
    %dma_start3A_535 = tpu.memref_slice %dma_start3A_532[%dma_start3A_526, %dma_start3A_533, %dma_start3A_534] : memref<5x128x32xf32, #tpu.memory_space<vmem>> -> memref<1x128x32xf32, #tpu.memory_space<vmem>>
    %dma_start3A_536 = tpu.memref_squeeze %dma_start3A_535 : memref<1x128x32xf32, #tpu.memory_space<vmem>> -> memref<128x32xf32, #tpu.memory_space<vmem>>
    %dma_start3A_537 = arith.constant 0 : i32
    %dma_start3A_538 = tpu.memref_slice %arg7[%dma_start3A_527, %dma_start3A_537] : memref<200x128xi32, #tpu.memory_space<vmem>> -> memref<1x128xi32, #tpu.memory_space<vmem>>
    %dma_start3A_539 = tpu.memref_squeeze %dma_start3A_538 : memref<1x128xi32, #tpu.memory_space<vmem>> -> memref<128xi32, #tpu.memory_space<vmem>>
    %dma_start3A_540 = arith.constant 0 : i32
    %dma_start3A_541 = arith.constant 0 : i32
    %dma_start3A_542 = tpu.memref_slice %arg5[%dma_start3A_540, %dma_start3A_541] : memref<819200x32xf32, #tpu.memory_space<hbm>> -> memref<819200x32xf32, #tpu.memory_space<hbm>>
    tpu.enqueue_indirect_dma source(%dma_start3A_536 : memref<128x32xf32, #tpu.memory_space<vmem>>) target(%dma_start3A_542 : memref<819200x32xf32, #tpu.memory_space<hbm>>) offsets(%dma_start3A_539 : memref<128xi32, #tpu.memory_space<vmem>>) semaphore(%arg12 : memref<!tpu.dma_semaphore, #tpu.memory_space<semaphore_mem>>)
    %scan3A = arith.constant 0 : i32
    %scan3A_543 = arith.constant 19 : i32
    %scan3A_544 = arith.addi %scan3A, %scan3A_543 : i32
    %scan3A_545 = arith.constant 1 : i32
    scf.for %scan3A_727 = %scan3A to %scan3A_544 step %scan3A_545  : i32 {
      %mul3A_728 = arith.constant 2 : i32
      %mul3A_729 = arith.muli %scan3A_727, %mul3A_728 : i32
      %add3A_730 = arith.constant 2 : i32
      %add3A_731 = arith.addi %add3A_730, %mul3A_729 : i32
      %add3A_732 = arith.constant 0 : i32
      %add3A_733 = arith.addi %add3A_731, %add3A_732 : i32
      %sub3A = arith.constant 2 : i32
      %sub3A_734 = arith.subi %add3A_733, %sub3A : i32
      %mul3A_735 = arith.constant 5 : i32
      %mul3A_736 = arith.muli %sub3A_734, %mul3A_735 : i32
      %add3A_737 = arith.constant 0 : i32
      %add3A_738 = arith.addi %mul3A_736, %add3A_737 : i32
      %dma_wait3A_739 = arith.constant 0 : i32
      %dma_wait3A_740 = arith.constant 0 : i32
      %dma_wait3A_741 = arith.constant 0 : i32
      %dma_wait3A_742 = arith.constant 0 : i32
      %dma_wait3A_743 = arith.constant 0 : i32
      %dma_wait3A_744 = tpu.memref_slice %arg8[%dma_wait3A_739, %dma_wait3A_741, %dma_wait3A_742, %dma_wait3A_743] : memref<2x5x128x32xf32, #tpu.memory_space<vmem>> -> memref<1x5x128x32xf32, #tpu.memory_space<vmem>>
      %dma_wait3A_745 = tpu.memref_squeeze %dma_wait3A_744 : memref<1x5x128x32xf32, #tpu.memory_space<vmem>> -> memref<5x128x32xf32, #tpu.memory_space<vmem>>
      %dma_wait3A_746 = arith.constant 0 : i32
      %dma_wait3A_747 = arith.constant 0 : i32
      %dma_wait3A_748 = tpu.memref_slice %dma_wait3A_745[%dma_wait3A_740, %dma_wait3A_746, %dma_wait3A_747] : memref<5x128x32xf32, #tpu.memory_space<vmem>> -> memref<1x128x32xf32, #tpu.memory_space<vmem>>
      %dma_wait3A_749 = tpu.memref_squeeze %dma_wait3A_748 : memref<1x128x32xf32, #tpu.memory_space<vmem>> -> memref<128x32xf32, #tpu.memory_space<vmem>>
      %dma_wait3A_750 = arith.constant 0 : i32
      %dma_wait3A_751 = tpu.memref_slice %arg7[%add3A_738, %dma_wait3A_750] : memref<200x128xi32, #tpu.memory_space<vmem>> -> memref<1x128xi32, #tpu.memory_space<vmem>>
      %dma_wait3A_752 = tpu.memref_squeeze %dma_wait3A_751 : memref<1x128xi32, #tpu.memory_space<vmem>> -> memref<128xi32, #tpu.memory_space<vmem>>
      %dma_wait3A_753 = arith.constant 0 : i32
      %dma_wait3A_754 = arith.constant 0 : i32
      %dma_wait3A_755 = tpu.memref_slice %arg5[%dma_wait3A_753, %dma_wait3A_754] : memref<819200x32xf32, #tpu.memory_space<hbm>> -> memref<819200x32xf32, #tpu.memory_space<hbm>>
      tpu.wait_indirect_dma semaphore(%arg11 : memref<!tpu.dma_semaphore, #tpu.memory_space<semaphore_mem>>) src(%dma_wait3A_749 : memref<128x32xf32, #tpu.memory_space<vmem>>) dst(%dma_wait3A_755 : memref<819200x32xf32, #tpu.memory_space<hbm>>)
      %mul3A_756 = arith.constant 5 : i32
      %mul3A_757 = arith.muli %sub3A_734, %mul3A_756 : i32
      %add3A_758 = arith.constant 1 : i32
      %add3A_759 = arith.addi %mul3A_757, %add3A_758 : i32
      %dma_wait3A_760 = arith.constant 0 : i32
      %dma_wait3A_761 = arith.constant 1 : i32
      %dma_wait3A_762 = arith.constant 0 : i32
      %dma_wait3A_763 = arith.constant 0 : i32
      %dma_wait3A_764 = arith.constant 0 : i32
      %dma_wait3A_765 = tpu.memref_slice %arg8[%dma_wait3A_760, %dma_wait3A_762, %dma_wait3A_763, %dma_wait3A_764] : memref<2x5x128x32xf32, #tpu.memory_space<vmem>> -> memref<1x5x128x32xf32, #tpu.memory_space<vmem>>
      %dma_wait3A_766 = tpu.memref_squeeze %dma_wait3A_765 : memref<1x5x128x32xf32, #tpu.memory_space<vmem>> -> memref<5x128x32xf32, #tpu.memory_space<vmem>>
      %dma_wait3A_767 = arith.constant 0 : i32
      %dma_wait3A_768 = arith.constant 0 : i32
      %dma_wait3A_769 = tpu.memref_slice %dma_wait3A_766[%dma_wait3A_761, %dma_wait3A_767, %dma_wait3A_768] : memref<5x128x32xf32, #tpu.memory_space<vmem>> -> memref<1x128x32xf32, #tpu.memory_space<vmem>>
      %dma_wait3A_770 = tpu.memref_squeeze %dma_wait3A_769 : memref<1x128x32xf32, #tpu.memory_space<vmem>> -> memref<128x32xf32, #tpu.memory_space<vmem>>
      %dma_wait3A_771 = arith.constant 0 : i32
      %dma_wait3A_772 = tpu.memref_slice %arg7[%add3A_759, %dma_wait3A_771] : memref<200x128xi32, #tpu.memory_space<vmem>> -> memref<1x128xi32, #tpu.memory_space<vmem>>
      %dma_wait3A_773 = tpu.memref_squeeze %dma_wait3A_772 : memref<1x128xi32, #tpu.memory_space<vmem>> -> memref<128xi32, #tpu.memory_space<vmem>>
      %dma_wait3A_774 = arith.constant 0 : i32
      %dma_wait3A_775 = arith.constant 0 : i32
      %dma_wait3A_776 = tpu.memref_slice %arg5[%dma_wait3A_774, %dma_wait3A_775] : memref<819200x32xf32, #tpu.memory_space<hbm>> -> memref<819200x32xf32, #tpu.memory_space<hbm>>
      tpu.wait_indirect_dma semaphore(%arg11 : memref<!tpu.dma_semaphore, #tpu.memory_space<semaphore_mem>>) src(%dma_wait3A_770 : memref<128x32xf32, #tpu.memory_space<vmem>>) dst(%dma_wait3A_776 : memref<819200x32xf32, #tpu.memory_space<hbm>>)
      %mul3A_777 = arith.constant 5 : i32
      %mul3A_778 = arith.muli %sub3A_734, %mul3A_777 : i32
      %add3A_779 = arith.constant 2 : i32
      %add3A_780 = arith.addi %mul3A_778, %add3A_779 : i32
      %dma_wait3A_781 = arith.constant 0 : i32
      %dma_wait3A_782 = arith.constant 2 : i32
      %dma_wait3A_783 = arith.constant 0 : i32
      %dma_wait3A_784 = arith.constant 0 : i32
      %dma_wait3A_785 = arith.constant 0 : i32
      %dma_wait3A_786 = tpu.memref_slice %arg8[%dma_wait3A_781, %dma_wait3A_783, %dma_wait3A_784, %dma_wait3A_785] : memref<2x5x128x32xf32, #tpu.memory_space<vmem>> -> memref<1x5x128x32xf32, #tpu.memory_space<vmem>>
      %dma_wait3A_787 = tpu.memref_squeeze %dma_wait3A_786 : memref<1x5x128x32xf32, #tpu.memory_space<vmem>> -> memref<5x128x32xf32, #tpu.memory_space<vmem>>
      %dma_wait3A_788 = arith.constant 0 : i32
      %dma_wait3A_789 = arith.constant 0 : i32
      %dma_wait3A_790 = tpu.memref_slice %dma_wait3A_787[%dma_wait3A_782, %dma_wait3A_788, %dma_wait3A_789] : memref<5x128x32xf32, #tpu.memory_space<vmem>> -> memref<1x128x32xf32, #tpu.memory_space<vmem>>
      %dma_wait3A_791 = tpu.memref_squeeze %dma_wait3A_790 : memref<1x128x32xf32, #tpu.memory_space<vmem>> -> memref<128x32xf32, #tpu.memory_space<vmem>>
      %dma_wait3A_792 = arith.constant 0 : i32
      %dma_wait3A_793 = tpu.memref_slice %arg7[%add3A_780, %dma_wait3A_792] : memref<200x128xi32, #tpu.memory_space<vmem>> -> memref<1x128xi32, #tpu.memory_space<vmem>>
      %dma_wait3A_794 = tpu.memref_squeeze %dma_wait3A_793 : memref<1x128xi32, #tpu.memory_space<vmem>> -> memref<128xi32, #tpu.memory_space<vmem>>
      %dma_wait3A_795 = arith.constant 0 : i32
      %dma_wait3A_796 = arith.constant 0 : i32
      %dma_wait3A_797 = tpu.memref_slice %arg5[%dma_wait3A_795, %dma_wait3A_796] : memref<819200x32xf32, #tpu.memory_space<hbm>> -> memref<819200x32xf32, #tpu.memory_space<hbm>>
      tpu.wait_indirect_dma semaphore(%arg11 : memref<!tpu.dma_semaphore, #tpu.memory_space<semaphore_mem>>) src(%dma_wait3A_791 : memref<128x32xf32, #tpu.memory_space<vmem>>) dst(%dma_wait3A_797 : memref<819200x32xf32, #tpu.memory_space<hbm>>)
      %mul3A_798 = arith.constant 5 : i32
      %mul3A_799 = arith.muli %sub3A_734, %mul3A_798 : i32
      %add3A_800 = arith.constant 3 : i32
      %add3A_801 = arith.addi %mul3A_799, %add3A_800 : i32
      %dma_wait3A_802 = arith.constant 0 : i32
      %dma_wait3A_803 = arith.constant 3 : i32
      %dma_wait3A_804 = arith.constant 0 : i32
      %dma_wait3A_805 = arith.constant 0 : i32
      %dma_wait3A_806 = arith.constant 0 : i32
      %dma_wait3A_807 = tpu.memref_slice %arg8[%dma_wait3A_802, %dma_wait3A_804, %dma_wait3A_805, %dma_wait3A_806] : memref<2x5x128x32xf32, #tpu.memory_space<vmem>> -> memref<1x5x128x32xf32, #tpu.memory_space<vmem>>
      %dma_wait3A_808 = tpu.memref_squeeze %dma_wait3A_807 : memref<1x5x128x32xf32, #tpu.memory_space<vmem>> -> memref<5x128x32xf32, #tpu.memory_space<vmem>>
      %dma_wait3A_809 = arith.constant 0 : i32
      %dma_wait3A_810 = arith.constant 0 : i32
      %dma_wait3A_811 = tpu.memref_slice %dma_wait3A_808[%dma_wait3A_803, %dma_wait3A_809, %dma_wait3A_810] : memref<5x128x32xf32, #tpu.memory_space<vmem>> -> memref<1x128x32xf32, #tpu.memory_space<vmem>>
      %dma_wait3A_812 = tpu.memref_squeeze %dma_wait3A_811 : memref<1x128x32xf32, #tpu.memory_space<vmem>> -> memref<128x32xf32, #tpu.memory_space<vmem>>
      %dma_wait3A_813 = arith.constant 0 : i32
      %dma_wait3A_814 = tpu.memref_slice %arg7[%add3A_801, %dma_wait3A_813] : memref<200x128xi32, #tpu.memory_space<vmem>> -> memref<1x128xi32, #tpu.memory_space<vmem>>
      %dma_wait3A_815 = tpu.memref_squeeze %dma_wait3A_814 : memref<1x128xi32, #tpu.memory_space<vmem>> -> memref<128xi32, #tpu.memory_space<vmem>>
      %dma_wait3A_816 = arith.constant 0 : i32
      %dma_wait3A_817 = arith.constant 0 : i32
      %dma_wait3A_818 = tpu.memref_slice %arg5[%dma_wait3A_816, %dma_wait3A_817] : memref<819200x32xf32, #tpu.memory_space<hbm>> -> memref<819200x32xf32, #tpu.memory_space<hbm>>
      tpu.wait_indirect_dma semaphore(%arg11 : memref<!tpu.dma_semaphore, #tpu.memory_space<semaphore_mem>>) src(%dma_wait3A_812 : memref<128x32xf32, #tpu.memory_space<vmem>>) dst(%dma_wait3A_818 : memref<819200x32xf32, #tpu.memory_space<hbm>>)
      %mul3A_819 = arith.constant 5 : i32
      %mul3A_820 = arith.muli %sub3A_734, %mul3A_819 : i32
      %add3A_821 = arith.constant 4 : i32
      %add3A_822 = arith.addi %mul3A_820, %add3A_821 : i32
      %dma_wait3A_823 = arith.constant 0 : i32
      %dma_wait3A_824 = arith.constant 4 : i32
      %dma_wait3A_825 = arith.constant 0 : i32
      %dma_wait3A_826 = arith.constant 0 : i32
      %dma_wait3A_827 = arith.constant 0 : i32
      %dma_wait3A_828 = tpu.memref_slice %arg8[%dma_wait3A_823, %dma_wait3A_825, %dma_wait3A_826, %dma_wait3A_827] : memref<2x5x128x32xf32, #tpu.memory_space<vmem>> -> memref<1x5x128x32xf32, #tpu.memory_space<vmem>>
      %dma_wait3A_829 = tpu.memref_squeeze %dma_wait3A_828 : memref<1x5x128x32xf32, #tpu.memory_space<vmem>> -> memref<5x128x32xf32, #tpu.memory_space<vmem>>
      %dma_wait3A_830 = arith.constant 0 : i32
      %dma_wait3A_831 = arith.constant 0 : i32
      %dma_wait3A_832 = tpu.memref_slice %dma_wait3A_829[%dma_wait3A_824, %dma_wait3A_830, %dma_wait3A_831] : memref<5x128x32xf32, #tpu.memory_space<vmem>> -> memref<1x128x32xf32, #tpu.memory_space<vmem>>
      %dma_wait3A_833 = tpu.memref_squeeze %dma_wait3A_832 : memref<1x128x32xf32, #tpu.memory_space<vmem>> -> memref<128x32xf32, #tpu.memory_space<vmem>>
      %dma_wait3A_834 = arith.constant 0 : i32
      %dma_wait3A_835 = tpu.memref_slice %arg7[%add3A_822, %dma_wait3A_834] : memref<200x128xi32, #tpu.memory_space<vmem>> -> memref<1x128xi32, #tpu.memory_space<vmem>>
      %dma_wait3A_836 = tpu.memref_squeeze %dma_wait3A_835 : memref<1x128xi32, #tpu.memory_space<vmem>> -> memref<128xi32, #tpu.memory_space<vmem>>
      %dma_wait3A_837 = arith.constant 0 : i32
      %dma_wait3A_838 = arith.constant 0 : i32
      %dma_wait3A_839 = tpu.memref_slice %arg5[%dma_wait3A_837, %dma_wait3A_838] : memref<819200x32xf32, #tpu.memory_space<hbm>> -> memref<819200x32xf32, #tpu.memory_space<hbm>>
      tpu.wait_indirect_dma semaphore(%arg11 : memref<!tpu.dma_semaphore, #tpu.memory_space<semaphore_mem>>) src(%dma_wait3A_833 : memref<128x32xf32, #tpu.memory_space<vmem>>) dst(%dma_wait3A_839 : memref<819200x32xf32, #tpu.memory_space<hbm>>)
      %mul3A_840 = arith.constant 5 : i32
      %mul3A_841 = arith.muli %add3A_733, %mul3A_840 : i32
      %add3A_842 = arith.constant 0 : i32
      %add3A_843 = arith.addi %mul3A_841, %add3A_842 : i32
      %dma_start3A_844 = arith.constant 0 : i32
      %dma_start3A_845 = arith.constant 0 : i32
      %dma_start3A_846 = arith.constant 0 : i32
      %dma_start3A_847 = arith.constant 0 : i32
      %dma_start3A_848 = arith.constant 0 : i32
      %dma_start3A_849 = tpu.memref_slice %arg8[%dma_start3A_844, %dma_start3A_846, %dma_start3A_847, %dma_start3A_848] : memref<2x5x128x32xf32, #tpu.memory_space<vmem>> -> memref<1x5x128x32xf32, #tpu.memory_space<vmem>>
      %dma_start3A_850 = tpu.memref_squeeze %dma_start3A_849 : memref<1x5x128x32xf32, #tpu.memory_space<vmem>> -> memref<5x128x32xf32, #tpu.memory_space<vmem>>
      %dma_start3A_851 = arith.constant 0 : i32
      %dma_start3A_852 = arith.constant 0 : i32
      %dma_start3A_853 = tpu.memref_slice %dma_start3A_850[%dma_start3A_845, %dma_start3A_851, %dma_start3A_852] : memref<5x128x32xf32, #tpu.memory_space<vmem>> -> memref<1x128x32xf32, #tpu.memory_space<vmem>>
      %dma_start3A_854 = tpu.memref_squeeze %dma_start3A_853 : memref<1x128x32xf32, #tpu.memory_space<vmem>> -> memref<128x32xf32, #tpu.memory_space<vmem>>
      %dma_start3A_855 = arith.constant 0 : i32
      %dma_start3A_856 = tpu.memref_slice %arg6[%add3A_843, %dma_start3A_855] : memref<200x128xi32, #tpu.memory_space<vmem>> -> memref<1x128xi32, #tpu.memory_space<vmem>>
      %dma_start3A_857 = tpu.memref_squeeze %dma_start3A_856 : memref<1x128xi32, #tpu.memory_space<vmem>> -> memref<128xi32, #tpu.memory_space<vmem>>
      %dma_start3A_858 = arith.constant 0 : i32
      %dma_start3A_859 = arith.constant 0 : i32
      %dma_start3A_860 = tpu.memref_slice %arg2[%dma_start3A_858, %dma_start3A_859] : memref<1007616x32xf32, #tpu.memory_space<hbm>> -> memref<1007616x32xf32, #tpu.memory_space<hbm>>
      tpu.enqueue_indirect_dma source(%dma_start3A_860 : memref<1007616x32xf32, #tpu.memory_space<hbm>>) target(%dma_start3A_854 : memref<128x32xf32, #tpu.memory_space<vmem>>) offsets(%dma_start3A_857 : memref<128xi32, #tpu.memory_space<vmem>>) semaphore(%arg9 : memref<!tpu.dma_semaphore, #tpu.memory_space<semaphore_mem>>)
      %mul3A_861 = arith.constant 5 : i32
      %mul3A_862 = arith.muli %add3A_733, %mul3A_861 : i32
      %add3A_863 = arith.constant 1 : i32
      %add3A_864 = arith.addi %mul3A_862, %add3A_863 : i32
      %dma_start3A_865 = arith.constant 0 : i32
      %dma_start3A_866 = arith.constant 1 : i32
      %dma_start3A_867 = arith.constant 0 : i32
      %dma_start3A_868 = arith.constant 0 : i32
      %dma_start3A_869 = arith.constant 0 : i32
      %dma_start3A_870 = tpu.memref_slice %arg8[%dma_start3A_865, %dma_start3A_867, %dma_start3A_868, %dma_start3A_869] : memref<2x5x128x32xf32, #tpu.memory_space<vmem>> -> memref<1x5x128x32xf32, #tpu.memory_space<vmem>>
      %dma_start3A_871 = tpu.memref_squeeze %dma_start3A_870 : memref<1x5x128x32xf32, #tpu.memory_space<vmem>> -> memref<5x128x32xf32, #tpu.memory_space<vmem>>
      %dma_start3A_872 = arith.constant 0 : i32
      %dma_start3A_873 = arith.constant 0 : i32
      %dma_start3A_874 = tpu.memref_slice %dma_start3A_871[%dma_start3A_866, %dma_start3A_872, %dma_start3A_873] : memref<5x128x32xf32, #tpu.memory_space<vmem>> -> memref<1x128x32xf32, #tpu.memory_space<vmem>>
      %dma_start3A_875 = tpu.memref_squeeze %dma_start3A_874 : memref<1x128x32xf32, #tpu.memory_space<vmem>> -> memref<128x32xf32, #tpu.memory_space<vmem>>
      %dma_start3A_876 = arith.constant 0 : i32
      %dma_start3A_877 = tpu.memref_slice %arg6[%add3A_864, %dma_start3A_876] : memref<200x128xi32, #tpu.memory_space<vmem>> -> memref<1x128xi32, #tpu.memory_space<vmem>>
      %dma_start3A_878 = tpu.memref_squeeze %dma_start3A_877 : memref<1x128xi32, #tpu.memory_space<vmem>> -> memref<128xi32, #tpu.memory_space<vmem>>
      %dma_start3A_879 = arith.constant 0 : i32
      %dma_start3A_880 = arith.constant 0 : i32
      %dma_start3A_881 = tpu.memref_slice %arg2[%dma_start3A_879, %dma_start3A_880] : memref<1007616x32xf32, #tpu.memory_space<hbm>> -> memref<1007616x32xf32, #tpu.memory_space<hbm>>
      tpu.enqueue_indirect_dma source(%dma_start3A_881 : memref<1007616x32xf32, #tpu.memory_space<hbm>>) target(%dma_start3A_875 : memref<128x32xf32, #tpu.memory_space<vmem>>) offsets(%dma_start3A_878 : memref<128xi32, #tpu.memory_space<vmem>>) semaphore(%arg9 : memref<!tpu.dma_semaphore, #tpu.memory_space<semaphore_mem>>)
      %mul3A_882 = arith.constant 5 : i32
      %mul3A_883 = arith.muli %add3A_733, %mul3A_882 : i32
      %add3A_884 = arith.constant 2 : i32
      %add3A_885 = arith.addi %mul3A_883, %add3A_884 : i32
      %dma_start3A_886 = arith.constant 0 : i32
      %dma_start3A_887 = arith.constant 2 : i32
      %dma_start3A_888 = arith.constant 0 : i32
      %dma_start3A_889 = arith.constant 0 : i32
      %dma_start3A_890 = arith.constant 0 : i32
      %dma_start3A_891 = tpu.memref_slice %arg8[%dma_start3A_886, %dma_start3A_888, %dma_start3A_889, %dma_start3A_890] : memref<2x5x128x32xf32, #tpu.memory_space<vmem>> -> memref<1x5x128x32xf32, #tpu.memory_space<vmem>>
      %dma_start3A_892 = tpu.memref_squeeze %dma_start3A_891 : memref<1x5x128x32xf32, #tpu.memory_space<vmem>> -> memref<5x128x32xf32, #tpu.memory_space<vmem>>
      %dma_start3A_893 = arith.constant 0 : i32
      %dma_start3A_894 = arith.constant 0 : i32
      %dma_start3A_895 = tpu.memref_slice %dma_start3A_892[%dma_start3A_887, %dma_start3A_893, %dma_start3A_894] : memref<5x128x32xf32, #tpu.memory_space<vmem>> -> memref<1x128x32xf32, #tpu.memory_space<vmem>>
      %dma_start3A_896 = tpu.memref_squeeze %dma_start3A_895 : memref<1x128x32xf32, #tpu.memory_space<vmem>> -> memref<128x32xf32, #tpu.memory_space<vmem>>
      %dma_start3A_897 = arith.constant 0 : i32
      %dma_start3A_898 = tpu.memref_slice %arg6[%add3A_885, %dma_start3A_897] : memref<200x128xi32, #tpu.memory_space<vmem>> -> memref<1x128xi32, #tpu.memory_space<vmem>>
      %dma_start3A_899 = tpu.memref_squeeze %dma_start3A_898 : memref<1x128xi32, #tpu.memory_space<vmem>> -> memref<128xi32, #tpu.memory_space<vmem>>
      %dma_start3A_900 = arith.constant 0 : i32
      %dma_start3A_901 = arith.constant 0 : i32
      %dma_start3A_902 = tpu.memref_slice %arg2[%dma_start3A_900, %dma_start3A_901] : memref<1007616x32xf32, #tpu.memory_space<hbm>> -> memref<1007616x32xf32, #tpu.memory_space<hbm>>
      tpu.enqueue_indirect_dma source(%dma_start3A_902 : memref<1007616x32xf32, #tpu.memory_space<hbm>>) target(%dma_start3A_896 : memref<128x32xf32, #tpu.memory_space<vmem>>) offsets(%dma_start3A_899 : memref<128xi32, #tpu.memory_space<vmem>>) semaphore(%arg9 : memref<!tpu.dma_semaphore, #tpu.memory_space<semaphore_mem>>)
      %mul3A_903 = arith.constant 5 : i32
      %mul3A_904 = arith.muli %add3A_733, %mul3A_903 : i32
      %add3A_905 = arith.constant 3 : i32
      %add3A_906 = arith.addi %mul3A_904, %add3A_905 : i32
      %dma_start3A_907 = arith.constant 0 : i32
      %dma_start3A_908 = arith.constant 3 : i32
      %dma_start3A_909 = arith.constant 0 : i32
      %dma_start3A_910 = arith.constant 0 : i32
      %dma_start3A_911 = arith.constant 0 : i32
      %dma_start3A_912 = tpu.memref_slice %arg8[%dma_start3A_907, %dma_start3A_909, %dma_start3A_910, %dma_start3A_911] : memref<2x5x128x32xf32, #tpu.memory_space<vmem>> -> memref<1x5x128x32xf32, #tpu.memory_space<vmem>>
      %dma_start3A_913 = tpu.memref_squeeze %dma_start3A_912 : memref<1x5x128x32xf32, #tpu.memory_space<vmem>> -> memref<5x128x32xf32, #tpu.memory_space<vmem>>
      %dma_start3A_914 = arith.constant 0 : i32
      %dma_start3A_915 = arith.constant 0 : i32
      %dma_start3A_916 = tpu.memref_slice %dma_start3A_913[%dma_start3A_908, %dma_start3A_914, %dma_start3A_915] : memref<5x128x32xf32, #tpu.memory_space<vmem>> -> memref<1x128x32xf32, #tpu.memory_space<vmem>>
      %dma_start3A_917 = tpu.memref_squeeze %dma_start3A_916 : memref<1x128x32xf32, #tpu.memory_space<vmem>> -> memref<128x32xf32, #tpu.memory_space<vmem>>
      %dma_start3A_918 = arith.constant 0 : i32
      %dma_start3A_919 = tpu.memref_slice %arg6[%add3A_906, %dma_start3A_918] : memref<200x128xi32, #tpu.memory_space<vmem>> -> memref<1x128xi32, #tpu.memory_space<vmem>>
      %dma_start3A_920 = tpu.memref_squeeze %dma_start3A_919 : memref<1x128xi32, #tpu.memory_space<vmem>> -> memref<128xi32, #tpu.memory_space<vmem>>
      %dma_start3A_921 = arith.constant 0 : i32
      %dma_start3A_922 = arith.constant 0 : i32
      %dma_start3A_923 = tpu.memref_slice %arg2[%dma_start3A_921, %dma_start3A_922] : memref<1007616x32xf32, #tpu.memory_space<hbm>> -> memref<1007616x32xf32, #tpu.memory_space<hbm>>
      tpu.enqueue_indirect_dma source(%dma_start3A_923 : memref<1007616x32xf32, #tpu.memory_space<hbm>>) target(%dma_start3A_917 : memref<128x32xf32, #tpu.memory_space<vmem>>) offsets(%dma_start3A_920 : memref<128xi32, #tpu.memory_space<vmem>>) semaphore(%arg9 : memref<!tpu.dma_semaphore, #tpu.memory_space<semaphore_mem>>)
      %mul3A_924 = arith.constant 5 : i32
      %mul3A_925 = arith.muli %add3A_733, %mul3A_924 : i32
      %add3A_926 = arith.constant 4 : i32
      %add3A_927 = arith.addi %mul3A_925, %add3A_926 : i32
      %dma_start3A_928 = arith.constant 0 : i32
      %dma_start3A_929 = arith.constant 4 : i32
      %dma_start3A_930 = arith.constant 0 : i32
      %dma_start3A_931 = arith.constant 0 : i32
      %dma_start3A_932 = arith.constant 0 : i32
      %dma_start3A_933 = tpu.memref_slice %arg8[%dma_start3A_928, %dma_start3A_930, %dma_start3A_931, %dma_start3A_932] : memref<2x5x128x32xf32, #tpu.memory_space<vmem>> -> memref<1x5x128x32xf32, #tpu.memory_space<vmem>>
      %dma_start3A_934 = tpu.memref_squeeze %dma_start3A_933 : memref<1x5x128x32xf32, #tpu.memory_space<vmem>> -> memref<5x128x32xf32, #tpu.memory_space<vmem>>
      %dma_start3A_935 = arith.constant 0 : i32
      %dma_start3A_936 = arith.constant 0 : i32
      %dma_start3A_937 = tpu.memref_slice %dma_start3A_934[%dma_start3A_929, %dma_start3A_935, %dma_start3A_936] : memref<5x128x32xf32, #tpu.memory_space<vmem>> -> memref<1x128x32xf32, #tpu.memory_space<vmem>>
      %dma_start3A_938 = tpu.memref_squeeze %dma_start3A_937 : memref<1x128x32xf32, #tpu.memory_space<vmem>> -> memref<128x32xf32, #tpu.memory_space<vmem>>
      %dma_start3A_939 = arith.constant 0 : i32
      %dma_start3A_940 = tpu.memref_slice %arg6[%add3A_927, %dma_start3A_939] : memref<200x128xi32, #tpu.memory_space<vmem>> -> memref<1x128xi32, #tpu.memory_space<vmem>>
      %dma_start3A_941 = tpu.memref_squeeze %dma_start3A_940 : memref<1x128xi32, #tpu.memory_space<vmem>> -> memref<128xi32, #tpu.memory_space<vmem>>
      %dma_start3A_942 = arith.constant 0 : i32
      %dma_start3A_943 = arith.constant 0 : i32
      %dma_start3A_944 = tpu.memref_slice %arg2[%dma_start3A_942, %dma_start3A_943] : memref<1007616x32xf32, #tpu.memory_space<hbm>> -> memref<1007616x32xf32, #tpu.memory_space<hbm>>
      tpu.enqueue_indirect_dma source(%dma_start3A_944 : memref<1007616x32xf32, #tpu.memory_space<hbm>>) target(%dma_start3A_938 : memref<128x32xf32, #tpu.memory_space<vmem>>) offsets(%dma_start3A_941 : memref<128xi32, #tpu.memory_space<vmem>>) semaphore(%arg9 : memref<!tpu.dma_semaphore, #tpu.memory_space<semaphore_mem>>)
      %mul3A_945 = arith.constant 5 : i32
      %mul3A_946 = arith.muli %add3A_733, %mul3A_945 : i32
      %add3A_947 = arith.constant 0 : i32
      %add3A_948 = arith.addi %mul3A_946, %add3A_947 : i32
      %dma_wait3A_949 = arith.constant 0 : i32
      %dma_wait3A_950 = arith.constant 0 : i32
      %dma_wait3A_951 = arith.constant 0 : i32
      %dma_wait3A_952 = arith.constant 0 : i32
      %dma_wait3A_953 = arith.constant 0 : i32
      %dma_wait3A_954 = tpu.memref_slice %arg8[%dma_wait3A_949, %dma_wait3A_951, %dma_wait3A_952, %dma_wait3A_953] : memref<2x5x128x32xf32, #tpu.memory_space<vmem>> -> memref<1x5x128x32xf32, #tpu.memory_space<vmem>>
      %dma_wait3A_955 = tpu.memref_squeeze %dma_wait3A_954 : memref<1x5x128x32xf32, #tpu.memory_space<vmem>> -> memref<5x128x32xf32, #tpu.memory_space<vmem>>
      %dma_wait3A_956 = arith.constant 0 : i32
      %dma_wait3A_957 = arith.constant 0 : i32
      %dma_wait3A_958 = tpu.memref_slice %dma_wait3A_955[%dma_wait3A_950, %dma_wait3A_956, %dma_wait3A_957] : memref<5x128x32xf32, #tpu.memory_space<vmem>> -> memref<1x128x32xf32, #tpu.memory_space<vmem>>
      %dma_wait3A_959 = tpu.memref_squeeze %dma_wait3A_958 : memref<1x128x32xf32, #tpu.memory_space<vmem>> -> memref<128x32xf32, #tpu.memory_space<vmem>>
      %dma_wait3A_960 = arith.constant 0 : i32
      %dma_wait3A_961 = tpu.memref_slice %arg6[%add3A_948, %dma_wait3A_960] : memref<200x128xi32, #tpu.memory_space<vmem>> -> memref<1x128xi32, #tpu.memory_space<vmem>>
      %dma_wait3A_962 = tpu.memref_squeeze %dma_wait3A_961 : memref<1x128xi32, #tpu.memory_space<vmem>> -> memref<128xi32, #tpu.memory_space<vmem>>
      %dma_wait3A_963 = arith.constant 0 : i32
      %dma_wait3A_964 = arith.constant 0 : i32
      %dma_wait3A_965 = tpu.memref_slice %arg2[%dma_wait3A_963, %dma_wait3A_964] : memref<1007616x32xf32, #tpu.memory_space<hbm>> -> memref<1007616x32xf32, #tpu.memory_space<hbm>>
      tpu.wait_indirect_dma semaphore(%arg9 : memref<!tpu.dma_semaphore, #tpu.memory_space<semaphore_mem>>) src(%dma_wait3A_965 : memref<1007616x32xf32, #tpu.memory_space<hbm>>) dst(%dma_wait3A_959 : memref<128x32xf32, #tpu.memory_space<vmem>>)
      %mul3A_966 = arith.constant 5 : i32
      %mul3A_967 = arith.muli %add3A_733, %mul3A_966 : i32
      %add3A_968 = arith.constant 1 : i32
      %add3A_969 = arith.addi %mul3A_967, %add3A_968 : i32
      %dma_wait3A_970 = arith.constant 0 : i32
      %dma_wait3A_971 = arith.constant 1 : i32
      %dma_wait3A_972 = arith.constant 0 : i32
      %dma_wait3A_973 = arith.constant 0 : i32
      %dma_wait3A_974 = arith.constant 0 : i32
      %dma_wait3A_975 = tpu.memref_slice %arg8[%dma_wait3A_970, %dma_wait3A_972, %dma_wait3A_973, %dma_wait3A_974] : memref<2x5x128x32xf32, #tpu.memory_space<vmem>> -> memref<1x5x128x32xf32, #tpu.memory_space<vmem>>
      %dma_wait3A_976 = tpu.memref_squeeze %dma_wait3A_975 : memref<1x5x128x32xf32, #tpu.memory_space<vmem>> -> memref<5x128x32xf32, #tpu.memory_space<vmem>>
      %dma_wait3A_977 = arith.constant 0 : i32
      %dma_wait3A_978 = arith.constant 0 : i32
      %dma_wait3A_979 = tpu.memref_slice %dma_wait3A_976[%dma_wait3A_971, %dma_wait3A_977, %dma_wait3A_978] : memref<5x128x32xf32, #tpu.memory_space<vmem>> -> memref<1x128x32xf32, #tpu.memory_space<vmem>>
      %dma_wait3A_980 = tpu.memref_squeeze %dma_wait3A_979 : memref<1x128x32xf32, #tpu.memory_space<vmem>> -> memref<128x32xf32, #tpu.memory_space<vmem>>
      %dma_wait3A_981 = arith.constant 0 : i32
      %dma_wait3A_982 = tpu.memref_slice %arg6[%add3A_969, %dma_wait3A_981] : memref<200x128xi32, #tpu.memory_space<vmem>> -> memref<1x128xi32, #tpu.memory_space<vmem>>
      %dma_wait3A_983 = tpu.memref_squeeze %dma_wait3A_982 : memref<1x128xi32, #tpu.memory_space<vmem>> -> memref<128xi32, #tpu.memory_space<vmem>>
      %dma_wait3A_984 = arith.constant 0 : i32
      %dma_wait3A_985 = arith.constant 0 : i32
      %dma_wait3A_986 = tpu.memref_slice %arg2[%dma_wait3A_984, %dma_wait3A_985] : memref<1007616x32xf32, #tpu.memory_space<hbm>> -> memref<1007616x32xf32, #tpu.memory_space<hbm>>
      tpu.wait_indirect_dma semaphore(%arg9 : memref<!tpu.dma_semaphore, #tpu.memory_space<semaphore_mem>>) src(%dma_wait3A_986 : memref<1007616x32xf32, #tpu.memory_space<hbm>>) dst(%dma_wait3A_980 : memref<128x32xf32, #tpu.memory_space<vmem>>)
      %mul3A_987 = arith.constant 5 : i32
      %mul3A_988 = arith.muli %add3A_733, %mul3A_987 : i32
      %add3A_989 = arith.constant 2 : i32
      %add3A_990 = arith.addi %mul3A_988, %add3A_989 : i32
      %dma_wait3A_991 = arith.constant 0 : i32
      %dma_wait3A_992 = arith.constant 2 : i32
      %dma_wait3A_993 = arith.constant 0 : i32
      %dma_wait3A_994 = arith.constant 0 : i32
      %dma_wait3A_995 = arith.constant 0 : i32
      %dma_wait3A_996 = tpu.memref_slice %arg8[%dma_wait3A_991, %dma_wait3A_993, %dma_wait3A_994, %dma_wait3A_995] : memref<2x5x128x32xf32, #tpu.memory_space<vmem>> -> memref<1x5x128x32xf32, #tpu.memory_space<vmem>>
      %dma_wait3A_997 = tpu.memref_squeeze %dma_wait3A_996 : memref<1x5x128x32xf32, #tpu.memory_space<vmem>> -> memref<5x128x32xf32, #tpu.memory_space<vmem>>
      %dma_wait3A_998 = arith.constant 0 : i32
      %dma_wait3A_999 = arith.constant 0 : i32
      %dma_wait3A_1000 = tpu.memref_slice %dma_wait3A_997[%dma_wait3A_992, %dma_wait3A_998, %dma_wait3A_999] : memref<5x128x32xf32, #tpu.memory_space<vmem>> -> memref<1x128x32xf32, #tpu.memory_space<vmem>>
      %dma_wait3A_1001 = tpu.memref_squeeze %dma_wait3A_1000 : memref<1x128x32xf32, #tpu.memory_space<vmem>> -> memref<128x32xf32, #tpu.memory_space<vmem>>
      %dma_wait3A_1002 = arith.constant 0 : i32
      %dma_wait3A_1003 = tpu.memref_slice %arg6[%add3A_990, %dma_wait3A_1002] : memref<200x128xi32, #tpu.memory_space<vmem>> -> memref<1x128xi32, #tpu.memory_space<vmem>>
      %dma_wait3A_1004 = tpu.memref_squeeze %dma_wait3A_1003 : memref<1x128xi32, #tpu.memory_space<vmem>> -> memref<128xi32, #tpu.memory_space<vmem>>
      %dma_wait3A_1005 = arith.constant 0 : i32
      %dma_wait3A_1006 = arith.constant 0 : i32
      %dma_wait3A_1007 = tpu.memref_slice %arg2[%dma_wait3A_1005, %dma_wait3A_1006] : memref<1007616x32xf32, #tpu.memory_space<hbm>> -> memref<1007616x32xf32, #tpu.memory_space<hbm>>
      tpu.wait_indirect_dma semaphore(%arg9 : memref<!tpu.dma_semaphore, #tpu.memory_space<semaphore_mem>>) src(%dma_wait3A_1007 : memref<1007616x32xf32, #tpu.memory_space<hbm>>) dst(%dma_wait3A_1001 : memref<128x32xf32, #tpu.memory_space<vmem>>)
      %mul3A_1008 = arith.constant 5 : i32
      %mul3A_1009 = arith.muli %add3A_733, %mul3A_1008 : i32
      %add3A_1010 = arith.constant 3 : i32
      %add3A_1011 = arith.addi %mul3A_1009, %add3A_1010 : i32
      %dma_wait3A_1012 = arith.constant 0 : i32
      %dma_wait3A_1013 = arith.constant 3 : i32
      %dma_wait3A_1014 = arith.constant 0 : i32
      %dma_wait3A_1015 = arith.constant 0 : i32
      %dma_wait3A_1016 = arith.constant 0 : i32
      %dma_wait3A_1017 = tpu.memref_slice %arg8[%dma_wait3A_1012, %dma_wait3A_1014, %dma_wait3A_1015, %dma_wait3A_1016] : memref<2x5x128x32xf32, #tpu.memory_space<vmem>> -> memref<1x5x128x32xf32, #tpu.memory_space<vmem>>
      %dma_wait3A_1018 = tpu.memref_squeeze %dma_wait3A_1017 : memref<1x5x128x32xf32, #tpu.memory_space<vmem>> -> memref<5x128x32xf32, #tpu.memory_space<vmem>>
      %dma_wait3A_1019 = arith.constant 0 : i32
      %dma_wait3A_1020 = arith.constant 0 : i32
      %dma_wait3A_1021 = tpu.memref_slice %dma_wait3A_1018[%dma_wait3A_1013, %dma_wait3A_1019, %dma_wait3A_1020] : memref<5x128x32xf32, #tpu.memory_space<vmem>> -> memref<1x128x32xf32, #tpu.memory_space<vmem>>
      %dma_wait3A_1022 = tpu.memref_squeeze %dma_wait3A_1021 : memref<1x128x32xf32, #tpu.memory_space<vmem>> -> memref<128x32xf32, #tpu.memory_space<vmem>>
      %dma_wait3A_1023 = arith.constant 0 : i32
      %dma_wait3A_1024 = tpu.memref_slice %arg6[%add3A_1011, %dma_wait3A_1023] : memref<200x128xi32, #tpu.memory_space<vmem>> -> memref<1x128xi32, #tpu.memory_space<vmem>>
      %dma_wait3A_1025 = tpu.memref_squeeze %dma_wait3A_1024 : memref<1x128xi32, #tpu.memory_space<vmem>> -> memref<128xi32, #tpu.memory_space<vmem>>
      %dma_wait3A_1026 = arith.constant 0 : i32
      %dma_wait3A_1027 = arith.constant 0 : i32
      %dma_wait3A_1028 = tpu.memref_slice %arg2[%dma_wait3A_1026, %dma_wait3A_1027] : memref<1007616x32xf32, #tpu.memory_space<hbm>> -> memref<1007616x32xf32, #tpu.memory_space<hbm>>
      tpu.wait_indirect_dma semaphore(%arg9 : memref<!tpu.dma_semaphore, #tpu.memory_space<semaphore_mem>>) src(%dma_wait3A_1028 : memref<1007616x32xf32, #tpu.memory_space<hbm>>) dst(%dma_wait3A_1022 : memref<128x32xf32, #tpu.memory_space<vmem>>)
      %mul3A_1029 = arith.constant 5 : i32
      %mul3A_1030 = arith.muli %add3A_733, %mul3A_1029 : i32
      %add3A_1031 = arith.constant 4 : i32
      %add3A_1032 = arith.addi %mul3A_1030, %add3A_1031 : i32
      %dma_wait3A_1033 = arith.constant 0 : i32
      %dma_wait3A_1034 = arith.constant 4 : i32
      %dma_wait3A_1035 = arith.constant 0 : i32
      %dma_wait3A_1036 = arith.constant 0 : i32
      %dma_wait3A_1037 = arith.constant 0 : i32
      %dma_wait3A_1038 = tpu.memref_slice %arg8[%dma_wait3A_1033, %dma_wait3A_1035, %dma_wait3A_1036, %dma_wait3A_1037] : memref<2x5x128x32xf32, #tpu.memory_space<vmem>> -> memref<1x5x128x32xf32, #tpu.memory_space<vmem>>
      %dma_wait3A_1039 = tpu.memref_squeeze %dma_wait3A_1038 : memref<1x5x128x32xf32, #tpu.memory_space<vmem>> -> memref<5x128x32xf32, #tpu.memory_space<vmem>>
      %dma_wait3A_1040 = arith.constant 0 : i32
      %dma_wait3A_1041 = arith.constant 0 : i32
      %dma_wait3A_1042 = tpu.memref_slice %dma_wait3A_1039[%dma_wait3A_1034, %dma_wait3A_1040, %dma_wait3A_1041] : memref<5x128x32xf32, #tpu.memory_space<vmem>> -> memref<1x128x32xf32, #tpu.memory_space<vmem>>
      %dma_wait3A_1043 = tpu.memref_squeeze %dma_wait3A_1042 : memref<1x128x32xf32, #tpu.memory_space<vmem>> -> memref<128x32xf32, #tpu.memory_space<vmem>>
      %dma_wait3A_1044 = arith.constant 0 : i32
      %dma_wait3A_1045 = tpu.memref_slice %arg6[%add3A_1032, %dma_wait3A_1044] : memref<200x128xi32, #tpu.memory_space<vmem>> -> memref<1x128xi32, #tpu.memory_space<vmem>>
      %dma_wait3A_1046 = tpu.memref_squeeze %dma_wait3A_1045 : memref<1x128xi32, #tpu.memory_space<vmem>> -> memref<128xi32, #tpu.memory_space<vmem>>
      %dma_wait3A_1047 = arith.constant 0 : i32
      %dma_wait3A_1048 = arith.constant 0 : i32
      %dma_wait3A_1049 = tpu.memref_slice %arg2[%dma_wait3A_1047, %dma_wait3A_1048] : memref<1007616x32xf32, #tpu.memory_space<hbm>> -> memref<1007616x32xf32, #tpu.memory_space<hbm>>
      tpu.wait_indirect_dma semaphore(%arg9 : memref<!tpu.dma_semaphore, #tpu.memory_space<semaphore_mem>>) src(%dma_wait3A_1049 : memref<1007616x32xf32, #tpu.memory_space<hbm>>) dst(%dma_wait3A_1043 : memref<128x32xf32, #tpu.memory_space<vmem>>)
      %mul3A_1050 = arith.constant 5 : i32
      %mul3A_1051 = arith.muli %add3A_733, %mul3A_1050 : i32
      %add3A_1052 = arith.constant 0 : i32
      %add3A_1053 = arith.addi %mul3A_1051, %add3A_1052 : i32
      %dma_start3A_1054 = arith.constant 0 : i32
      %dma_start3A_1055 = arith.constant 0 : i32
      %dma_start3A_1056 = arith.constant 0 : i32
      %dma_start3A_1057 = arith.constant 0 : i32
      %dma_start3A_1058 = arith.constant 0 : i32
      %dma_start3A_1059 = tpu.memref_slice %arg8[%dma_start3A_1054, %dma_start3A_1056, %dma_start3A_1057, %dma_start3A_1058] : memref<2x5x128x32xf32, #tpu.memory_space<vmem>> -> memref<1x5x128x32xf32, #tpu.memory_space<vmem>>
      %dma_start3A_1060 = tpu.memref_squeeze %dma_start3A_1059 : memref<1x5x128x32xf32, #tpu.memory_space<vmem>> -> memref<5x128x32xf32, #tpu.memory_space<vmem>>
      %dma_start3A_1061 = arith.constant 0 : i32
      %dma_start3A_1062 = arith.constant 0 : i32
      %dma_start3A_1063 = tpu.memref_slice %dma_start3A_1060[%dma_start3A_1055, %dma_start3A_1061, %dma_start3A_1062] : memref<5x128x32xf32, #tpu.memory_space<vmem>> -> memref<1x128x32xf32, #tpu.memory_space<vmem>>
      %dma_start3A_1064 = tpu.memref_squeeze %dma_start3A_1063 : memref<1x128x32xf32, #tpu.memory_space<vmem>> -> memref<128x32xf32, #tpu.memory_space<vmem>>
      %dma_start3A_1065 = arith.constant 0 : i32
      %dma_start3A_1066 = tpu.memref_slice %arg7[%add3A_1053, %dma_start3A_1065] : memref<200x128xi32, #tpu.memory_space<vmem>> -> memref<1x128xi32, #tpu.memory_space<vmem>>
      %dma_start3A_1067 = tpu.memref_squeeze %dma_start3A_1066 : memref<1x128xi32, #tpu.memory_space<vmem>> -> memref<128xi32, #tpu.memory_space<vmem>>
      %dma_start3A_1068 = arith.constant 0 : i32
      %dma_start3A_1069 = arith.constant 0 : i32
      %dma_start3A_1070 = tpu.memref_slice %arg5[%dma_start3A_1068, %dma_start3A_1069] : memref<819200x32xf32, #tpu.memory_space<hbm>> -> memref<819200x32xf32, #tpu.memory_space<hbm>>
      tpu.enqueue_indirect_dma source(%dma_start3A_1064 : memref<128x32xf32, #tpu.memory_space<vmem>>) target(%dma_start3A_1070 : memref<819200x32xf32, #tpu.memory_space<hbm>>) offsets(%dma_start3A_1067 : memref<128xi32, #tpu.memory_space<vmem>>) semaphore(%arg11 : memref<!tpu.dma_semaphore, #tpu.memory_space<semaphore_mem>>)
      %mul3A_1071 = arith.constant 5 : i32
      %mul3A_1072 = arith.muli %add3A_733, %mul3A_1071 : i32
      %add3A_1073 = arith.constant 1 : i32
      %add3A_1074 = arith.addi %mul3A_1072, %add3A_1073 : i32
      %dma_start3A_1075 = arith.constant 0 : i32
      %dma_start3A_1076 = arith.constant 1 : i32
      %dma_start3A_1077 = arith.constant 0 : i32
      %dma_start3A_1078 = arith.constant 0 : i32
      %dma_start3A_1079 = arith.constant 0 : i32
      %dma_start3A_1080 = tpu.memref_slice %arg8[%dma_start3A_1075, %dma_start3A_1077, %dma_start3A_1078, %dma_start3A_1079] : memref<2x5x128x32xf32, #tpu.memory_space<vmem>> -> memref<1x5x128x32xf32, #tpu.memory_space<vmem>>
      %dma_start3A_1081 = tpu.memref_squeeze %dma_start3A_1080 : memref<1x5x128x32xf32, #tpu.memory_space<vmem>> -> memref<5x128x32xf32, #tpu.memory_space<vmem>>
      %dma_start3A_1082 = arith.constant 0 : i32
      %dma_start3A_1083 = arith.constant 0 : i32
      %dma_start3A_1084 = tpu.memref_slice %dma_start3A_1081[%dma_start3A_1076, %dma_start3A_1082, %dma_start3A_1083] : memref<5x128x32xf32, #tpu.memory_space<vmem>> -> memref<1x128x32xf32, #tpu.memory_space<vmem>>
      %dma_start3A_1085 = tpu.memref_squeeze %dma_start3A_1084 : memref<1x128x32xf32, #tpu.memory_space<vmem>> -> memref<128x32xf32, #tpu.memory_space<vmem>>
      %dma_start3A_1086 = arith.constant 0 : i32
      %dma_start3A_1087 = tpu.memref_slice %arg7[%add3A_1074, %dma_start3A_1086] : memref<200x128xi32, #tpu.memory_space<vmem>> -> memref<1x128xi32, #tpu.memory_space<vmem>>
      %dma_start3A_1088 = tpu.memref_squeeze %dma_start3A_1087 : memref<1x128xi32, #tpu.memory_space<vmem>> -> memref<128xi32, #tpu.memory_space<vmem>>
      %dma_start3A_1089 = arith.constant 0 : i32
      %dma_start3A_1090 = arith.constant 0 : i32
      %dma_start3A_1091 = tpu.memref_slice %arg5[%dma_start3A_1089, %dma_start3A_1090] : memref<819200x32xf32, #tpu.memory_space<hbm>> -> memref<819200x32xf32, #tpu.memory_space<hbm>>
      tpu.enqueue_indirect_dma source(%dma_start3A_1085 : memref<128x32xf32, #tpu.memory_space<vmem>>) target(%dma_start3A_1091 : memref<819200x32xf32, #tpu.memory_space<hbm>>) offsets(%dma_start3A_1088 : memref<128xi32, #tpu.memory_space<vmem>>) semaphore(%arg11 : memref<!tpu.dma_semaphore, #tpu.memory_space<semaphore_mem>>)
      %mul3A_1092 = arith.constant 5 : i32
      %mul3A_1093 = arith.muli %add3A_733, %mul3A_1092 : i32
      %add3A_1094 = arith.constant 2 : i32
      %add3A_1095 = arith.addi %mul3A_1093, %add3A_1094 : i32
      %dma_start3A_1096 = arith.constant 0 : i32
      %dma_start3A_1097 = arith.constant 2 : i32
      %dma_start3A_1098 = arith.constant 0 : i32
      %dma_start3A_1099 = arith.constant 0 : i32
      %dma_start3A_1100 = arith.constant 0 : i32
      %dma_start3A_1101 = tpu.memref_slice %arg8[%dma_start3A_1096, %dma_start3A_1098, %dma_start3A_1099, %dma_start3A_1100] : memref<2x5x128x32xf32, #tpu.memory_space<vmem>> -> memref<1x5x128x32xf32, #tpu.memory_space<vmem>>
      %dma_start3A_1102 = tpu.memref_squeeze %dma_start3A_1101 : memref<1x5x128x32xf32, #tpu.memory_space<vmem>> -> memref<5x128x32xf32, #tpu.memory_space<vmem>>
      %dma_start3A_1103 = arith.constant 0 : i32
      %dma_start3A_1104 = arith.constant 0 : i32
      %dma_start3A_1105 = tpu.memref_slice %dma_start3A_1102[%dma_start3A_1097, %dma_start3A_1103, %dma_start3A_1104] : memref<5x128x32xf32, #tpu.memory_space<vmem>> -> memref<1x128x32xf32, #tpu.memory_space<vmem>>
      %dma_start3A_1106 = tpu.memref_squeeze %dma_start3A_1105 : memref<1x128x32xf32, #tpu.memory_space<vmem>> -> memref<128x32xf32, #tpu.memory_space<vmem>>
      %dma_start3A_1107 = arith.constant 0 : i32
      %dma_start3A_1108 = tpu.memref_slice %arg7[%add3A_1095, %dma_start3A_1107] : memref<200x128xi32, #tpu.memory_space<vmem>> -> memref<1x128xi32, #tpu.memory_space<vmem>>
      %dma_start3A_1109 = tpu.memref_squeeze %dma_start3A_1108 : memref<1x128xi32, #tpu.memory_space<vmem>> -> memref<128xi32, #tpu.memory_space<vmem>>
      %dma_start3A_1110 = arith.constant 0 : i32
      %dma_start3A_1111 = arith.constant 0 : i32
      %dma_start3A_1112 = tpu.memref_slice %arg5[%dma_start3A_1110, %dma_start3A_1111] : memref<819200x32xf32, #tpu.memory_space<hbm>> -> memref<819200x32xf32, #tpu.memory_space<hbm>>
      tpu.enqueue_indirect_dma source(%dma_start3A_1106 : memref<128x32xf32, #tpu.memory_space<vmem>>) target(%dma_start3A_1112 : memref<819200x32xf32, #tpu.memory_space<hbm>>) offsets(%dma_start3A_1109 : memref<128xi32, #tpu.memory_space<vmem>>) semaphore(%arg11 : memref<!tpu.dma_semaphore, #tpu.memory_space<semaphore_mem>>)
      %mul3A_1113 = arith.constant 5 : i32
      %mul3A_1114 = arith.muli %add3A_733, %mul3A_1113 : i32
      %add3A_1115 = arith.constant 3 : i32
      %add3A_1116 = arith.addi %mul3A_1114, %add3A_1115 : i32
      %dma_start3A_1117 = arith.constant 0 : i32
      %dma_start3A_1118 = arith.constant 3 : i32
      %dma_start3A_1119 = arith.constant 0 : i32
      %dma_start3A_1120 = arith.constant 0 : i32
      %dma_start3A_1121 = arith.constant 0 : i32
      %dma_start3A_1122 = tpu.memref_slice %arg8[%dma_start3A_1117, %dma_start3A_1119, %dma_start3A_1120, %dma_start3A_1121] : memref<2x5x128x32xf32, #tpu.memory_space<vmem>> -> memref<1x5x128x32xf32, #tpu.memory_space<vmem>>
      %dma_start3A_1123 = tpu.memref_squeeze %dma_start3A_1122 : memref<1x5x128x32xf32, #tpu.memory_space<vmem>> -> memref<5x128x32xf32, #tpu.memory_space<vmem>>
      %dma_start3A_1124 = arith.constant 0 : i32
      %dma_start3A_1125 = arith.constant 0 : i32
      %dma_start3A_1126 = tpu.memref_slice %dma_start3A_1123[%dma_start3A_1118, %dma_start3A_1124, %dma_start3A_1125] : memref<5x128x32xf32, #tpu.memory_space<vmem>> -> memref<1x128x32xf32, #tpu.memory_space<vmem>>
      %dma_start3A_1127 = tpu.memref_squeeze %dma_start3A_1126 : memref<1x128x32xf32, #tpu.memory_space<vmem>> -> memref<128x32xf32, #tpu.memory_space<vmem>>
      %dma_start3A_1128 = arith.constant 0 : i32
      %dma_start3A_1129 = tpu.memref_slice %arg7[%add3A_1116, %dma_start3A_1128] : memref<200x128xi32, #tpu.memory_space<vmem>> -> memref<1x128xi32, #tpu.memory_space<vmem>>
      %dma_start3A_1130 = tpu.memref_squeeze %dma_start3A_1129 : memref<1x128xi32, #tpu.memory_space<vmem>> -> memref<128xi32, #tpu.memory_space<vmem>>
      %dma_start3A_1131 = arith.constant 0 : i32
      %dma_start3A_1132 = arith.constant 0 : i32
      %dma_start3A_1133 = tpu.memref_slice %arg5[%dma_start3A_1131, %dma_start3A_1132] : memref<819200x32xf32, #tpu.memory_space<hbm>> -> memref<819200x32xf32, #tpu.memory_space<hbm>>
      tpu.enqueue_indirect_dma source(%dma_start3A_1127 : memref<128x32xf32, #tpu.memory_space<vmem>>) target(%dma_start3A_1133 : memref<819200x32xf32, #tpu.memory_space<hbm>>) offsets(%dma_start3A_1130 : memref<128xi32, #tpu.memory_space<vmem>>) semaphore(%arg11 : memref<!tpu.dma_semaphore, #tpu.memory_space<semaphore_mem>>)
      %mul3A_1134 = arith.constant 5 : i32
      %mul3A_1135 = arith.muli %add3A_733, %mul3A_1134 : i32
      %add3A_1136 = arith.constant 4 : i32
      %add3A_1137 = arith.addi %mul3A_1135, %add3A_1136 : i32
      %dma_start3A_1138 = arith.constant 0 : i32
      %dma_start3A_1139 = arith.constant 4 : i32
      %dma_start3A_1140 = arith.constant 0 : i32
      %dma_start3A_1141 = arith.constant 0 : i32
      %dma_start3A_1142 = arith.constant 0 : i32
      %dma_start3A_1143 = tpu.memref_slice %arg8[%dma_start3A_1138, %dma_start3A_1140, %dma_start3A_1141, %dma_start3A_1142] : memref<2x5x128x32xf32, #tpu.memory_space<vmem>> -> memref<1x5x128x32xf32, #tpu.memory_space<vmem>>
      %dma_start3A_1144 = tpu.memref_squeeze %dma_start3A_1143 : memref<1x5x128x32xf32, #tpu.memory_space<vmem>> -> memref<5x128x32xf32, #tpu.memory_space<vmem>>
      %dma_start3A_1145 = arith.constant 0 : i32
      %dma_start3A_1146 = arith.constant 0 : i32
      %dma_start3A_1147 = tpu.memref_slice %dma_start3A_1144[%dma_start3A_1139, %dma_start3A_1145, %dma_start3A_1146] : memref<5x128x32xf32, #tpu.memory_space<vmem>> -> memref<1x128x32xf32, #tpu.memory_space<vmem>>
      %dma_start3A_1148 = tpu.memref_squeeze %dma_start3A_1147 : memref<1x128x32xf32, #tpu.memory_space<vmem>> -> memref<128x32xf32, #tpu.memory_space<vmem>>
      %dma_start3A_1149 = arith.constant 0 : i32
      %dma_start3A_1150 = tpu.memref_slice %arg7[%add3A_1137, %dma_start3A_1149] : memref<200x128xi32, #tpu.memory_space<vmem>> -> memref<1x128xi32, #tpu.memory_space<vmem>>
      %dma_start3A_1151 = tpu.memref_squeeze %dma_start3A_1150 : memref<1x128xi32, #tpu.memory_space<vmem>> -> memref<128xi32, #tpu.memory_space<vmem>>
      %dma_start3A_1152 = arith.constant 0 : i32
      %dma_start3A_1153 = arith.constant 0 : i32
      %dma_start3A_1154 = tpu.memref_slice %arg5[%dma_start3A_1152, %dma_start3A_1153] : memref<819200x32xf32, #tpu.memory_space<hbm>> -> memref<819200x32xf32, #tpu.memory_space<hbm>>
      tpu.enqueue_indirect_dma source(%dma_start3A_1148 : memref<128x32xf32, #tpu.memory_space<vmem>>) target(%dma_start3A_1154 : memref<819200x32xf32, #tpu.memory_space<hbm>>) offsets(%dma_start3A_1151 : memref<128xi32, #tpu.memory_space<vmem>>) semaphore(%arg11 : memref<!tpu.dma_semaphore, #tpu.memory_space<semaphore_mem>>)
      %add3A_1155 = arith.constant 1 : i32
      %add3A_1156 = arith.addi %add3A_731, %add3A_1155 : i32
      %sub3A_1157 = arith.constant 2 : i32
      %sub3A_1158 = arith.subi %add3A_1156, %sub3A_1157 : i32
      %mul3A_1159 = arith.constant 5 : i32
      %mul3A_1160 = arith.muli %sub3A_1158, %mul3A_1159 : i32
      %add3A_1161 = arith.constant 0 : i32
      %add3A_1162 = arith.addi %mul3A_1160, %add3A_1161 : i32
      %dma_wait3A_1163 = arith.constant 1 : i32
      %dma_wait3A_1164 = arith.constant 0 : i32
      %dma_wait3A_1165 = arith.constant 0 : i32
      %dma_wait3A_1166 = arith.constant 0 : i32
      %dma_wait3A_1167 = arith.constant 0 : i32
      %dma_wait3A_1168 = tpu.memref_slice %arg8[%dma_wait3A_1163, %dma_wait3A_1165, %dma_wait3A_1166, %dma_wait3A_1167] : memref<2x5x128x32xf32, #tpu.memory_space<vmem>> -> memref<1x5x128x32xf32, #tpu.memory_space<vmem>>
      %dma_wait3A_1169 = tpu.memref_squeeze %dma_wait3A_1168 : memref<1x5x128x32xf32, #tpu.memory_space<vmem>> -> memref<5x128x32xf32, #tpu.memory_space<vmem>>
      %dma_wait3A_1170 = arith.constant 0 : i32
      %dma_wait3A_1171 = arith.constant 0 : i32
      %dma_wait3A_1172 = tpu.memref_slice %dma_wait3A_1169[%dma_wait3A_1164, %dma_wait3A_1170, %dma_wait3A_1171] : memref<5x128x32xf32, #tpu.memory_space<vmem>> -> memref<1x128x32xf32, #tpu.memory_space<vmem>>
      %dma_wait3A_1173 = tpu.memref_squeeze %dma_wait3A_1172 : memref<1x128x32xf32, #tpu.memory_space<vmem>> -> memref<128x32xf32, #tpu.memory_space<vmem>>
      %dma_wait3A_1174 = arith.constant 0 : i32
      %dma_wait3A_1175 = tpu.memref_slice %arg7[%add3A_1162, %dma_wait3A_1174] : memref<200x128xi32, #tpu.memory_space<vmem>> -> memref<1x128xi32, #tpu.memory_space<vmem>>
      %dma_wait3A_1176 = tpu.memref_squeeze %dma_wait3A_1175 : memref<1x128xi32, #tpu.memory_space<vmem>> -> memref<128xi32, #tpu.memory_space<vmem>>
      %dma_wait3A_1177 = arith.constant 0 : i32
      %dma_wait3A_1178 = arith.constant 0 : i32
      %dma_wait3A_1179 = tpu.memref_slice %arg5[%dma_wait3A_1177, %dma_wait3A_1178] : memref<819200x32xf32, #tpu.memory_space<hbm>> -> memref<819200x32xf32, #tpu.memory_space<hbm>>
      tpu.wait_indirect_dma semaphore(%arg12 : memref<!tpu.dma_semaphore, #tpu.memory_space<semaphore_mem>>) src(%dma_wait3A_1173 : memref<128x32xf32, #tpu.memory_space<vmem>>) dst(%dma_wait3A_1179 : memref<819200x32xf32, #tpu.memory_space<hbm>>)
      %mul3A_1180 = arith.constant 5 : i32
      %mul3A_1181 = arith.muli %sub3A_1158, %mul3A_1180 : i32
      %add3A_1182 = arith.constant 1 : i32
      %add3A_1183 = arith.addi %mul3A_1181, %add3A_1182 : i32
      %dma_wait3A_1184 = arith.constant 1 : i32
      %dma_wait3A_1185 = arith.constant 1 : i32
      %dma_wait3A_1186 = arith.constant 0 : i32
      %dma_wait3A_1187 = arith.constant 0 : i32
      %dma_wait3A_1188 = arith.constant 0 : i32
      %dma_wait3A_1189 = tpu.memref_slice %arg8[%dma_wait3A_1184, %dma_wait3A_1186, %dma_wait3A_1187, %dma_wait3A_1188] : memref<2x5x128x32xf32, #tpu.memory_space<vmem>> -> memref<1x5x128x32xf32, #tpu.memory_space<vmem>>
      %dma_wait3A_1190 = tpu.memref_squeeze %dma_wait3A_1189 : memref<1x5x128x32xf32, #tpu.memory_space<vmem>> -> memref<5x128x32xf32, #tpu.memory_space<vmem>>
      %dma_wait3A_1191 = arith.constant 0 : i32
      %dma_wait3A_1192 = arith.constant 0 : i32
      %dma_wait3A_1193 = tpu.memref_slice %dma_wait3A_1190[%dma_wait3A_1185, %dma_wait3A_1191, %dma_wait3A_1192] : memref<5x128x32xf32, #tpu.memory_space<vmem>> -> memref<1x128x32xf32, #tpu.memory_space<vmem>>
      %dma_wait3A_1194 = tpu.memref_squeeze %dma_wait3A_1193 : memref<1x128x32xf32, #tpu.memory_space<vmem>> -> memref<128x32xf32, #tpu.memory_space<vmem>>
      %dma_wait3A_1195 = arith.constant 0 : i32
      %dma_wait3A_1196 = tpu.memref_slice %arg7[%add3A_1183, %dma_wait3A_1195] : memref<200x128xi32, #tpu.memory_space<vmem>> -> memref<1x128xi32, #tpu.memory_space<vmem>>
      %dma_wait3A_1197 = tpu.memref_squeeze %dma_wait3A_1196 : memref<1x128xi32, #tpu.memory_space<vmem>> -> memref<128xi32, #tpu.memory_space<vmem>>
      %dma_wait3A_1198 = arith.constant 0 : i32
      %dma_wait3A_1199 = arith.constant 0 : i32
      %dma_wait3A_1200 = tpu.memref_slice %arg5[%dma_wait3A_1198, %dma_wait3A_1199] : memref<819200x32xf32, #tpu.memory_space<hbm>> -> memref<819200x32xf32, #tpu.memory_space<hbm>>
      tpu.wait_indirect_dma semaphore(%arg12 : memref<!tpu.dma_semaphore, #tpu.memory_space<semaphore_mem>>) src(%dma_wait3A_1194 : memref<128x32xf32, #tpu.memory_space<vmem>>) dst(%dma_wait3A_1200 : memref<819200x32xf32, #tpu.memory_space<hbm>>)
      %mul3A_1201 = arith.constant 5 : i32
      %mul3A_1202 = arith.muli %sub3A_1158, %mul3A_1201 : i32
      %add3A_1203 = arith.constant 2 : i32
      %add3A_1204 = arith.addi %mul3A_1202, %add3A_1203 : i32
      %dma_wait3A_1205 = arith.constant 1 : i32
      %dma_wait3A_1206 = arith.constant 2 : i32
      %dma_wait3A_1207 = arith.constant 0 : i32
      %dma_wait3A_1208 = arith.constant 0 : i32
      %dma_wait3A_1209 = arith.constant 0 : i32
      %dma_wait3A_1210 = tpu.memref_slice %arg8[%dma_wait3A_1205, %dma_wait3A_1207, %dma_wait3A_1208, %dma_wait3A_1209] : memref<2x5x128x32xf32, #tpu.memory_space<vmem>> -> memref<1x5x128x32xf32, #tpu.memory_space<vmem>>
      %dma_wait3A_1211 = tpu.memref_squeeze %dma_wait3A_1210 : memref<1x5x128x32xf32, #tpu.memory_space<vmem>> -> memref<5x128x32xf32, #tpu.memory_space<vmem>>
      %dma_wait3A_1212 = arith.constant 0 : i32
      %dma_wait3A_1213 = arith.constant 0 : i32
      %dma_wait3A_1214 = tpu.memref_slice %dma_wait3A_1211[%dma_wait3A_1206, %dma_wait3A_1212, %dma_wait3A_1213] : memref<5x128x32xf32, #tpu.memory_space<vmem>> -> memref<1x128x32xf32, #tpu.memory_space<vmem>>
      %dma_wait3A_1215 = tpu.memref_squeeze %dma_wait3A_1214 : memref<1x128x32xf32, #tpu.memory_space<vmem>> -> memref<128x32xf32, #tpu.memory_space<vmem>>
      %dma_wait3A_1216 = arith.constant 0 : i32
      %dma_wait3A_1217 = tpu.memref_slice %arg7[%add3A_1204, %dma_wait3A_1216] : memref<200x128xi32, #tpu.memory_space<vmem>> -> memref<1x128xi32, #tpu.memory_space<vmem>>
      %dma_wait3A_1218 = tpu.memref_squeeze %dma_wait3A_1217 : memref<1x128xi32, #tpu.memory_space<vmem>> -> memref<128xi32, #tpu.memory_space<vmem>>
      %dma_wait3A_1219 = arith.constant 0 : i32
      %dma_wait3A_1220 = arith.constant 0 : i32
      %dma_wait3A_1221 = tpu.memref_slice %arg5[%dma_wait3A_1219, %dma_wait3A_1220] : memref<819200x32xf32, #tpu.memory_space<hbm>> -> memref<819200x32xf32, #tpu.memory_space<hbm>>
      tpu.wait_indirect_dma semaphore(%arg12 : memref<!tpu.dma_semaphore, #tpu.memory_space<semaphore_mem>>) src(%dma_wait3A_1215 : memref<128x32xf32, #tpu.memory_space<vmem>>) dst(%dma_wait3A_1221 : memref<819200x32xf32, #tpu.memory_space<hbm>>)
      %mul3A_1222 = arith.constant 5 : i32
      %mul3A_1223 = arith.muli %sub3A_1158, %mul3A_1222 : i32
      %add3A_1224 = arith.constant 3 : i32
      %add3A_1225 = arith.addi %mul3A_1223, %add3A_1224 : i32
      %dma_wait3A_1226 = arith.constant 1 : i32
      %dma_wait3A_1227 = arith.constant 3 : i32
      %dma_wait3A_1228 = arith.constant 0 : i32
      %dma_wait3A_1229 = arith.constant 0 : i32
      %dma_wait3A_1230 = arith.constant 0 : i32
      %dma_wait3A_1231 = tpu.memref_slice %arg8[%dma_wait3A_1226, %dma_wait3A_1228, %dma_wait3A_1229, %dma_wait3A_1230] : memref<2x5x128x32xf32, #tpu.memory_space<vmem>> -> memref<1x5x128x32xf32, #tpu.memory_space<vmem>>
      %dma_wait3A_1232 = tpu.memref_squeeze %dma_wait3A_1231 : memref<1x5x128x32xf32, #tpu.memory_space<vmem>> -> memref<5x128x32xf32, #tpu.memory_space<vmem>>
      %dma_wait3A_1233 = arith.constant 0 : i32
      %dma_wait3A_1234 = arith.constant 0 : i32
      %dma_wait3A_1235 = tpu.memref_slice %dma_wait3A_1232[%dma_wait3A_1227, %dma_wait3A_1233, %dma_wait3A_1234] : memref<5x128x32xf32, #tpu.memory_space<vmem>> -> memref<1x128x32xf32, #tpu.memory_space<vmem>>
      %dma_wait3A_1236 = tpu.memref_squeeze %dma_wait3A_1235 : memref<1x128x32xf32, #tpu.memory_space<vmem>> -> memref<128x32xf32, #tpu.memory_space<vmem>>
      %dma_wait3A_1237 = arith.constant 0 : i32
      %dma_wait3A_1238 = tpu.memref_slice %arg7[%add3A_1225, %dma_wait3A_1237] : memref<200x128xi32, #tpu.memory_space<vmem>> -> memref<1x128xi32, #tpu.memory_space<vmem>>
      %dma_wait3A_1239 = tpu.memref_squeeze %dma_wait3A_1238 : memref<1x128xi32, #tpu.memory_space<vmem>> -> memref<128xi32, #tpu.memory_space<vmem>>
      %dma_wait3A_1240 = arith.constant 0 : i32
      %dma_wait3A_1241 = arith.constant 0 : i32
      %dma_wait3A_1242 = tpu.memref_slice %arg5[%dma_wait3A_1240, %dma_wait3A_1241] : memref<819200x32xf32, #tpu.memory_space<hbm>> -> memref<819200x32xf32, #tpu.memory_space<hbm>>
      tpu.wait_indirect_dma semaphore(%arg12 : memref<!tpu.dma_semaphore, #tpu.memory_space<semaphore_mem>>) src(%dma_wait3A_1236 : memref<128x32xf32, #tpu.memory_space<vmem>>) dst(%dma_wait3A_1242 : memref<819200x32xf32, #tpu.memory_space<hbm>>)
      %mul3A_1243 = arith.constant 5 : i32
      %mul3A_1244 = arith.muli %sub3A_1158, %mul3A_1243 : i32
      %add3A_1245 = arith.constant 4 : i32
      %add3A_1246 = arith.addi %mul3A_1244, %add3A_1245 : i32
      %dma_wait3A_1247 = arith.constant 1 : i32
      %dma_wait3A_1248 = arith.constant 4 : i32
      %dma_wait3A_1249 = arith.constant 0 : i32
      %dma_wait3A_1250 = arith.constant 0 : i32
      %dma_wait3A_1251 = arith.constant 0 : i32
      %dma_wait3A_1252 = tpu.memref_slice %arg8[%dma_wait3A_1247, %dma_wait3A_1249, %dma_wait3A_1250, %dma_wait3A_1251] : memref<2x5x128x32xf32, #tpu.memory_space<vmem>> -> memref<1x5x128x32xf32, #tpu.memory_space<vmem>>
      %dma_wait3A_1253 = tpu.memref_squeeze %dma_wait3A_1252 : memref<1x5x128x32xf32, #tpu.memory_space<vmem>> -> memref<5x128x32xf32, #tpu.memory_space<vmem>>
      %dma_wait3A_1254 = arith.constant 0 : i32
      %dma_wait3A_1255 = arith.constant 0 : i32
      %dma_wait3A_1256 = tpu.memref_slice %dma_wait3A_1253[%dma_wait3A_1248, %dma_wait3A_1254, %dma_wait3A_1255] : memref<5x128x32xf32, #tpu.memory_space<vmem>> -> memref<1x128x32xf32, #tpu.memory_space<vmem>>
      %dma_wait3A_1257 = tpu.memref_squeeze %dma_wait3A_1256 : memref<1x128x32xf32, #tpu.memory_space<vmem>> -> memref<128x32xf32, #tpu.memory_space<vmem>>
      %dma_wait3A_1258 = arith.constant 0 : i32
      %dma_wait3A_1259 = tpu.memref_slice %arg7[%add3A_1246, %dma_wait3A_1258] : memref<200x128xi32, #tpu.memory_space<vmem>> -> memref<1x128xi32, #tpu.memory_space<vmem>>
      %dma_wait3A_1260 = tpu.memref_squeeze %dma_wait3A_1259 : memref<1x128xi32, #tpu.memory_space<vmem>> -> memref<128xi32, #tpu.memory_space<vmem>>
      %dma_wait3A_1261 = arith.constant 0 : i32
      %dma_wait3A_1262 = arith.constant 0 : i32
      %dma_wait3A_1263 = tpu.memref_slice %arg5[%dma_wait3A_1261, %dma_wait3A_1262] : memref<819200x32xf32, #tpu.memory_space<hbm>> -> memref<819200x32xf32, #tpu.memory_space<hbm>>
      tpu.wait_indirect_dma semaphore(%arg12 : memref<!tpu.dma_semaphore, #tpu.memory_space<semaphore_mem>>) src(%dma_wait3A_1257 : memref<128x32xf32, #tpu.memory_space<vmem>>) dst(%dma_wait3A_1263 : memref<819200x32xf32, #tpu.memory_space<hbm>>)
      %mul3A_1264 = arith.constant 5 : i32
      %mul3A_1265 = arith.muli %add3A_1156, %mul3A_1264 : i32
      %add3A_1266 = arith.constant 0 : i32
      %add3A_1267 = arith.addi %mul3A_1265, %add3A_1266 : i32
      %dma_start3A_1268 = arith.constant 1 : i32
      %dma_start3A_1269 = arith.constant 0 : i32
      %dma_start3A_1270 = arith.constant 0 : i32
      %dma_start3A_1271 = arith.constant 0 : i32
      %dma_start3A_1272 = arith.constant 0 : i32
      %dma_start3A_1273 = tpu.memref_slice %arg8[%dma_start3A_1268, %dma_start3A_1270, %dma_start3A_1271, %dma_start3A_1272] : memref<2x5x128x32xf32, #tpu.memory_space<vmem>> -> memref<1x5x128x32xf32, #tpu.memory_space<vmem>>
      %dma_start3A_1274 = tpu.memref_squeeze %dma_start3A_1273 : memref<1x5x128x32xf32, #tpu.memory_space<vmem>> -> memref<5x128x32xf32, #tpu.memory_space<vmem>>
      %dma_start3A_1275 = arith.constant 0 : i32
      %dma_start3A_1276 = arith.constant 0 : i32
      %dma_start3A_1277 = tpu.memref_slice %dma_start3A_1274[%dma_start3A_1269, %dma_start3A_1275, %dma_start3A_1276] : memref<5x128x32xf32, #tpu.memory_space<vmem>> -> memref<1x128x32xf32, #tpu.memory_space<vmem>>
      %dma_start3A_1278 = tpu.memref_squeeze %dma_start3A_1277 : memref<1x128x32xf32, #tpu.memory_space<vmem>> -> memref<128x32xf32, #tpu.memory_space<vmem>>
      %dma_start3A_1279 = arith.constant 0 : i32
      %dma_start3A_1280 = tpu.memref_slice %arg6[%add3A_1267, %dma_start3A_1279] : memref<200x128xi32, #tpu.memory_space<vmem>> -> memref<1x128xi32, #tpu.memory_space<vmem>>
      %dma_start3A_1281 = tpu.memref_squeeze %dma_start3A_1280 : memref<1x128xi32, #tpu.memory_space<vmem>> -> memref<128xi32, #tpu.memory_space<vmem>>
      %dma_start3A_1282 = arith.constant 0 : i32
      %dma_start3A_1283 = arith.constant 0 : i32
      %dma_start3A_1284 = tpu.memref_slice %arg2[%dma_start3A_1282, %dma_start3A_1283] : memref<1007616x32xf32, #tpu.memory_space<hbm>> -> memref<1007616x32xf32, #tpu.memory_space<hbm>>
      tpu.enqueue_indirect_dma source(%dma_start3A_1284 : memref<1007616x32xf32, #tpu.memory_space<hbm>>) target(%dma_start3A_1278 : memref<128x32xf32, #tpu.memory_space<vmem>>) offsets(%dma_start3A_1281 : memref<128xi32, #tpu.memory_space<vmem>>) semaphore(%arg10 : memref<!tpu.dma_semaphore, #tpu.memory_space<semaphore_mem>>)
      %mul3A_1285 = arith.constant 5 : i32
      %mul3A_1286 = arith.muli %add3A_1156, %mul3A_1285 : i32
      %add3A_1287 = arith.constant 1 : i32
      %add3A_1288 = arith.addi %mul3A_1286, %add3A_1287 : i32
      %dma_start3A_1289 = arith.constant 1 : i32
      %dma_start3A_1290 = arith.constant 1 : i32
      %dma_start3A_1291 = arith.constant 0 : i32
      %dma_start3A_1292 = arith.constant 0 : i32
      %dma_start3A_1293 = arith.constant 0 : i32
      %dma_start3A_1294 = tpu.memref_slice %arg8[%dma_start3A_1289, %dma_start3A_1291, %dma_start3A_1292, %dma_start3A_1293] : memref<2x5x128x32xf32, #tpu.memory_space<vmem>> -> memref<1x5x128x32xf32, #tpu.memory_space<vmem>>
      %dma_start3A_1295 = tpu.memref_squeeze %dma_start3A_1294 : memref<1x5x128x32xf32, #tpu.memory_space<vmem>> -> memref<5x128x32xf32, #tpu.memory_space<vmem>>
      %dma_start3A_1296 = arith.constant 0 : i32
      %dma_start3A_1297 = arith.constant 0 : i32
      %dma_start3A_1298 = tpu.memref_slice %dma_start3A_1295[%dma_start3A_1290, %dma_start3A_1296, %dma_start3A_1297] : memref<5x128x32xf32, #tpu.memory_space<vmem>> -> memref<1x128x32xf32, #tpu.memory_space<vmem>>
      %dma_start3A_1299 = tpu.memref_squeeze %dma_start3A_1298 : memref<1x128x32xf32, #tpu.memory_space<vmem>> -> memref<128x32xf32, #tpu.memory_space<vmem>>
      %dma_start3A_1300 = arith.constant 0 : i32
      %dma_start3A_1301 = tpu.memref_slice %arg6[%add3A_1288, %dma_start3A_1300] : memref<200x128xi32, #tpu.memory_space<vmem>> -> memref<1x128xi32, #tpu.memory_space<vmem>>
      %dma_start3A_1302 = tpu.memref_squeeze %dma_start3A_1301 : memref<1x128xi32, #tpu.memory_space<vmem>> -> memref<128xi32, #tpu.memory_space<vmem>>
      %dma_start3A_1303 = arith.constant 0 : i32
      %dma_start3A_1304 = arith.constant 0 : i32
      %dma_start3A_1305 = tpu.memref_slice %arg2[%dma_start3A_1303, %dma_start3A_1304] : memref<1007616x32xf32, #tpu.memory_space<hbm>> -> memref<1007616x32xf32, #tpu.memory_space<hbm>>
      tpu.enqueue_indirect_dma source(%dma_start3A_1305 : memref<1007616x32xf32, #tpu.memory_space<hbm>>) target(%dma_start3A_1299 : memref<128x32xf32, #tpu.memory_space<vmem>>) offsets(%dma_start3A_1302 : memref<128xi32, #tpu.memory_space<vmem>>) semaphore(%arg10 : memref<!tpu.dma_semaphore, #tpu.memory_space<semaphore_mem>>)
      %mul3A_1306 = arith.constant 5 : i32
      %mul3A_1307 = arith.muli %add3A_1156, %mul3A_1306 : i32
      %add3A_1308 = arith.constant 2 : i32
      %add3A_1309 = arith.addi %mul3A_1307, %add3A_1308 : i32
      %dma_start3A_1310 = arith.constant 1 : i32
      %dma_start3A_1311 = arith.constant 2 : i32
      %dma_start3A_1312 = arith.constant 0 : i32
      %dma_start3A_1313 = arith.constant 0 : i32
      %dma_start3A_1314 = arith.constant 0 : i32
      %dma_start3A_1315 = tpu.memref_slice %arg8[%dma_start3A_1310, %dma_start3A_1312, %dma_start3A_1313, %dma_start3A_1314] : memref<2x5x128x32xf32, #tpu.memory_space<vmem>> -> memref<1x5x128x32xf32, #tpu.memory_space<vmem>>
      %dma_start3A_1316 = tpu.memref_squeeze %dma_start3A_1315 : memref<1x5x128x32xf32, #tpu.memory_space<vmem>> -> memref<5x128x32xf32, #tpu.memory_space<vmem>>
      %dma_start3A_1317 = arith.constant 0 : i32
      %dma_start3A_1318 = arith.constant 0 : i32
      %dma_start3A_1319 = tpu.memref_slice %dma_start3A_1316[%dma_start3A_1311, %dma_start3A_1317, %dma_start3A_1318] : memref<5x128x32xf32, #tpu.memory_space<vmem>> -> memref<1x128x32xf32, #tpu.memory_space<vmem>>
      %dma_start3A_1320 = tpu.memref_squeeze %dma_start3A_1319 : memref<1x128x32xf32, #tpu.memory_space<vmem>> -> memref<128x32xf32, #tpu.memory_space<vmem>>
      %dma_start3A_1321 = arith.constant 0 : i32
      %dma_start3A_1322 = tpu.memref_slice %arg6[%add3A_1309, %dma_start3A_1321] : memref<200x128xi32, #tpu.memory_space<vmem>> -> memref<1x128xi32, #tpu.memory_space<vmem>>
      %dma_start3A_1323 = tpu.memref_squeeze %dma_start3A_1322 : memref<1x128xi32, #tpu.memory_space<vmem>> -> memref<128xi32, #tpu.memory_space<vmem>>
      %dma_start3A_1324 = arith.constant 0 : i32
      %dma_start3A_1325 = arith.constant 0 : i32
      %dma_start3A_1326 = tpu.memref_slice %arg2[%dma_start3A_1324, %dma_start3A_1325] : memref<1007616x32xf32, #tpu.memory_space<hbm>> -> memref<1007616x32xf32, #tpu.memory_space<hbm>>
      tpu.enqueue_indirect_dma source(%dma_start3A_1326 : memref<1007616x32xf32, #tpu.memory_space<hbm>>) target(%dma_start3A_1320 : memref<128x32xf32, #tpu.memory_space<vmem>>) offsets(%dma_start3A_1323 : memref<128xi32, #tpu.memory_space<vmem>>) semaphore(%arg10 : memref<!tpu.dma_semaphore, #tpu.memory_space<semaphore_mem>>)
      %mul3A_1327 = arith.constant 5 : i32
      %mul3A_1328 = arith.muli %add3A_1156, %mul3A_1327 : i32
      %add3A_1329 = arith.constant 3 : i32
      %add3A_1330 = arith.addi %mul3A_1328, %add3A_1329 : i32
      %dma_start3A_1331 = arith.constant 1 : i32
      %dma_start3A_1332 = arith.constant 3 : i32
      %dma_start3A_1333 = arith.constant 0 : i32
      %dma_start3A_1334 = arith.constant 0 : i32
      %dma_start3A_1335 = arith.constant 0 : i32
      %dma_start3A_1336 = tpu.memref_slice %arg8[%dma_start3A_1331, %dma_start3A_1333, %dma_start3A_1334, %dma_start3A_1335] : memref<2x5x128x32xf32, #tpu.memory_space<vmem>> -> memref<1x5x128x32xf32, #tpu.memory_space<vmem>>
      %dma_start3A_1337 = tpu.memref_squeeze %dma_start3A_1336 : memref<1x5x128x32xf32, #tpu.memory_space<vmem>> -> memref<5x128x32xf32, #tpu.memory_space<vmem>>
      %dma_start3A_1338 = arith.constant 0 : i32
      %dma_start3A_1339 = arith.constant 0 : i32
      %dma_start3A_1340 = tpu.memref_slice %dma_start3A_1337[%dma_start3A_1332, %dma_start3A_1338, %dma_start3A_1339] : memref<5x128x32xf32, #tpu.memory_space<vmem>> -> memref<1x128x32xf32, #tpu.memory_space<vmem>>
      %dma_start3A_1341 = tpu.memref_squeeze %dma_start3A_1340 : memref<1x128x32xf32, #tpu.memory_space<vmem>> -> memref<128x32xf32, #tpu.memory_space<vmem>>
      %dma_start3A_1342 = arith.constant 0 : i32
      %dma_start3A_1343 = tpu.memref_slice %arg6[%add3A_1330, %dma_start3A_1342] : memref<200x128xi32, #tpu.memory_space<vmem>> -> memref<1x128xi32, #tpu.memory_space<vmem>>
      %dma_start3A_1344 = tpu.memref_squeeze %dma_start3A_1343 : memref<1x128xi32, #tpu.memory_space<vmem>> -> memref<128xi32, #tpu.memory_space<vmem>>
      %dma_start3A_1345 = arith.constant 0 : i32
      %dma_start3A_1346 = arith.constant 0 : i32
      %dma_start3A_1347 = tpu.memref_slice %arg2[%dma_start3A_1345, %dma_start3A_1346] : memref<1007616x32xf32, #tpu.memory_space<hbm>> -> memref<1007616x32xf32, #tpu.memory_space<hbm>>
      tpu.enqueue_indirect_dma source(%dma_start3A_1347 : memref<1007616x32xf32, #tpu.memory_space<hbm>>) target(%dma_start3A_1341 : memref<128x32xf32, #tpu.memory_space<vmem>>) offsets(%dma_start3A_1344 : memref<128xi32, #tpu.memory_space<vmem>>) semaphore(%arg10 : memref<!tpu.dma_semaphore, #tpu.memory_space<semaphore_mem>>)
      %mul3A_1348 = arith.constant 5 : i32
      %mul3A_1349 = arith.muli %add3A_1156, %mul3A_1348 : i32
      %add3A_1350 = arith.constant 4 : i32
      %add3A_1351 = arith.addi %mul3A_1349, %add3A_1350 : i32
      %dma_start3A_1352 = arith.constant 1 : i32
      %dma_start3A_1353 = arith.constant 4 : i32
      %dma_start3A_1354 = arith.constant 0 : i32
      %dma_start3A_1355 = arith.constant 0 : i32
      %dma_start3A_1356 = arith.constant 0 : i32
      %dma_start3A_1357 = tpu.memref_slice %arg8[%dma_start3A_1352, %dma_start3A_1354, %dma_start3A_1355, %dma_start3A_1356] : memref<2x5x128x32xf32, #tpu.memory_space<vmem>> -> memref<1x5x128x32xf32, #tpu.memory_space<vmem>>
      %dma_start3A_1358 = tpu.memref_squeeze %dma_start3A_1357 : memref<1x5x128x32xf32, #tpu.memory_space<vmem>> -> memref<5x128x32xf32, #tpu.memory_space<vmem>>
      %dma_start3A_1359 = arith.constant 0 : i32
      %dma_start3A_1360 = arith.constant 0 : i32
      %dma_start3A_1361 = tpu.memref_slice %dma_start3A_1358[%dma_start3A_1353, %dma_start3A_1359, %dma_start3A_1360] : memref<5x128x32xf32, #tpu.memory_space<vmem>> -> memref<1x128x32xf32, #tpu.memory_space<vmem>>
      %dma_start3A_1362 = tpu.memref_squeeze %dma_start3A_1361 : memref<1x128x32xf32, #tpu.memory_space<vmem>> -> memref<128x32xf32, #tpu.memory_space<vmem>>
      %dma_start3A_1363 = arith.constant 0 : i32
      %dma_start3A_1364 = tpu.memref_slice %arg6[%add3A_1351, %dma_start3A_1363] : memref<200x128xi32, #tpu.memory_space<vmem>> -> memref<1x128xi32, #tpu.memory_space<vmem>>
      %dma_start3A_1365 = tpu.memref_squeeze %dma_start3A_1364 : memref<1x128xi32, #tpu.memory_space<vmem>> -> memref<128xi32, #tpu.memory_space<vmem>>
      %dma_start3A_1366 = arith.constant 0 : i32
      %dma_start3A_1367 = arith.constant 0 : i32
      %dma_start3A_1368 = tpu.memref_slice %arg2[%dma_start3A_1366, %dma_start3A_1367] : memref<1007616x32xf32, #tpu.memory_space<hbm>> -> memref<1007616x32xf32, #tpu.memory_space<hbm>>
      tpu.enqueue_indirect_dma source(%dma_start3A_1368 : memref<1007616x32xf32, #tpu.memory_space<hbm>>) target(%dma_start3A_1362 : memref<128x32xf32, #tpu.memory_space<vmem>>) offsets(%dma_start3A_1365 : memref<128xi32, #tpu.memory_space<vmem>>) semaphore(%arg10 : memref<!tpu.dma_semaphore, #tpu.memory_space<semaphore_mem>>)
      %mul3A_1369 = arith.constant 5 : i32
      %mul3A_1370 = arith.muli %add3A_1156, %mul3A_1369 : i32
      %add3A_1371 = arith.constant 0 : i32
      %add3A_1372 = arith.addi %mul3A_1370, %add3A_1371 : i32
      %dma_wait3A_1373 = arith.constant 1 : i32
      %dma_wait3A_1374 = arith.constant 0 : i32
      %dma_wait3A_1375 = arith.constant 0 : i32
      %dma_wait3A_1376 = arith.constant 0 : i32
      %dma_wait3A_1377 = arith.constant 0 : i32
      %dma_wait3A_1378 = tpu.memref_slice %arg8[%dma_wait3A_1373, %dma_wait3A_1375, %dma_wait3A_1376, %dma_wait3A_1377] : memref<2x5x128x32xf32, #tpu.memory_space<vmem>> -> memref<1x5x128x32xf32, #tpu.memory_space<vmem>>
      %dma_wait3A_1379 = tpu.memref_squeeze %dma_wait3A_1378 : memref<1x5x128x32xf32, #tpu.memory_space<vmem>> -> memref<5x128x32xf32, #tpu.memory_space<vmem>>
      %dma_wait3A_1380 = arith.constant 0 : i32
      %dma_wait3A_1381 = arith.constant 0 : i32
      %dma_wait3A_1382 = tpu.memref_slice %dma_wait3A_1379[%dma_wait3A_1374, %dma_wait3A_1380, %dma_wait3A_1381] : memref<5x128x32xf32, #tpu.memory_space<vmem>> -> memref<1x128x32xf32, #tpu.memory_space<vmem>>
      %dma_wait3A_1383 = tpu.memref_squeeze %dma_wait3A_1382 : memref<1x128x32xf32, #tpu.memory_space<vmem>> -> memref<128x32xf32, #tpu.memory_space<vmem>>
      %dma_wait3A_1384 = arith.constant 0 : i32
      %dma_wait3A_1385 = tpu.memref_slice %arg6[%add3A_1372, %dma_wait3A_1384] : memref<200x128xi32, #tpu.memory_space<vmem>> -> memref<1x128xi32, #tpu.memory_space<vmem>>
      %dma_wait3A_1386 = tpu.memref_squeeze %dma_wait3A_1385 : memref<1x128xi32, #tpu.memory_space<vmem>> -> memref<128xi32, #tpu.memory_space<vmem>>
      %dma_wait3A_1387 = arith.constant 0 : i32
      %dma_wait3A_1388 = arith.constant 0 : i32
      %dma_wait3A_1389 = tpu.memref_slice %arg2[%dma_wait3A_1387, %dma_wait3A_1388] : memref<1007616x32xf32, #tpu.memory_space<hbm>> -> memref<1007616x32xf32, #tpu.memory_space<hbm>>
      tpu.wait_indirect_dma semaphore(%arg10 : memref<!tpu.dma_semaphore, #tpu.memory_space<semaphore_mem>>) src(%dma_wait3A_1389 : memref<1007616x32xf32, #tpu.memory_space<hbm>>) dst(%dma_wait3A_1383 : memref<128x32xf32, #tpu.memory_space<vmem>>)
      %mul3A_1390 = arith.constant 5 : i32
      %mul3A_1391 = arith.muli %add3A_1156, %mul3A_1390 : i32
      %add3A_1392 = arith.constant 1 : i32
      %add3A_1393 = arith.addi %mul3A_1391, %add3A_1392 : i32
      %dma_wait3A_1394 = arith.constant 1 : i32
      %dma_wait3A_1395 = arith.constant 1 : i32
      %dma_wait3A_1396 = arith.constant 0 : i32
      %dma_wait3A_1397 = arith.constant 0 : i32
      %dma_wait3A_1398 = arith.constant 0 : i32
      %dma_wait3A_1399 = tpu.memref_slice %arg8[%dma_wait3A_1394, %dma_wait3A_1396, %dma_wait3A_1397, %dma_wait3A_1398] : memref<2x5x128x32xf32, #tpu.memory_space<vmem>> -> memref<1x5x128x32xf32, #tpu.memory_space<vmem>>
      %dma_wait3A_1400 = tpu.memref_squeeze %dma_wait3A_1399 : memref<1x5x128x32xf32, #tpu.memory_space<vmem>> -> memref<5x128x32xf32, #tpu.memory_space<vmem>>
      %dma_wait3A_1401 = arith.constant 0 : i32
      %dma_wait3A_1402 = arith.constant 0 : i32
      %dma_wait3A_1403 = tpu.memref_slice %dma_wait3A_1400[%dma_wait3A_1395, %dma_wait3A_1401, %dma_wait3A_1402] : memref<5x128x32xf32, #tpu.memory_space<vmem>> -> memref<1x128x32xf32, #tpu.memory_space<vmem>>
      %dma_wait3A_1404 = tpu.memref_squeeze %dma_wait3A_1403 : memref<1x128x32xf32, #tpu.memory_space<vmem>> -> memref<128x32xf32, #tpu.memory_space<vmem>>
      %dma_wait3A_1405 = arith.constant 0 : i32
      %dma_wait3A_1406 = tpu.memref_slice %arg6[%add3A_1393, %dma_wait3A_1405] : memref<200x128xi32, #tpu.memory_space<vmem>> -> memref<1x128xi32, #tpu.memory_space<vmem>>
      %dma_wait3A_1407 = tpu.memref_squeeze %dma_wait3A_1406 : memref<1x128xi32, #tpu.memory_space<vmem>> -> memref<128xi32, #tpu.memory_space<vmem>>
      %dma_wait3A_1408 = arith.constant 0 : i32
      %dma_wait3A_1409 = arith.constant 0 : i32
      %dma_wait3A_1410 = tpu.memref_slice %arg2[%dma_wait3A_1408, %dma_wait3A_1409] : memref<1007616x32xf32, #tpu.memory_space<hbm>> -> memref<1007616x32xf32, #tpu.memory_space<hbm>>
      tpu.wait_indirect_dma semaphore(%arg10 : memref<!tpu.dma_semaphore, #tpu.memory_space<semaphore_mem>>) src(%dma_wait3A_1410 : memref<1007616x32xf32, #tpu.memory_space<hbm>>) dst(%dma_wait3A_1404 : memref<128x32xf32, #tpu.memory_space<vmem>>)
      %mul3A_1411 = arith.constant 5 : i32
      %mul3A_1412 = arith.muli %add3A_1156, %mul3A_1411 : i32
      %add3A_1413 = arith.constant 2 : i32
      %add3A_1414 = arith.addi %mul3A_1412, %add3A_1413 : i32
      %dma_wait3A_1415 = arith.constant 1 : i32
      %dma_wait3A_1416 = arith.constant 2 : i32
      %dma_wait3A_1417 = arith.constant 0 : i32
      %dma_wait3A_1418 = arith.constant 0 : i32
      %dma_wait3A_1419 = arith.constant 0 : i32
      %dma_wait3A_1420 = tpu.memref_slice %arg8[%dma_wait3A_1415, %dma_wait3A_1417, %dma_wait3A_1418, %dma_wait3A_1419] : memref<2x5x128x32xf32, #tpu.memory_space<vmem>> -> memref<1x5x128x32xf32, #tpu.memory_space<vmem>>
      %dma_wait3A_1421 = tpu.memref_squeeze %dma_wait3A_1420 : memref<1x5x128x32xf32, #tpu.memory_space<vmem>> -> memref<5x128x32xf32, #tpu.memory_space<vmem>>
      %dma_wait3A_1422 = arith.constant 0 : i32
      %dma_wait3A_1423 = arith.constant 0 : i32
      %dma_wait3A_1424 = tpu.memref_slice %dma_wait3A_1421[%dma_wait3A_1416, %dma_wait3A_1422, %dma_wait3A_1423] : memref<5x128x32xf32, #tpu.memory_space<vmem>> -> memref<1x128x32xf32, #tpu.memory_space<vmem>>
      %dma_wait3A_1425 = tpu.memref_squeeze %dma_wait3A_1424 : memref<1x128x32xf32, #tpu.memory_space<vmem>> -> memref<128x32xf32, #tpu.memory_space<vmem>>
      %dma_wait3A_1426 = arith.constant 0 : i32
      %dma_wait3A_1427 = tpu.memref_slice %arg6[%add3A_1414, %dma_wait3A_1426] : memref<200x128xi32, #tpu.memory_space<vmem>> -> memref<1x128xi32, #tpu.memory_space<vmem>>
      %dma_wait3A_1428 = tpu.memref_squeeze %dma_wait3A_1427 : memref<1x128xi32, #tpu.memory_space<vmem>> -> memref<128xi32, #tpu.memory_space<vmem>>
      %dma_wait3A_1429 = arith.constant 0 : i32
      %dma_wait3A_1430 = arith.constant 0 : i32
      %dma_wait3A_1431 = tpu.memref_slice %arg2[%dma_wait3A_1429, %dma_wait3A_1430] : memref<1007616x32xf32, #tpu.memory_space<hbm>> -> memref<1007616x32xf32, #tpu.memory_space<hbm>>
      tpu.wait_indirect_dma semaphore(%arg10 : memref<!tpu.dma_semaphore, #tpu.memory_space<semaphore_mem>>) src(%dma_wait3A_1431 : memref<1007616x32xf32, #tpu.memory_space<hbm>>) dst(%dma_wait3A_1425 : memref<128x32xf32, #tpu.memory_space<vmem>>)
      %mul3A_1432 = arith.constant 5 : i32
      %mul3A_1433 = arith.muli %add3A_1156, %mul3A_1432 : i32
      %add3A_1434 = arith.constant 3 : i32
      %add3A_1435 = arith.addi %mul3A_1433, %add3A_1434 : i32
      %dma_wait3A_1436 = arith.constant 1 : i32
      %dma_wait3A_1437 = arith.constant 3 : i32
      %dma_wait3A_1438 = arith.constant 0 : i32
      %dma_wait3A_1439 = arith.constant 0 : i32
      %dma_wait3A_1440 = arith.constant 0 : i32
      %dma_wait3A_1441 = tpu.memref_slice %arg8[%dma_wait3A_1436, %dma_wait3A_1438, %dma_wait3A_1439, %dma_wait3A_1440] : memref<2x5x128x32xf32, #tpu.memory_space<vmem>> -> memref<1x5x128x32xf32, #tpu.memory_space<vmem>>
      %dma_wait3A_1442 = tpu.memref_squeeze %dma_wait3A_1441 : memref<1x5x128x32xf32, #tpu.memory_space<vmem>> -> memref<5x128x32xf32, #tpu.memory_space<vmem>>
      %dma_wait3A_1443 = arith.constant 0 : i32
      %dma_wait3A_1444 = arith.constant 0 : i32
      %dma_wait3A_1445 = tpu.memref_slice %dma_wait3A_1442[%dma_wait3A_1437, %dma_wait3A_1443, %dma_wait3A_1444] : memref<5x128x32xf32, #tpu.memory_space<vmem>> -> memref<1x128x32xf32, #tpu.memory_space<vmem>>
      %dma_wait3A_1446 = tpu.memref_squeeze %dma_wait3A_1445 : memref<1x128x32xf32, #tpu.memory_space<vmem>> -> memref<128x32xf32, #tpu.memory_space<vmem>>
      %dma_wait3A_1447 = arith.constant 0 : i32
      %dma_wait3A_1448 = tpu.memref_slice %arg6[%add3A_1435, %dma_wait3A_1447] : memref<200x128xi32, #tpu.memory_space<vmem>> -> memref<1x128xi32, #tpu.memory_space<vmem>>
      %dma_wait3A_1449 = tpu.memref_squeeze %dma_wait3A_1448 : memref<1x128xi32, #tpu.memory_space<vmem>> -> memref<128xi32, #tpu.memory_space<vmem>>
      %dma_wait3A_1450 = arith.constant 0 : i32
      %dma_wait3A_1451 = arith.constant 0 : i32
      %dma_wait3A_1452 = tpu.memref_slice %arg2[%dma_wait3A_1450, %dma_wait3A_1451] : memref<1007616x32xf32, #tpu.memory_space<hbm>> -> memref<1007616x32xf32, #tpu.memory_space<hbm>>
      tpu.wait_indirect_dma semaphore(%arg10 : memref<!tpu.dma_semaphore, #tpu.memory_space<semaphore_mem>>) src(%dma_wait3A_1452 : memref<1007616x32xf32, #tpu.memory_space<hbm>>) dst(%dma_wait3A_1446 : memref<128x32xf32, #tpu.memory_space<vmem>>)
      %mul3A_1453 = arith.constant 5 : i32
      %mul3A_1454 = arith.muli %add3A_1156, %mul3A_1453 : i32
      %add3A_1455 = arith.constant 4 : i32
      %add3A_1456 = arith.addi %mul3A_1454, %add3A_1455 : i32
      %dma_wait3A_1457 = arith.constant 1 : i32
      %dma_wait3A_1458 = arith.constant 4 : i32
      %dma_wait3A_1459 = arith.constant 0 : i32
      %dma_wait3A_1460 = arith.constant 0 : i32
      %dma_wait3A_1461 = arith.constant 0 : i32
      %dma_wait3A_1462 = tpu.memref_slice %arg8[%dma_wait3A_1457, %dma_wait3A_1459, %dma_wait3A_1460, %dma_wait3A_1461] : memref<2x5x128x32xf32, #tpu.memory_space<vmem>> -> memref<1x5x128x32xf32, #tpu.memory_space<vmem>>
      %dma_wait3A_1463 = tpu.memref_squeeze %dma_wait3A_1462 : memref<1x5x128x32xf32, #tpu.memory_space<vmem>> -> memref<5x128x32xf32, #tpu.memory_space<vmem>>
      %dma_wait3A_1464 = arith.constant 0 : i32
      %dma_wait3A_1465 = arith.constant 0 : i32
      %dma_wait3A_1466 = tpu.memref_slice %dma_wait3A_1463[%dma_wait3A_1458, %dma_wait3A_1464, %dma_wait3A_1465] : memref<5x128x32xf32, #tpu.memory_space<vmem>> -> memref<1x128x32xf32, #tpu.memory_space<vmem>>
      %dma_wait3A_1467 = tpu.memref_squeeze %dma_wait3A_1466 : memref<1x128x32xf32, #tpu.memory_space<vmem>> -> memref<128x32xf32, #tpu.memory_space<vmem>>
      %dma_wait3A_1468 = arith.constant 0 : i32
      %dma_wait3A_1469 = tpu.memref_slice %arg6[%add3A_1456, %dma_wait3A_1468] : memref<200x128xi32, #tpu.memory_space<vmem>> -> memref<1x128xi32, #tpu.memory_space<vmem>>
      %dma_wait3A_1470 = tpu.memref_squeeze %dma_wait3A_1469 : memref<1x128xi32, #tpu.memory_space<vmem>> -> memref<128xi32, #tpu.memory_space<vmem>>
      %dma_wait3A_1471 = arith.constant 0 : i32
      %dma_wait3A_1472 = arith.constant 0 : i32
      %dma_wait3A_1473 = tpu.memref_slice %arg2[%dma_wait3A_1471, %dma_wait3A_1472] : memref<1007616x32xf32, #tpu.memory_space<hbm>> -> memref<1007616x32xf32, #tpu.memory_space<hbm>>
      tpu.wait_indirect_dma semaphore(%arg10 : memref<!tpu.dma_semaphore, #tpu.memory_space<semaphore_mem>>) src(%dma_wait3A_1473 : memref<1007616x32xf32, #tpu.memory_space<hbm>>) dst(%dma_wait3A_1467 : memref<128x32xf32, #tpu.memory_space<vmem>>)
      %mul3A_1474 = arith.constant 5 : i32
      %mul3A_1475 = arith.muli %add3A_1156, %mul3A_1474 : i32
      %add3A_1476 = arith.constant 0 : i32
      %add3A_1477 = arith.addi %mul3A_1475, %add3A_1476 : i32
      %dma_start3A_1478 = arith.constant 1 : i32
      %dma_start3A_1479 = arith.constant 0 : i32
      %dma_start3A_1480 = arith.constant 0 : i32
      %dma_start3A_1481 = arith.constant 0 : i32
      %dma_start3A_1482 = arith.constant 0 : i32
      %dma_start3A_1483 = tpu.memref_slice %arg8[%dma_start3A_1478, %dma_start3A_1480, %dma_start3A_1481, %dma_start3A_1482] : memref<2x5x128x32xf32, #tpu.memory_space<vmem>> -> memref<1x5x128x32xf32, #tpu.memory_space<vmem>>
      %dma_start3A_1484 = tpu.memref_squeeze %dma_start3A_1483 : memref<1x5x128x32xf32, #tpu.memory_space<vmem>> -> memref<5x128x32xf32, #tpu.memory_space<vmem>>
      %dma_start3A_1485 = arith.constant 0 : i32
      %dma_start3A_1486 = arith.constant 0 : i32
      %dma_start3A_1487 = tpu.memref_slice %dma_start3A_1484[%dma_start3A_1479, %dma_start3A_1485, %dma_start3A_1486] : memref<5x128x32xf32, #tpu.memory_space<vmem>> -> memref<1x128x32xf32, #tpu.memory_space<vmem>>
      %dma_start3A_1488 = tpu.memref_squeeze %dma_start3A_1487 : memref<1x128x32xf32, #tpu.memory_space<vmem>> -> memref<128x32xf32, #tpu.memory_space<vmem>>
      %dma_start3A_1489 = arith.constant 0 : i32
      %dma_start3A_1490 = tpu.memref_slice %arg7[%add3A_1477, %dma_start3A_1489] : memref<200x128xi32, #tpu.memory_space<vmem>> -> memref<1x128xi32, #tpu.memory_space<vmem>>
      %dma_start3A_1491 = tpu.memref_squeeze %dma_start3A_1490 : memref<1x128xi32, #tpu.memory_space<vmem>> -> memref<128xi32, #tpu.memory_space<vmem>>
      %dma_start3A_1492 = arith.constant 0 : i32
      %dma_start3A_1493 = arith.constant 0 : i32
      %dma_start3A_1494 = tpu.memref_slice %arg5[%dma_start3A_1492, %dma_start3A_1493] : memref<819200x32xf32, #tpu.memory_space<hbm>> -> memref<819200x32xf32, #tpu.memory_space<hbm>>
      tpu.enqueue_indirect_dma source(%dma_start3A_1488 : memref<128x32xf32, #tpu.memory_space<vmem>>) target(%dma_start3A_1494 : memref<819200x32xf32, #tpu.memory_space<hbm>>) offsets(%dma_start3A_1491 : memref<128xi32, #tpu.memory_space<vmem>>) semaphore(%arg12 : memref<!tpu.dma_semaphore, #tpu.memory_space<semaphore_mem>>)
      %mul3A_1495 = arith.constant 5 : i32
      %mul3A_1496 = arith.muli %add3A_1156, %mul3A_1495 : i32
      %add3A_1497 = arith.constant 1 : i32
      %add3A_1498 = arith.addi %mul3A_1496, %add3A_1497 : i32
      %dma_start3A_1499 = arith.constant 1 : i32
      %dma_start3A_1500 = arith.constant 1 : i32
      %dma_start3A_1501 = arith.constant 0 : i32
      %dma_start3A_1502 = arith.constant 0 : i32
      %dma_start3A_1503 = arith.constant 0 : i32
      %dma_start3A_1504 = tpu.memref_slice %arg8[%dma_start3A_1499, %dma_start3A_1501, %dma_start3A_1502, %dma_start3A_1503] : memref<2x5x128x32xf32, #tpu.memory_space<vmem>> -> memref<1x5x128x32xf32, #tpu.memory_space<vmem>>
      %dma_start3A_1505 = tpu.memref_squeeze %dma_start3A_1504 : memref<1x5x128x32xf32, #tpu.memory_space<vmem>> -> memref<5x128x32xf32, #tpu.memory_space<vmem>>
      %dma_start3A_1506 = arith.constant 0 : i32
      %dma_start3A_1507 = arith.constant 0 : i32
      %dma_start3A_1508 = tpu.memref_slice %dma_start3A_1505[%dma_start3A_1500, %dma_start3A_1506, %dma_start3A_1507] : memref<5x128x32xf32, #tpu.memory_space<vmem>> -> memref<1x128x32xf32, #tpu.memory_space<vmem>>
      %dma_start3A_1509 = tpu.memref_squeeze %dma_start3A_1508 : memref<1x128x32xf32, #tpu.memory_space<vmem>> -> memref<128x32xf32, #tpu.memory_space<vmem>>
      %dma_start3A_1510 = arith.constant 0 : i32
      %dma_start3A_1511 = tpu.memref_slice %arg7[%add3A_1498, %dma_start3A_1510] : memref<200x128xi32, #tpu.memory_space<vmem>> -> memref<1x128xi32, #tpu.memory_space<vmem>>
      %dma_start3A_1512 = tpu.memref_squeeze %dma_start3A_1511 : memref<1x128xi32, #tpu.memory_space<vmem>> -> memref<128xi32, #tpu.memory_space<vmem>>
      %dma_start3A_1513 = arith.constant 0 : i32
      %dma_start3A_1514 = arith.constant 0 : i32
      %dma_start3A_1515 = tpu.memref_slice %arg5[%dma_start3A_1513, %dma_start3A_1514] : memref<819200x32xf32, #tpu.memory_space<hbm>> -> memref<819200x32xf32, #tpu.memory_space<hbm>>
      tpu.enqueue_indirect_dma source(%dma_start3A_1509 : memref<128x32xf32, #tpu.memory_space<vmem>>) target(%dma_start3A_1515 : memref<819200x32xf32, #tpu.memory_space<hbm>>) offsets(%dma_start3A_1512 : memref<128xi32, #tpu.memory_space<vmem>>) semaphore(%arg12 : memref<!tpu.dma_semaphore, #tpu.memory_space<semaphore_mem>>)
      %mul3A_1516 = arith.constant 5 : i32
      %mul3A_1517 = arith.muli %add3A_1156, %mul3A_1516 : i32
      %add3A_1518 = arith.constant 2 : i32
      %add3A_1519 = arith.addi %mul3A_1517, %add3A_1518 : i32
      %dma_start3A_1520 = arith.constant 1 : i32
      %dma_start3A_1521 = arith.constant 2 : i32
      %dma_start3A_1522 = arith.constant 0 : i32
      %dma_start3A_1523 = arith.constant 0 : i32
      %dma_start3A_1524 = arith.constant 0 : i32
      %dma_start3A_1525 = tpu.memref_slice %arg8[%dma_start3A_1520, %dma_start3A_1522, %dma_start3A_1523, %dma_start3A_1524] : memref<2x5x128x32xf32, #tpu.memory_space<vmem>> -> memref<1x5x128x32xf32, #tpu.memory_space<vmem>>
      %dma_start3A_1526 = tpu.memref_squeeze %dma_start3A_1525 : memref<1x5x128x32xf32, #tpu.memory_space<vmem>> -> memref<5x128x32xf32, #tpu.memory_space<vmem>>
      %dma_start3A_1527 = arith.constant 0 : i32
      %dma_start3A_1528 = arith.constant 0 : i32
      %dma_start3A_1529 = tpu.memref_slice %dma_start3A_1526[%dma_start3A_1521, %dma_start3A_1527, %dma_start3A_1528] : memref<5x128x32xf32, #tpu.memory_space<vmem>> -> memref<1x128x32xf32, #tpu.memory_space<vmem>>
      %dma_start3A_1530 = tpu.memref_squeeze %dma_start3A_1529 : memref<1x128x32xf32, #tpu.memory_space<vmem>> -> memref<128x32xf32, #tpu.memory_space<vmem>>
      %dma_start3A_1531 = arith.constant 0 : i32
      %dma_start3A_1532 = tpu.memref_slice %arg7[%add3A_1519, %dma_start3A_1531] : memref<200x128xi32, #tpu.memory_space<vmem>> -> memref<1x128xi32, #tpu.memory_space<vmem>>
      %dma_start3A_1533 = tpu.memref_squeeze %dma_start3A_1532 : memref<1x128xi32, #tpu.memory_space<vmem>> -> memref<128xi32, #tpu.memory_space<vmem>>
      %dma_start3A_1534 = arith.constant 0 : i32
      %dma_start3A_1535 = arith.constant 0 : i32
      %dma_start3A_1536 = tpu.memref_slice %arg5[%dma_start3A_1534, %dma_start3A_1535] : memref<819200x32xf32, #tpu.memory_space<hbm>> -> memref<819200x32xf32, #tpu.memory_space<hbm>>
      tpu.enqueue_indirect_dma source(%dma_start3A_1530 : memref<128x32xf32, #tpu.memory_space<vmem>>) target(%dma_start3A_1536 : memref<819200x32xf32, #tpu.memory_space<hbm>>) offsets(%dma_start3A_1533 : memref<128xi32, #tpu.memory_space<vmem>>) semaphore(%arg12 : memref<!tpu.dma_semaphore, #tpu.memory_space<semaphore_mem>>)
      %mul3A_1537 = arith.constant 5 : i32
      %mul3A_1538 = arith.muli %add3A_1156, %mul3A_1537 : i32
      %add3A_1539 = arith.constant 3 : i32
      %add3A_1540 = arith.addi %mul3A_1538, %add3A_1539 : i32
      %dma_start3A_1541 = arith.constant 1 : i32
      %dma_start3A_1542 = arith.constant 3 : i32
      %dma_start3A_1543 = arith.constant 0 : i32
      %dma_start3A_1544 = arith.constant 0 : i32
      %dma_start3A_1545 = arith.constant 0 : i32
      %dma_start3A_1546 = tpu.memref_slice %arg8[%dma_start3A_1541, %dma_start3A_1543, %dma_start3A_1544, %dma_start3A_1545] : memref<2x5x128x32xf32, #tpu.memory_space<vmem>> -> memref<1x5x128x32xf32, #tpu.memory_space<vmem>>
      %dma_start3A_1547 = tpu.memref_squeeze %dma_start3A_1546 : memref<1x5x128x32xf32, #tpu.memory_space<vmem>> -> memref<5x128x32xf32, #tpu.memory_space<vmem>>
      %dma_start3A_1548 = arith.constant 0 : i32
      %dma_start3A_1549 = arith.constant 0 : i32
      %dma_start3A_1550 = tpu.memref_slice %dma_start3A_1547[%dma_start3A_1542, %dma_start3A_1548, %dma_start3A_1549] : memref<5x128x32xf32, #tpu.memory_space<vmem>> -> memref<1x128x32xf32, #tpu.memory_space<vmem>>
      %dma_start3A_1551 = tpu.memref_squeeze %dma_start3A_1550 : memref<1x128x32xf32, #tpu.memory_space<vmem>> -> memref<128x32xf32, #tpu.memory_space<vmem>>
      %dma_start3A_1552 = arith.constant 0 : i32
      %dma_start3A_1553 = tpu.memref_slice %arg7[%add3A_1540, %dma_start3A_1552] : memref<200x128xi32, #tpu.memory_space<vmem>> -> memref<1x128xi32, #tpu.memory_space<vmem>>
      %dma_start3A_1554 = tpu.memref_squeeze %dma_start3A_1553 : memref<1x128xi32, #tpu.memory_space<vmem>> -> memref<128xi32, #tpu.memory_space<vmem>>
      %dma_start3A_1555 = arith.constant 0 : i32
      %dma_start3A_1556 = arith.constant 0 : i32
      %dma_start3A_1557 = tpu.memref_slice %arg5[%dma_start3A_1555, %dma_start3A_1556] : memref<819200x32xf32, #tpu.memory_space<hbm>> -> memref<819200x32xf32, #tpu.memory_space<hbm>>
      tpu.enqueue_indirect_dma source(%dma_start3A_1551 : memref<128x32xf32, #tpu.memory_space<vmem>>) target(%dma_start3A_1557 : memref<819200x32xf32, #tpu.memory_space<hbm>>) offsets(%dma_start3A_1554 : memref<128xi32, #tpu.memory_space<vmem>>) semaphore(%arg12 : memref<!tpu.dma_semaphore, #tpu.memory_space<semaphore_mem>>)
      %mul3A_1558 = arith.constant 5 : i32
      %mul3A_1559 = arith.muli %add3A_1156, %mul3A_1558 : i32
      %add3A_1560 = arith.constant 4 : i32
      %add3A_1561 = arith.addi %mul3A_1559, %add3A_1560 : i32
      %dma_start3A_1562 = arith.constant 1 : i32
      %dma_start3A_1563 = arith.constant 4 : i32
      %dma_start3A_1564 = arith.constant 0 : i32
      %dma_start3A_1565 = arith.constant 0 : i32
      %dma_start3A_1566 = arith.constant 0 : i32
      %dma_start3A_1567 = tpu.memref_slice %arg8[%dma_start3A_1562, %dma_start3A_1564, %dma_start3A_1565, %dma_start3A_1566] : memref<2x5x128x32xf32, #tpu.memory_space<vmem>> -> memref<1x5x128x32xf32, #tpu.memory_space<vmem>>
      %dma_start3A_1568 = tpu.memref_squeeze %dma_start3A_1567 : memref<1x5x128x32xf32, #tpu.memory_space<vmem>> -> memref<5x128x32xf32, #tpu.memory_space<vmem>>
      %dma_start3A_1569 = arith.constant 0 : i32
      %dma_start3A_1570 = arith.constant 0 : i32
      %dma_start3A_1571 = tpu.memref_slice %dma_start3A_1568[%dma_start3A_1563, %dma_start3A_1569, %dma_start3A_1570] : memref<5x128x32xf32, #tpu.memory_space<vmem>> -> memref<1x128x32xf32, #tpu.memory_space<vmem>>
      %dma_start3A_1572 = tpu.memref_squeeze %dma_start3A_1571 : memref<1x128x32xf32, #tpu.memory_space<vmem>> -> memref<128x32xf32, #tpu.memory_space<vmem>>
      %dma_start3A_1573 = arith.constant 0 : i32
      %dma_start3A_1574 = tpu.memref_slice %arg7[%add3A_1561, %dma_start3A_1573] : memref<200x128xi32, #tpu.memory_space<vmem>> -> memref<1x128xi32, #tpu.memory_space<vmem>>
      %dma_start3A_1575 = tpu.memref_squeeze %dma_start3A_1574 : memref<1x128xi32, #tpu.memory_space<vmem>> -> memref<128xi32, #tpu.memory_space<vmem>>
      %dma_start3A_1576 = arith.constant 0 : i32
      %dma_start3A_1577 = arith.constant 0 : i32
      %dma_start3A_1578 = tpu.memref_slice %arg5[%dma_start3A_1576, %dma_start3A_1577] : memref<819200x32xf32, #tpu.memory_space<hbm>> -> memref<819200x32xf32, #tpu.memory_space<hbm>>
      tpu.enqueue_indirect_dma source(%dma_start3A_1572 : memref<128x32xf32, #tpu.memory_space<vmem>>) target(%dma_start3A_1578 : memref<819200x32xf32, #tpu.memory_space<hbm>>) offsets(%dma_start3A_1575 : memref<128xi32, #tpu.memory_space<vmem>>) semaphore(%arg12 : memref<!tpu.dma_semaphore, #tpu.memory_space<semaphore_mem>>)
    }
    %scan3A_546 = arith.constant 19 : i32
    %dma_wait3A_547 = arith.constant 0 : i32
    %dma_wait3A_548 = arith.constant 0 : i32
    %dma_wait3A_549 = arith.constant 190 : i32
    %dma_wait3A_550 = arith.constant 0 : i32
    %dma_wait3A_551 = arith.constant 0 : i32
    %dma_wait3A_552 = arith.constant 0 : i32
    %dma_wait3A_553 = tpu.memref_slice %arg8[%dma_wait3A_547, %dma_wait3A_550, %dma_wait3A_551, %dma_wait3A_552] : memref<2x5x128x32xf32, #tpu.memory_space<vmem>> -> memref<1x5x128x32xf32, #tpu.memory_space<vmem>>
    %dma_wait3A_554 = tpu.memref_squeeze %dma_wait3A_553 : memref<1x5x128x32xf32, #tpu.memory_space<vmem>> -> memref<5x128x32xf32, #tpu.memory_space<vmem>>
    %dma_wait3A_555 = arith.constant 0 : i32
    %dma_wait3A_556 = arith.constant 0 : i32
    %dma_wait3A_557 = tpu.memref_slice %dma_wait3A_554[%dma_wait3A_548, %dma_wait3A_555, %dma_wait3A_556] : memref<5x128x32xf32, #tpu.memory_space<vmem>> -> memref<1x128x32xf32, #tpu.memory_space<vmem>>
    %dma_wait3A_558 = tpu.memref_squeeze %dma_wait3A_557 : memref<1x128x32xf32, #tpu.memory_space<vmem>> -> memref<128x32xf32, #tpu.memory_space<vmem>>
    %dma_wait3A_559 = arith.constant 0 : i32
    %dma_wait3A_560 = tpu.memref_slice %arg7[%dma_wait3A_549, %dma_wait3A_559] : memref<200x128xi32, #tpu.memory_space<vmem>> -> memref<1x128xi32, #tpu.memory_space<vmem>>
    %dma_wait3A_561 = tpu.memref_squeeze %dma_wait3A_560 : memref<1x128xi32, #tpu.memory_space<vmem>> -> memref<128xi32, #tpu.memory_space<vmem>>
    %dma_wait3A_562 = arith.constant 0 : i32
    %dma_wait3A_563 = arith.constant 0 : i32
    %dma_wait3A_564 = tpu.memref_slice %arg5[%dma_wait3A_562, %dma_wait3A_563] : memref<819200x32xf32, #tpu.memory_space<hbm>> -> memref<819200x32xf32, #tpu.memory_space<hbm>>
    tpu.wait_indirect_dma semaphore(%arg11 : memref<!tpu.dma_semaphore, #tpu.memory_space<semaphore_mem>>) src(%dma_wait3A_558 : memref<128x32xf32, #tpu.memory_space<vmem>>) dst(%dma_wait3A_564 : memref<819200x32xf32, #tpu.memory_space<hbm>>)
    %dma_wait3A_565 = arith.constant 0 : i32
    %dma_wait3A_566 = arith.constant 1 : i32
    %dma_wait3A_567 = arith.constant 191 : i32
    %dma_wait3A_568 = arith.constant 0 : i32
    %dma_wait3A_569 = arith.constant 0 : i32
    %dma_wait3A_570 = arith.constant 0 : i32
    %dma_wait3A_571 = tpu.memref_slice %arg8[%dma_wait3A_565, %dma_wait3A_568, %dma_wait3A_569, %dma_wait3A_570] : memref<2x5x128x32xf32, #tpu.memory_space<vmem>> -> memref<1x5x128x32xf32, #tpu.memory_space<vmem>>
    %dma_wait3A_572 = tpu.memref_squeeze %dma_wait3A_571 : memref<1x5x128x32xf32, #tpu.memory_space<vmem>> -> memref<5x128x32xf32, #tpu.memory_space<vmem>>
    %dma_wait3A_573 = arith.constant 0 : i32
    %dma_wait3A_574 = arith.constant 0 : i32
    %dma_wait3A_575 = tpu.memref_slice %dma_wait3A_572[%dma_wait3A_566, %dma_wait3A_573, %dma_wait3A_574] : memref<5x128x32xf32, #tpu.memory_space<vmem>> -> memref<1x128x32xf32, #tpu.memory_space<vmem>>
    %dma_wait3A_576 = tpu.memref_squeeze %dma_wait3A_575 : memref<1x128x32xf32, #tpu.memory_space<vmem>> -> memref<128x32xf32, #tpu.memory_space<vmem>>
    %dma_wait3A_577 = arith.constant 0 : i32
    %dma_wait3A_578 = tpu.memref_slice %arg7[%dma_wait3A_567, %dma_wait3A_577] : memref<200x128xi32, #tpu.memory_space<vmem>> -> memref<1x128xi32, #tpu.memory_space<vmem>>
    %dma_wait3A_579 = tpu.memref_squeeze %dma_wait3A_578 : memref<1x128xi32, #tpu.memory_space<vmem>> -> memref<128xi32, #tpu.memory_space<vmem>>
    %dma_wait3A_580 = arith.constant 0 : i32
    %dma_wait3A_581 = arith.constant 0 : i32
    %dma_wait3A_582 = tpu.memref_slice %arg5[%dma_wait3A_580, %dma_wait3A_581] : memref<819200x32xf32, #tpu.memory_space<hbm>> -> memref<819200x32xf32, #tpu.memory_space<hbm>>
    tpu.wait_indirect_dma semaphore(%arg11 : memref<!tpu.dma_semaphore, #tpu.memory_space<semaphore_mem>>) src(%dma_wait3A_576 : memref<128x32xf32, #tpu.memory_space<vmem>>) dst(%dma_wait3A_582 : memref<819200x32xf32, #tpu.memory_space<hbm>>)
    %dma_wait3A_583 = arith.constant 0 : i32
    %dma_wait3A_584 = arith.constant 2 : i32
    %dma_wait3A_585 = arith.constant 192 : i32
    %dma_wait3A_586 = arith.constant 0 : i32
    %dma_wait3A_587 = arith.constant 0 : i32
    %dma_wait3A_588 = arith.constant 0 : i32
    %dma_wait3A_589 = tpu.memref_slice %arg8[%dma_wait3A_583, %dma_wait3A_586, %dma_wait3A_587, %dma_wait3A_588] : memref<2x5x128x32xf32, #tpu.memory_space<vmem>> -> memref<1x5x128x32xf32, #tpu.memory_space<vmem>>
    %dma_wait3A_590 = tpu.memref_squeeze %dma_wait3A_589 : memref<1x5x128x32xf32, #tpu.memory_space<vmem>> -> memref<5x128x32xf32, #tpu.memory_space<vmem>>
    %dma_wait3A_591 = arith.constant 0 : i32
    %dma_wait3A_592 = arith.constant 0 : i32
    %dma_wait3A_593 = tpu.memref_slice %dma_wait3A_590[%dma_wait3A_584, %dma_wait3A_591, %dma_wait3A_592] : memref<5x128x32xf32, #tpu.memory_space<vmem>> -> memref<1x128x32xf32, #tpu.memory_space<vmem>>
    %dma_wait3A_594 = tpu.memref_squeeze %dma_wait3A_593 : memref<1x128x32xf32, #tpu.memory_space<vmem>> -> memref<128x32xf32, #tpu.memory_space<vmem>>
    %dma_wait3A_595 = arith.constant 0 : i32
    %dma_wait3A_596 = tpu.memref_slice %arg7[%dma_wait3A_585, %dma_wait3A_595] : memref<200x128xi32, #tpu.memory_space<vmem>> -> memref<1x128xi32, #tpu.memory_space<vmem>>
    %dma_wait3A_597 = tpu.memref_squeeze %dma_wait3A_596 : memref<1x128xi32, #tpu.memory_space<vmem>> -> memref<128xi32, #tpu.memory_space<vmem>>
    %dma_wait3A_598 = arith.constant 0 : i32
    %dma_wait3A_599 = arith.constant 0 : i32
    %dma_wait3A_600 = tpu.memref_slice %arg5[%dma_wait3A_598, %dma_wait3A_599] : memref<819200x32xf32, #tpu.memory_space<hbm>> -> memref<819200x32xf32, #tpu.memory_space<hbm>>
    tpu.wait_indirect_dma semaphore(%arg11 : memref<!tpu.dma_semaphore, #tpu.memory_space<semaphore_mem>>) src(%dma_wait3A_594 : memref<128x32xf32, #tpu.memory_space<vmem>>) dst(%dma_wait3A_600 : memref<819200x32xf32, #tpu.memory_space<hbm>>)
    %dma_wait3A_601 = arith.constant 0 : i32
    %dma_wait3A_602 = arith.constant 3 : i32
    %dma_wait3A_603 = arith.constant 193 : i32
    %dma_wait3A_604 = arith.constant 0 : i32
    %dma_wait3A_605 = arith.constant 0 : i32
    %dma_wait3A_606 = arith.constant 0 : i32
    %dma_wait3A_607 = tpu.memref_slice %arg8[%dma_wait3A_601, %dma_wait3A_604, %dma_wait3A_605, %dma_wait3A_606] : memref<2x5x128x32xf32, #tpu.memory_space<vmem>> -> memref<1x5x128x32xf32, #tpu.memory_space<vmem>>
    %dma_wait3A_608 = tpu.memref_squeeze %dma_wait3A_607 : memref<1x5x128x32xf32, #tpu.memory_space<vmem>> -> memref<5x128x32xf32, #tpu.memory_space<vmem>>
    %dma_wait3A_609 = arith.constant 0 : i32
    %dma_wait3A_610 = arith.constant 0 : i32
    %dma_wait3A_611 = tpu.memref_slice %dma_wait3A_608[%dma_wait3A_602, %dma_wait3A_609, %dma_wait3A_610] : memref<5x128x32xf32, #tpu.memory_space<vmem>> -> memref<1x128x32xf32, #tpu.memory_space<vmem>>
    %dma_wait3A_612 = tpu.memref_squeeze %dma_wait3A_611 : memref<1x128x32xf32, #tpu.memory_space<vmem>> -> memref<128x32xf32, #tpu.memory_space<vmem>>
    %dma_wait3A_613 = arith.constant 0 : i32
    %dma_wait3A_614 = tpu.memref_slice %arg7[%dma_wait3A_603, %dma_wait3A_613] : memref<200x128xi32, #tpu.memory_space<vmem>> -> memref<1x128xi32, #tpu.memory_space<vmem>>
    %dma_wait3A_615 = tpu.memref_squeeze %dma_wait3A_614 : memref<1x128xi32, #tpu.memory_space<vmem>> -> memref<128xi32, #tpu.memory_space<vmem>>
    %dma_wait3A_616 = arith.constant 0 : i32
    %dma_wait3A_617 = arith.constant 0 : i32
    %dma_wait3A_618 = tpu.memref_slice %arg5[%dma_wait3A_616, %dma_wait3A_617] : memref<819200x32xf32, #tpu.memory_space<hbm>> -> memref<819200x32xf32, #tpu.memory_space<hbm>>
    tpu.wait_indirect_dma semaphore(%arg11 : memref<!tpu.dma_semaphore, #tpu.memory_space<semaphore_mem>>) src(%dma_wait3A_612 : memref<128x32xf32, #tpu.memory_space<vmem>>) dst(%dma_wait3A_618 : memref<819200x32xf32, #tpu.memory_space<hbm>>)
    %dma_wait3A_619 = arith.constant 0 : i32
    %dma_wait3A_620 = arith.constant 4 : i32
    %dma_wait3A_621 = arith.constant 194 : i32
    %dma_wait3A_622 = arith.constant 0 : i32
    %dma_wait3A_623 = arith.constant 0 : i32
    %dma_wait3A_624 = arith.constant 0 : i32
    %dma_wait3A_625 = tpu.memref_slice %arg8[%dma_wait3A_619, %dma_wait3A_622, %dma_wait3A_623, %dma_wait3A_624] : memref<2x5x128x32xf32, #tpu.memory_space<vmem>> -> memref<1x5x128x32xf32, #tpu.memory_space<vmem>>
    %dma_wait3A_626 = tpu.memref_squeeze %dma_wait3A_625 : memref<1x5x128x32xf32, #tpu.memory_space<vmem>> -> memref<5x128x32xf32, #tpu.memory_space<vmem>>
    %dma_wait3A_627 = arith.constant 0 : i32
    %dma_wait3A_628 = arith.constant 0 : i32
    %dma_wait3A_629 = tpu.memref_slice %dma_wait3A_626[%dma_wait3A_620, %dma_wait3A_627, %dma_wait3A_628] : memref<5x128x32xf32, #tpu.memory_space<vmem>> -> memref<1x128x32xf32, #tpu.memory_space<vmem>>
    %dma_wait3A_630 = tpu.memref_squeeze %dma_wait3A_629 : memref<1x128x32xf32, #tpu.memory_space<vmem>> -> memref<128x32xf32, #tpu.memory_space<vmem>>
    %dma_wait3A_631 = arith.constant 0 : i32
    %dma_wait3A_632 = tpu.memref_slice %arg7[%dma_wait3A_621, %dma_wait3A_631] : memref<200x128xi32, #tpu.memory_space<vmem>> -> memref<1x128xi32, #tpu.memory_space<vmem>>
    %dma_wait3A_633 = tpu.memref_squeeze %dma_wait3A_632 : memref<1x128xi32, #tpu.memory_space<vmem>> -> memref<128xi32, #tpu.memory_space<vmem>>
    %dma_wait3A_634 = arith.constant 0 : i32
    %dma_wait3A_635 = arith.constant 0 : i32
    %dma_wait3A_636 = tpu.memref_slice %arg5[%dma_wait3A_634, %dma_wait3A_635] : memref<819200x32xf32, #tpu.memory_space<hbm>> -> memref<819200x32xf32, #tpu.memory_space<hbm>>
    tpu.wait_indirect_dma semaphore(%arg11 : memref<!tpu.dma_semaphore, #tpu.memory_space<semaphore_mem>>) src(%dma_wait3A_630 : memref<128x32xf32, #tpu.memory_space<vmem>>) dst(%dma_wait3A_636 : memref<819200x32xf32, #tpu.memory_space<hbm>>)
    %dma_wait3A_637 = arith.constant 1 : i32
    %dma_wait3A_638 = arith.constant 0 : i32
    %dma_wait3A_639 = arith.constant 195 : i32
    %dma_wait3A_640 = arith.constant 0 : i32
    %dma_wait3A_641 = arith.constant 0 : i32
    %dma_wait3A_642 = arith.constant 0 : i32
    %dma_wait3A_643 = tpu.memref_slice %arg8[%dma_wait3A_637, %dma_wait3A_640, %dma_wait3A_641, %dma_wait3A_642] : memref<2x5x128x32xf32, #tpu.memory_space<vmem>> -> memref<1x5x128x32xf32, #tpu.memory_space<vmem>>
    %dma_wait3A_644 = tpu.memref_squeeze %dma_wait3A_643 : memref<1x5x128x32xf32, #tpu.memory_space<vmem>> -> memref<5x128x32xf32, #tpu.memory_space<vmem>>
    %dma_wait3A_645 = arith.constant 0 : i32
    %dma_wait3A_646 = arith.constant 0 : i32
    %dma_wait3A_647 = tpu.memref_slice %dma_wait3A_644[%dma_wait3A_638, %dma_wait3A_645, %dma_wait3A_646] : memref<5x128x32xf32, #tpu.memory_space<vmem>> -> memref<1x128x32xf32, #tpu.memory_space<vmem>>
    %dma_wait3A_648 = tpu.memref_squeeze %dma_wait3A_647 : memref<1x128x32xf32, #tpu.memory_space<vmem>> -> memref<128x32xf32, #tpu.memory_space<vmem>>
    %dma_wait3A_649 = arith.constant 0 : i32
    %dma_wait3A_650 = tpu.memref_slice %arg7[%dma_wait3A_639, %dma_wait3A_649] : memref<200x128xi32, #tpu.memory_space<vmem>> -> memref<1x128xi32, #tpu.memory_space<vmem>>
    %dma_wait3A_651 = tpu.memref_squeeze %dma_wait3A_650 : memref<1x128xi32, #tpu.memory_space<vmem>> -> memref<128xi32, #tpu.memory_space<vmem>>
    %dma_wait3A_652 = arith.constant 0 : i32
    %dma_wait3A_653 = arith.constant 0 : i32
    %dma_wait3A_654 = tpu.memref_slice %arg5[%dma_wait3A_652, %dma_wait3A_653] : memref<819200x32xf32, #tpu.memory_space<hbm>> -> memref<819200x32xf32, #tpu.memory_space<hbm>>
    tpu.wait_indirect_dma semaphore(%arg12 : memref<!tpu.dma_semaphore, #tpu.memory_space<semaphore_mem>>) src(%dma_wait3A_648 : memref<128x32xf32, #tpu.memory_space<vmem>>) dst(%dma_wait3A_654 : memref<819200x32xf32, #tpu.memory_space<hbm>>)
    %dma_wait3A_655 = arith.constant 1 : i32
    %dma_wait3A_656 = arith.constant 1 : i32
    %dma_wait3A_657 = arith.constant 196 : i32
    %dma_wait3A_658 = arith.constant 0 : i32
    %dma_wait3A_659 = arith.constant 0 : i32
    %dma_wait3A_660 = arith.constant 0 : i32
    %dma_wait3A_661 = tpu.memref_slice %arg8[%dma_wait3A_655, %dma_wait3A_658, %dma_wait3A_659, %dma_wait3A_660] : memref<2x5x128x32xf32, #tpu.memory_space<vmem>> -> memref<1x5x128x32xf32, #tpu.memory_space<vmem>>
    %dma_wait3A_662 = tpu.memref_squeeze %dma_wait3A_661 : memref<1x5x128x32xf32, #tpu.memory_space<vmem>> -> memref<5x128x32xf32, #tpu.memory_space<vmem>>
    %dma_wait3A_663 = arith.constant 0 : i32
    %dma_wait3A_664 = arith.constant 0 : i32
    %dma_wait3A_665 = tpu.memref_slice %dma_wait3A_662[%dma_wait3A_656, %dma_wait3A_663, %dma_wait3A_664] : memref<5x128x32xf32, #tpu.memory_space<vmem>> -> memref<1x128x32xf32, #tpu.memory_space<vmem>>
    %dma_wait3A_666 = tpu.memref_squeeze %dma_wait3A_665 : memref<1x128x32xf32, #tpu.memory_space<vmem>> -> memref<128x32xf32, #tpu.memory_space<vmem>>
    %dma_wait3A_667 = arith.constant 0 : i32
    %dma_wait3A_668 = tpu.memref_slice %arg7[%dma_wait3A_657, %dma_wait3A_667] : memref<200x128xi32, #tpu.memory_space<vmem>> -> memref<1x128xi32, #tpu.memory_space<vmem>>
    %dma_wait3A_669 = tpu.memref_squeeze %dma_wait3A_668 : memref<1x128xi32, #tpu.memory_space<vmem>> -> memref<128xi32, #tpu.memory_space<vmem>>
    %dma_wait3A_670 = arith.constant 0 : i32
    %dma_wait3A_671 = arith.constant 0 : i32
    %dma_wait3A_672 = tpu.memref_slice %arg5[%dma_wait3A_670, %dma_wait3A_671] : memref<819200x32xf32, #tpu.memory_space<hbm>> -> memref<819200x32xf32, #tpu.memory_space<hbm>>
    tpu.wait_indirect_dma semaphore(%arg12 : memref<!tpu.dma_semaphore, #tpu.memory_space<semaphore_mem>>) src(%dma_wait3A_666 : memref<128x32xf32, #tpu.memory_space<vmem>>) dst(%dma_wait3A_672 : memref<819200x32xf32, #tpu.memory_space<hbm>>)
    %dma_wait3A_673 = arith.constant 1 : i32
    %dma_wait3A_674 = arith.constant 2 : i32
    %dma_wait3A_675 = arith.constant 197 : i32
    %dma_wait3A_676 = arith.constant 0 : i32
    %dma_wait3A_677 = arith.constant 0 : i32
    %dma_wait3A_678 = arith.constant 0 : i32
    %dma_wait3A_679 = tpu.memref_slice %arg8[%dma_wait3A_673, %dma_wait3A_676, %dma_wait3A_677, %dma_wait3A_678] : memref<2x5x128x32xf32, #tpu.memory_space<vmem>> -> memref<1x5x128x32xf32, #tpu.memory_space<vmem>>
    %dma_wait3A_680 = tpu.memref_squeeze %dma_wait3A_679 : memref<1x5x128x32xf32, #tpu.memory_space<vmem>> -> memref<5x128x32xf32, #tpu.memory_space<vmem>>
    %dma_wait3A_681 = arith.constant 0 : i32
    %dma_wait3A_682 = arith.constant 0 : i32
    %dma_wait3A_683 = tpu.memref_slice %dma_wait3A_680[%dma_wait3A_674, %dma_wait3A_681, %dma_wait3A_682] : memref<5x128x32xf32, #tpu.memory_space<vmem>> -> memref<1x128x32xf32, #tpu.memory_space<vmem>>
    %dma_wait3A_684 = tpu.memref_squeeze %dma_wait3A_683 : memref<1x128x32xf32, #tpu.memory_space<vmem>> -> memref<128x32xf32, #tpu.memory_space<vmem>>
    %dma_wait3A_685 = arith.constant 0 : i32
    %dma_wait3A_686 = tpu.memref_slice %arg7[%dma_wait3A_675, %dma_wait3A_685] : memref<200x128xi32, #tpu.memory_space<vmem>> -> memref<1x128xi32, #tpu.memory_space<vmem>>
    %dma_wait3A_687 = tpu.memref_squeeze %dma_wait3A_686 : memref<1x128xi32, #tpu.memory_space<vmem>> -> memref<128xi32, #tpu.memory_space<vmem>>
    %dma_wait3A_688 = arith.constant 0 : i32
    %dma_wait3A_689 = arith.constant 0 : i32
    %dma_wait3A_690 = tpu.memref_slice %arg5[%dma_wait3A_688, %dma_wait3A_689] : memref<819200x32xf32, #tpu.memory_space<hbm>> -> memref<819200x32xf32, #tpu.memory_space<hbm>>
    tpu.wait_indirect_dma semaphore(%arg12 : memref<!tpu.dma_semaphore, #tpu.memory_space<semaphore_mem>>) src(%dma_wait3A_684 : memref<128x32xf32, #tpu.memory_space<vmem>>) dst(%dma_wait3A_690 : memref<819200x32xf32, #tpu.memory_space<hbm>>)
    %dma_wait3A_691 = arith.constant 1 : i32
    %dma_wait3A_692 = arith.constant 3 : i32
    %dma_wait3A_693 = arith.constant 198 : i32
    %dma_wait3A_694 = arith.constant 0 : i32
    %dma_wait3A_695 = arith.constant 0 : i32
    %dma_wait3A_696 = arith.constant 0 : i32
    %dma_wait3A_697 = tpu.memref_slice %arg8[%dma_wait3A_691, %dma_wait3A_694, %dma_wait3A_695, %dma_wait3A_696] : memref<2x5x128x32xf32, #tpu.memory_space<vmem>> -> memref<1x5x128x32xf32, #tpu.memory_space<vmem>>
    %dma_wait3A_698 = tpu.memref_squeeze %dma_wait3A_697 : memref<1x5x128x32xf32, #tpu.memory_space<vmem>> -> memref<5x128x32xf32, #tpu.memory_space<vmem>>
    %dma_wait3A_699 = arith.constant 0 : i32
    %dma_wait3A_700 = arith.constant 0 : i32
    %dma_wait3A_701 = tpu.memref_slice %dma_wait3A_698[%dma_wait3A_692, %dma_wait3A_699, %dma_wait3A_700] : memref<5x128x32xf32, #tpu.memory_space<vmem>> -> memref<1x128x32xf32, #tpu.memory_space<vmem>>
    %dma_wait3A_702 = tpu.memref_squeeze %dma_wait3A_701 : memref<1x128x32xf32, #tpu.memory_space<vmem>> -> memref<128x32xf32, #tpu.memory_space<vmem>>
    %dma_wait3A_703 = arith.constant 0 : i32
    %dma_wait3A_704 = tpu.memref_slice %arg7[%dma_wait3A_693, %dma_wait3A_703] : memref<200x128xi32, #tpu.memory_space<vmem>> -> memref<1x128xi32, #tpu.memory_space<vmem>>
    %dma_wait3A_705 = tpu.memref_squeeze %dma_wait3A_704 : memref<1x128xi32, #tpu.memory_space<vmem>> -> memref<128xi32, #tpu.memory_space<vmem>>
    %dma_wait3A_706 = arith.constant 0 : i32
    %dma_wait3A_707 = arith.constant 0 : i32
    %dma_wait3A_708 = tpu.memref_slice %arg5[%dma_wait3A_706, %dma_wait3A_707] : memref<819200x32xf32, #tpu.memory_space<hbm>> -> memref<819200x32xf32, #tpu.memory_space<hbm>>
    tpu.wait_indirect_dma semaphore(%arg12 : memref<!tpu.dma_semaphore, #tpu.memory_space<semaphore_mem>>) src(%dma_wait3A_702 : memref<128x32xf32, #tpu.memory_space<vmem>>) dst(%dma_wait3A_708 : memref<819200x32xf32, #tpu.memory_space<hbm>>)
    %dma_wait3A_709 = arith.constant 1 : i32
    %dma_wait3A_710 = arith.constant 4 : i32
    %dma_wait3A_711 = arith.constant 199 : i32
    %dma_wait3A_712 = arith.constant 0 : i32
    %dma_wait3A_713 = arith.constant 0 : i32
    %dma_wait3A_714 = arith.constant 0 : i32
    %dma_wait3A_715 = tpu.memref_slice %arg8[%dma_wait3A_709, %dma_wait3A_712, %dma_wait3A_713, %dma_wait3A_714] : memref<2x5x128x32xf32, #tpu.memory_space<vmem>> -> memref<1x5x128x32xf32, #tpu.memory_space<vmem>>
    %dma_wait3A_716 = tpu.memref_squeeze %dma_wait3A_715 : memref<1x5x128x32xf32, #tpu.memory_space<vmem>> -> memref<5x128x32xf32, #tpu.memory_space<vmem>>
    %dma_wait3A_717 = arith.constant 0 : i32
    %dma_wait3A_718 = arith.constant 0 : i32
    %dma_wait3A_719 = tpu.memref_slice %dma_wait3A_716[%dma_wait3A_710, %dma_wait3A_717, %dma_wait3A_718] : memref<5x128x32xf32, #tpu.memory_space<vmem>> -> memref<1x128x32xf32, #tpu.memory_space<vmem>>
    %dma_wait3A_720 = tpu.memref_squeeze %dma_wait3A_719 : memref<1x128x32xf32, #tpu.memory_space<vmem>> -> memref<128x32xf32, #tpu.memory_space<vmem>>
    %dma_wait3A_721 = arith.constant 0 : i32
    %dma_wait3A_722 = tpu.memref_slice %arg7[%dma_wait3A_711, %dma_wait3A_721] : memref<200x128xi32, #tpu.memory_space<vmem>> -> memref<1x128xi32, #tpu.memory_space<vmem>>
    %dma_wait3A_723 = tpu.memref_squeeze %dma_wait3A_722 : memref<1x128xi32, #tpu.memory_space<vmem>> -> memref<128xi32, #tpu.memory_space<vmem>>
    %dma_wait3A_724 = arith.constant 0 : i32
    %dma_wait3A_725 = arith.constant 0 : i32
    %dma_wait3A_726 = tpu.memref_slice %arg5[%dma_wait3A_724, %dma_wait3A_725] : memref<819200x32xf32, #tpu.memory_space<hbm>> -> memref<819200x32xf32, #tpu.memory_space<hbm>>
    tpu.wait_indirect_dma semaphore(%arg12 : memref<!tpu.dma_semaphore, #tpu.memory_space<semaphore_mem>>) src(%dma_wait3A_720 : memref<128x32xf32, #tpu.memory_space<vmem>>) dst(%dma_wait3A_726 : memref<819200x32xf32, #tpu.memory_space<hbm>>)
    return
  }
}

module attributes {stable_mosaic.version = 14 : i64} {
  func.func @body(%arg0: i32, %arg1: memref<32x8192xf32, #tpu.memory_space<vmem>>, %arg2: memref<2048x128xf32, #tpu.memory_space<vmem>>) attributes {dimension_semantics = [#tpu.dimension_semantics<parallel>], iteration_bounds = array<i64: 123>, scalar_prefetch = 0 : i64, scratch_operands = 0 : i64, tpu.core_type = #tpu.core_type<tc>, window_params = [{transform_indices = @transform_0, window_bounds = array<i64: 32, 8192>}, {transform_indices = @transform_1, window_bounds = array<i64: 2048, 128>}]} {
    %get3A = arith.constant 0 : index
    %get3A_0 = arith.constant 0 : index
    %get3A_1 = vector.load %arg1[%get3A, %get3A_0] : memref<32x8192xf32, #tpu.memory_space<vmem>>, vector<32x2048xf32>
    %get3A_2 = arith.constant 0 : index
    %get3A_3 = arith.constant 2048 : index
    %get3A_4 = vector.load %arg1[%get3A_2, %get3A_3] : memref<32x8192xf32, #tpu.memory_space<vmem>>, vector<32x2048xf32>
    %get3A_5 = arith.constant 0 : index
    %get3A_6 = arith.constant 4096 : index
    %get3A_7 = vector.load %arg1[%get3A_5, %get3A_6] : memref<32x8192xf32, #tpu.memory_space<vmem>>, vector<32x2048xf32>
    %get3A_8 = arith.constant 0 : index
    %get3A_9 = arith.constant 6144 : index
    %get3A_10 = vector.load %arg1[%get3A_8, %get3A_9] : memref<32x8192xf32, #tpu.memory_space<vmem>>, vector<32x2048xf32>
    %concatenate3A = tpu.concatenate %get3A_1, %get3A_4, %get3A_7, %get3A_10 in 0 : vector<32x2048xf32>, vector<32x2048xf32>, vector<32x2048xf32>, vector<32x2048xf32> -> vector<128x2048xf32>
    %transpose3A = tpu.transpose %concatenate3A, [1, 0] : vector<128x2048xf32> -> vector<2048x128xf32>
    %swap3A = arith.constant 0 : index
    %swap3A_11 = arith.constant 0 : index
    %swap3A_12 = vector.load %arg2[%swap3A, %swap3A_11] : memref<2048x128xf32, #tpu.memory_space<vmem>>, vector<2048x128xf32>
    tpu.vector_store %arg2[%swap3A, %swap3A_11], %transpose3A {strides = array<i32>} : memref<2048x128xf32, #tpu.memory_space<vmem>>, vector<2048x128xf32>,
    return
  }
  func.func @transform_0(%arg0: i32) -> (i32, i32) {
    %c0_i32 = arith.constant 0 : i32
    %c0_i32_0 = arith.constant 0 : i32
    return %c0_i32, %arg0 : i32, i32
  }
  func.func @transform_1(%arg0: i32) -> (i32, i32) {
    %c0_i32 = arith.constant 0 : i32
    %c0_i32_0 = arith.constant 0 : i32
    return %arg0, %c0_i32 : i32, i32
  }
}

module attributes {stable_mosaic.version = 14 : i64} {
  func.func @body(%arg0: i32, %arg1: memref<1024x128xf32, #tpu.memory_space<vmem>>, %arg2: memref<1x32x4096xf32, #tpu.memory_space<vmem>>) attributes {dimension_semantics = [#tpu.dimension_semantics<parallel>], iteration_bounds = array<i64: 200>, scalar_prefetch = 0 : i64, scratch_operands = 0 : i64, tpu.core_type = #tpu.core_type<tc>, window_params = [{transform_indices = @transform_0, window_bounds = array<i64: 1024, 128>}, {transform_indices = @transform_1, window_bounds = array<i64: 1, 32, 4096>}]} {
    %get3A = arith.constant 0 : index
    %get3A_0 = arith.constant 0 : index
    %get3A_1 = vector.load %arg1[%get3A, %get3A_0] : memref<1024x128xf32, #tpu.memory_space<vmem>>, vector<1024x128xf32>
    %transpose3A = tpu.transpose %get3A_1, [1, 0] : vector<1024x128xf32> -> vector<128x1024xf32>
    %slice3A = vector.extract_strided_slice %transpose3A {offsets = [0, 0], sizes = [32, 1024], strides = [1, 1]} : vector<128x1024xf32> to vector<32x1024xf32>
    %swap3A = arith.constant 0 : index
    %swap3A_2 = arith.constant 0 : index
    %swap3A_3 = arith.constant 0 : index
    %swap3A_4 = vector.load %arg2[%swap3A, %swap3A_2, %swap3A_3] : memref<1x32x4096xf32, #tpu.memory_space<vmem>>, vector<1x32x1024xf32>
    %swap3A_5 = vector.shape_cast %swap3A_4 : vector<1x32x1024xf32> to vector<32x1024xf32>
    %swap3A_6 = vector.shape_cast %slice3A : vector<32x1024xf32> to vector<1x32x1024xf32>
    tpu.vector_store %arg2[%swap3A, %swap3A_2, %swap3A_3], %swap3A_6 {strides = array<i32>} : memref<1x32x4096xf32, #tpu.memory_space<vmem>>, vector<1x32x1024xf32>,
    %slice3A_7 = vector.extract_strided_slice %transpose3A {offsets = [32, 0], sizes = [32, 1024], strides = [1, 1]} : vector<128x1024xf32> to vector<32x1024xf32>
    %swap3A_8 = arith.constant 0 : index
    %swap3A_9 = arith.constant 0 : index
    %swap3A_10 = arith.constant 1024 : index
    %swap3A_11 = vector.load %arg2[%swap3A_8, %swap3A_9, %swap3A_10] : memref<1x32x4096xf32, #tpu.memory_space<vmem>>, vector<1x32x1024xf32>
    %swap3A_12 = vector.shape_cast %swap3A_11 : vector<1x32x1024xf32> to vector<32x1024xf32>
    %swap3A_13 = vector.shape_cast %slice3A_7 : vector<32x1024xf32> to vector<1x32x1024xf32>
    tpu.vector_store %arg2[%swap3A_8, %swap3A_9, %swap3A_10], %swap3A_13 {strides = array<i32>} : memref<1x32x4096xf32, #tpu.memory_space<vmem>>, vector<1x32x1024xf32>,
    %slice3A_14 = vector.extract_strided_slice %transpose3A {offsets = [64, 0], sizes = [32, 1024], strides = [1, 1]} : vector<128x1024xf32> to vector<32x1024xf32>
    %swap3A_15 = arith.constant 0 : index
    %swap3A_16 = arith.constant 0 : index
    %swap3A_17 = arith.constant 2048 : index
    %swap3A_18 = vector.load %arg2[%swap3A_15, %swap3A_16, %swap3A_17] : memref<1x32x4096xf32, #tpu.memory_space<vmem>>, vector<1x32x1024xf32>
    %swap3A_19 = vector.shape_cast %swap3A_18 : vector<1x32x1024xf32> to vector<32x1024xf32>
    %swap3A_20 = vector.shape_cast %slice3A_14 : vector<32x1024xf32> to vector<1x32x1024xf32>
    tpu.vector_store %arg2[%swap3A_15, %swap3A_16, %swap3A_17], %swap3A_20 {strides = array<i32>} : memref<1x32x4096xf32, #tpu.memory_space<vmem>>, vector<1x32x1024xf32>,
    %slice3A_21 = vector.extract_strided_slice %transpose3A {offsets = [96, 0], sizes = [32, 1024], strides = [1, 1]} : vector<128x1024xf32> to vector<32x1024xf32>
    %swap3A_22 = arith.constant 0 : index
    %swap3A_23 = arith.constant 0 : index
    %swap3A_24 = arith.constant 3072 : index
    %swap3A_25 = vector.load %arg2[%swap3A_22, %swap3A_23, %swap3A_24] : memref<1x32x4096xf32, #tpu.memory_space<vmem>>, vector<1x32x1024xf32>
    %swap3A_26 = vector.shape_cast %swap3A_25 : vector<1x32x1024xf32> to vector<32x1024xf32>
    %swap3A_27 = vector.shape_cast %slice3A_21 : vector<32x1024xf32> to vector<1x32x1024xf32>
    tpu.vector_store %arg2[%swap3A_22, %swap3A_23, %swap3A_24], %swap3A_27 {strides = array<i32>} : memref<1x32x4096xf32, #tpu.memory_space<vmem>>, vector<1x32x1024xf32>,
    return
  }
  func.func @transform_0(%arg0: i32) -> (i32, i32) {
    %c0_i32 = arith.constant 0 : i32
    %c0_i32_0 = arith.constant 0 : i32
    return %arg0, %c0_i32 : i32, i32
  }
  func.func @transform_1(%arg0: i32) -> (i32, i32, i32) {
    %c0_i32 = arith.constant 0 : i32
    %c0_i32_0 = arith.constant 0 : i32
    %c0_i32_1 = arith.constant 0 : i32
    return %arg0, %c0_i32, %c0_i32_0 : i32, i32, i32
  }
}

</mosaic_0001>

<sc_bundles>
// kernel: kernel.5.cloned.1.call-start
scs
__scs_entry_jumppad:
0x0: {  	(pc) =	sbr.rel $0x88, $3  }
0x1: {  	(tag) =	ssettag $0x0;
	lr =	simm.s32 $0x1  }
0x2: {  	[smem:$0x3F9F] =	sst lr;
	_ =	strace $0xD0000000  }
0x3: {  	_ = 	snop  }
0x4: {  	_ = 	snop  }
0x5: {  	_ = 	snop  }
0x6: {  	_ = 	snop  }
0x7: {  	_ = 	snop  }
__scs_overlays_trampoline_lowered:
0x8: {  	[smem:$0x3FAE] =	sst s0  }
0x9: {  	[smem:$0x3FAF] =	sst s1  }
0xa: {  	[smem:$0x3FB0] =	sst s2  }
0xb: {  	[smem:$0x3FB1] =	sst s3  }
0xc: {  	[smem:$0x3FB2] =	sst s4  }
0xd: {  	[smem:$0x3FB3] =	sst s5  }
0xe: {  	[smem:$0x3FB4] =	sst s6  }
0xf: {  	[smem:$0x3FB5] =	sst s7  }
0x10: {  	[smem:$0x3FB6] =	sst s8  }
0x11: {  	[smem:$0x3FB7] =	sst s9;
	s0 =	simm.s32 @!p0 $0x0  }
0x12: {  	s1 =	sld [smem:$0x3F9D];
	s0 =	simm.s32 @p0 $0x1  }
0x13: {  	[smem:$0x3FB8] =	sst s0;
	s0 =	simm.s32 @!p1 $0x0  }
0x14: {  	s2 =	sld [smem:$0x3F9C];
	s0 =	simm.s32 @p1 $0x1  }
0x15: {  	[smem:$0x3FB9] =	sst s0;
	s0 =	simm.s32 @!p2 $0x0  }
0x16: {  	s3 =	sld [smem:$0x3FDB];
	s0 =	simm.s32 @p2 $0x1  }
0x17: {  	s4 =	simm.s32 $0x1BF5;
	[smem:$0x3FBB] =	sst s0  }
0x18: {  	s0 =	sld [smem:$0x3F9E];
	_ =	swait.ge [sflag:s4], $0x0  }
0x19: {  	s7 =	sld [smem:$0x3F9F]  }
0x1a: {  	s8 =	sadd.s32 $0xFFFFE003, lr  }
0x1b: {  	s9 =	sadd.s32 $0xFFFFFEF7, lr;
	s5 =	simm.s32 $0xFFFFFFFF;
	p2 =	slt.u32 s8, $0xFFFFF086  }
0x1c: {  	p1 =	slt.u32 s9, $0xF7A;
	s5 =	simm.s32 @!p2 $0x0  }
0x1d: {  	s5 =	simm.s32 @p1 $0x1;
	p0 =	seq.s32 s7, s2  }
0x1e: {  	s7 =	smul.u32 @!p0 $0xF7A, s2;
	p2 =	seq.s32 @!p0 s5, $0x0  }
0x1f: {  	s9 =	smul.u32 $0xF7A, s1;
	s8 =	simm.s32 @!p0 $0x1BF5;
	p2 =	por !p2, p0  }
0x20: {  	[sflag:s8] =	ssyncset.s32 @!p0 $0xFFFFF086;
	s6 =	sadd.s32 @!p0 s3, s7;
	s7 =	simm.s32 @!p0 $0x108  }
0x21: {  	s3 =	sadd.s32 s3, s9;
	s6 =	sadd.s32 @!p0 $0x88, s6;
	s7 =	simm.s32 @p2 $0x1082  }
0x22: {  	[simem:s7], [sflag:s8] =	dma.local @!p0 [hbm:s6], $0xF7A  }
0x23: {  	s9 =	sor.u32 $0xD0000000, s2;
	s6 =	simm.s32 $0x108;
	_ =	swait.ge @!p0 [sflag:s8], $0x0  }
0x24: {  	s3 =	sadd.s32 $0x88, s3;
	s6 =	simm.s32 @!p1 $0x1082;
	[sflag:s4] =	ssyncset.s32 $0xFFFFF086  }
0x25: {  	[simem:s6], [sflag:s4] =	dma.local [hbm:s3], $0xF7A  }
0x26: {  	[smem:$0x3F9F] =	sst s1;
	(tag) =	ssettag s2;
	_ =	strace s9  }
0x27: {  	s1 =	sld [smem:$0x3FAF]  }
0x28: {  	s2 =	sld [smem:$0x3FB0]  }
0x29: {  	s4 =	sld [smem:$0x3FB2]  }
0x2a: {  	p0 =	seq.s32 s5, $0x0;
	s5 =	sld [smem:$0x3FB3]  }
0x2b: {  	s6 =	sld [smem:$0x3FB4]  }
0x2c: {  	s7 =	sld [smem:$0x3FB5]  }
0x2d: {  	s3 =	simm.s32 $0x108;
	s8 =	sld [smem:$0x3FB6]  }
0x2e: {  	s3 =	simm.s32 @!p0 $0x1082;
	s9 =	sld [smem:$0x3FB7]  }
0x2f: {  	lr =	sadd.s32 s0, s3;
	s0 =	sld [smem:$0x3FAE]  }
0x30: {  	s3 =	sld [smem:$0x3FB1]  }
0x31: {  	[smem:$0x3FBA] =	sst s10  }
0x32: {  	s10 =	sld [smem:$0x3FB8];
	_ =	sdelay $0x3  }
0x33: {  	p0 =	seq.s32 s10, $0x1;
	s10 =	sld [smem:$0x3FBA];
	_ =	sdelay $0x3  }
0x34: {  	[smem:$0x3FBA] =	sst s10  }
0x35: {  	s10 =	sld [smem:$0x3FB9];
	_ =	sdelay $0x3  }
0x36: {  	p1 =	seq.s32 s10, $0x1;
	s10 =	sld [smem:$0x3FBA];
	_ =	sdelay $0x3  }
0x37: {  	[smem:$0x3FBA] =	sst s10  }
0x38: {  	s10 =	sld [smem:$0x3FBB]  }
0x39: {  	_ = 	snop;
	(pc) =	sbr.ind lr, $3  }
0x3a: {  	_ = 	snop  }
0x3b: {  	_ = 	snop  }
0x3c: {  	p2 =	seq.s32 s10, $0x1;
	s10 =	sld [smem:$0x3FBA]  }
0x3d: {  	_ =	shalt  }
0x3e: {  	_ =	shalt  }
0x3f: {  	_ =	shalt  }
0x40: {  	_ =	shalt  }
0x41: {  	_ =	shalt  }
0x42: {  	_ =	shalt  }
0x43: {  	_ =	shalt  }
0x44: {  	_ =	shalt  }
0x45: {  	_ =	shalt  }
0x46: {  	_ =	shalt  }
0x47: {  	_ =	shalt  }
0x48: {  	_ =	shalt  }
0x49: {  	_ =	shalt  }
0x4a: {  	_ =	shalt  }
0x4b: {  	_ =	shalt  }
0x4c: {  	_ =	shalt  }
0x4d: {  	_ =	shalt  }
0x4e: {  	_ =	shalt  }
0x4f: {  	_ =	shalt  }
0x50: {  	_ =	shalt  }
0x51: {  	_ =	shalt  }
0x52: {  	_ =	shalt  }
0x53: {  	_ =	shalt  }
0x54: {  	_ =	shalt  }
0x55: {  	_ =	shalt  }
0x56: {  	_ =	shalt  }
0x57: {  	_ =	shalt  }
0x58: {  	_ =	shalt  }
0x59: {  	_ =	shalt  }
0x5a: {  	_ =	shalt  }
0x5b: {  	_ =	shalt  }
0x5c: {  	_ =	shalt  }
0x5d: {  	_ =	shalt  }
0x5e: {  	_ =	shalt  }
0x5f: {  	_ =	shalt  }
0x60: {  	_ =	shalt  }
0x61: {  	_ =	shalt  }
0x62: {  	_ =	shalt  }
0x63: {  	_ =	shalt  }
0x64: {  	_ =	shalt  }
0x65: {  	_ =	shalt  }
0x66: {  	_ =	shalt  }
0x67: {  	_ =	shalt  }
0x68: {  	_ =	shalt  }
0x69: {  	_ =	shalt  }
0x6a: {  	_ =	shalt  }
0x6b: {  	_ =	shalt  }
0x6c: {  	_ =	shalt  }
0x6d: {  	_ =	shalt  }
0x6e: {  	_ =	shalt  }
0x6f: {  	_ =	shalt  }
0x70: {  	_ =	shalt  }
0x71: {  	_ =	shalt  }
0x72: {  	_ =	shalt  }
0x73: {  	_ =	shalt  }
0x74: {  	_ =	shalt  }
0x75: {  	_ =	shalt  }
0x76: {  	_ =	shalt  }
0x77: {  	_ =	shalt  }
0x78: {  	_ =	shalt  }
0x79: {  	_ =	shalt  }
0x7a: {  	_ =	shalt  }
0x7b: {  	_ =	shalt  }
0x7c: {  	_ =	shalt  }
0x7d: {  	_ =	shalt  }
0x7e: {  	_ =	shalt  }
0x7f: {  	_ =	shalt  }
0x80: {  	_ =	shalt  }
0x81: {  	_ =	shalt  }
0x82: {  	_ =	shalt  }
0x83: {  	_ =	shalt  }
0x84: {  	_ =	shalt  }
0x85: {  	_ =	shalt  }
0x86: {  	_ =	shalt  }
0x87: {  	_ =	shalt  }
.Lfunc_end0:
.L_simem_size_0:
called_computation_lowered:
.L_overlay_start_0:
0x88: {  	s2 =	sld [smem:$0x3FD9]  }
0x89: {  	s3 =	sld [smem:$0x3FFE];
	_ =	sdelay $0x1  }
0x8a: {  	s1 =	srdreg.scid  }
0x8b: {  	s0 =	sand.u32 $0x1, s1  }
0x8c: {  	s17 =	sshll.u32 s0, $0xA;
	s2 =	sadd.s32 s3, s2  }
0x8d: {  	s2 =	sadd.s32 s2, s17  }
0x8e: {  	[smem:$0x3FC6] =	sst s2  }
0x8f: {  	_ = 	snop  }
0x90: {  	s2 =	sld [smem:$0x3FD0];
	(tm) =	ssettm $0x1  }
0x91: {  	s18 =	sld [smem:$0x3FFB];
	_ =	sdelay $0x3  }
0x92: {  	_ =	strace s18  }
0x93: {  	s3 =	sld [smem:$0x3FFC];
	_ =	sdelay $0x3  }
0x94: {  	_ =	strace s3  }
0x95: {  	s3 =	sld [smem:$0x3FFD];
	_ =	sdelay $0x3  }
0x96: {  	_ =	strace s3  }
0x97: {  	_ =	strace $0x8FFFFFFF  }
0x98: {  	s19 =	sld [smem:$0x3FDB];
	_ =	sdelay $0x1  }
0x99: {  	s4 =	simm.s32 $_scs_section_size  }
0x9a: {  	s5 =	simm.s32 $_size__tile_overlayer_lowered;
	s6 =	simm.s32 $_tile_overlayer_lowered  }
0x9b: {  	s22 =	simm.s32 $0x1BFF;
	s21 =	sshll.u32 s6, $0x1;
	s3 =	sadd.s32 s4, s19  }
0x9c: {  	s7 =	simm.s32 $0x0;
	s20 =	sshll.u32 s5, $0x1;
	s5 =	sadd.s32 s21, s3  }
0x9d: {  	[timem:s7], [sflag:s22] =	dma.local [hbm:s5], s20  }
0x9e: {  	_ =	swait.ge [sflag:s22], s20  }
0x9f: {  	s4 =	ssub.s32 $0x0, s20;
	[sflag:s22] =	ssyncset.done $0x0  }
0xa0: {  	[sflag:s22] =	ssyncadd.s32 s4;
	_ =	sdelay $0x1  }
0xa1: {  	s23 =	simm.s32 $0x1B8B  }
0xa2: {  	_ =	swait.ge [sflag:s23], $0x1  }
0xa3: {  	[sflag:s23] =	ssyncset.done $0x0  }
0xa4: {  	s25 =	simm.s32 $0x1B8E;
	s24 =	sld [smem:$0x3FFE];
	[sflag:s23] =	ssyncadd.s32 $0xFFFFFFFF  }
0xa5: {  	s26 =	simm.s32 $execute0_lowered;
	[smem:$0x3FD2] =	sst s25  }
0xa6: {  	s5 =	sshll.u32 s26, $0x1;
	_ =	strace $0x80000046;
	[dreg:$0x1] =	wrdreg $0xFFFFFFFF  }
0xa7: {  	s28 =	simm.s32 $_size_execute0_lowered;
	s3 =	sadd.s32 s3, s5;
	[dreg:$0x0] =	wrdreg $0x0  }
0xa8: {  	s5 =	sshll.u32 s28, $0x1;
	[dreg:$0x2] =	wrdreg s3  }
0xa9: {  	[dreg:$0x3] =	wrdreg s5  }
0xaa: {  	[dreg:$0x4] =	wrdreg $0xC0  }
0xab: {  	_ =	task [dreg:s7], $0x5FFFF  }
0xac: {  	[dreg:$0x1] =	wrdreg $0xFFFFFFFF  }
0xad: {  	[dreg:$0x0] =	wrdreg $0x60  }
0xae: {  	[dreg:$0x2] =	wrdreg s24  }
0xaf: {  	[dreg:$0x3] =	wrdreg s2  }
0xb0: {  	[dreg:$0x4] =	wrdreg $0x9  }
0xb1: {  	_ =	task.clear_ibuf [dreg:s7], $0x5FFFF;
	_ =	strace $0x90000046  }
0xb2: {  	s29 =	simm.s32 $0x9;
	_ =	strace $0x80000048  }
0xb3: {  	_ =	swait.ge [sflag:s29], $0x1  }
0xb4: {  	[sflag:s29] =	ssyncadd.s32 $0xFFFFFFFF  }
0xb5: {  	_ =	strace $0x90000048  }
0xb6: {  	_ =	sfence  }
0xb7: {  	s30 =	sld [smem:$0x0];
	_ =	sdelay $0x2  }
0xb8: {  	s31 =	sshll.u32 s1, $0xD;
	s1 =	sshrl.u32 s1, $0x2  }
0xb9: {  	s3 =	sand.u32 $0x4000, s31;
	s1 =	sadd.s32 s1, s30  }
0xba: {  	s0 =	sor.u32 s3, s0;
	s1 =	sshll.u32 s1, $0x11  }
0xbb: {  	s0 =	sor.u32 s1, s0  }
0xbc: {  	s0 =	sadd.s32 $0x8F2B, s0  }
0xbd: {  	[sflag:s0] =	ssyncadd.remote.s32 $0x1  }
0xbe: {  	_ =	sfence.sel $0xFFFF  }
0xbf: {  	[dreg:$0x0] =	wrdreg $0xFFFFFFFF;
	(pc) =	sbr.abs _section_cstart, $3  }
0xc0: {  	[dreg:$0x1] =	wrdreg $0xFFFFFFFF  }
0xc1: {  	_ =	task.clear_ibuf [dreg:s7], $0x2FFFF;
	_ =	strace $0x9FFFFFFF  }
0xc2: {  	(tm) =	ssettm $0x7FFFFFFF  }
0xc3: {  	_ =	shalt  }
tec
execute0_lowered:
.L_overlay_start_1:
0x0: {  	(tag) =	ssettag $0x1  }
0x1: {  	s0 =	rddreg [dreg:$0x0]  }
0x2: {  	s1 =	srdreg.scid;
	s2 =	stileid.u32  }
0x3: {  	s5 =	rddreg [dreg:$0x1];
	s8 =	simm.s32 $0x5;
	s9 =	simm.s32 $0x6400  }
0x4: {  	s10 =	simm.s32 $0x80;
	s11 =	simm.s32 $0xC800;
	s12 =	simm.s32 $0xD800  }
0x5: {  	s14 =	simm.s32 $0xE800;
	s16 =	simm.s32 $0xF800;
	s18 =	simm.s32 $0x10800  }
0x6: {  	s19 =	simm.s32 $0x1;
	s25 =	simm.s32 $0x11800;
	s28 =	simm.s32 $0x12800  }
0x7: {  	s30 =	simm.s32 $0x13800;
	s13 =	simm.s32 $0x15800;
	s15 =	simm.s32 $0x2  }
0x8: {  	s20 =	simm.s32 $0x6700;
	s21 =	simm.s32 $0x6780;
	s22 =	simm.s32 $0x6800  }
0x9: {  	s23 =	simm.s32 $0x6880;
	s24 =	simm.s32 $0x3;
	s26 =	simm.s32 $0x4  }
0xa: {  	s29 =	simm.s32 $0x0;
	s1 =	sand.u32 $0x1, s1;
	s3 =	sshll.u32 s2, $0x1  }
0xb: {  	s2 =	simm.s32 $0x0;
	s4 =	sadd.s32 $0x3F1600, s0;
	s3 =	sor.u32 s1, s3  }
0xc: {  	[smem:$0x7FF] =	sst s2;
	s1 =	ssub.s32 $0x2, s1;
	s6 =	smul.u32 $0xC80, s3  }
0xd: {  	_ =	strace $0x80000047;
	s3 =	sadd.s32 $0x600, s0;
	s31 =	sshrl.u32 s1, $0x1  }
0xe: {  	s7 =	sadd.s32 s6, s0;
	s0 =	ssub.s32 s1, s31;
	s5 =	sadd.s32 s5, s6  }
0xf: {  	s1 =	simm.s32 $0x14800;
	s6 =	sadd.s32 $0x3D8600, s7;
	s7 =	smax.u32 s0, $0x1  }
.LBB2_1:
0x10: {  	[tilespmem:s2], [sflag:$0x5] =	stream.linear.gather [hbm4b:s5+s2], $0x6400, $0x38;
	[tilespmem:$0x16800] =	vst v63  }
0x11: {  	_ =	swait.ge [sflag:s8], $0x6400  }
0x12: {  	[sflag:s8] =	ssyncset.done $0x0  }
0x13: {  	[sflag:s8] =	ssyncadd.s32 $0xFFFF9C00  }
0x14: {  	[tilespmem:s9], [sflag:$0x5] =	stream.linear.gather [hbm4b:s6+s2], $0x6400, $0x38;
	[tilespmem:$0x16800] =	vst v63  }
0x15: {  	_ =	swait.ge [sflag:s8], $0x6400  }
0x16: {  	[sflag:s8] =	ssyncset.done $0x0  }
0x17: {  	[sflag:s8] =	ssyncadd.s32 $0xFFFF9C00  }
0x18: {  	[tilespmem:s11], [sflag:$0x1] =	stream.indirect.gather [hbm4b:s3+s10], $0x20, s2, s10, $0xb8;
	[tilespmem:$0x16800] =	vst v63  }
0x19: {  	_ = 	snop  }
0x1a: {  	[tilespmem:s12], [sflag:$0x1] =	stream.indirect.gather [hbm4b:s3+s10], $0x20, s10, s10, $0xb8;
	[tilespmem:$0x16800] =	vst v63  }
0x1b: {  	s0 =	simm.s32 $0x100  }
0x1c: {  	[tilespmem:s14], [sflag:$0x1] =	stream.indirect.gather [hbm4b:s3+s10], $0x20, s0, s10, $0xb8;
	[tilespmem:$0x16800] =	vst v63  }
0x1d: {  	s17 =	simm.s32 $0x180  }
0x1e: {  	[tilespmem:s16], [sflag:$0x1] =	stream.indirect.gather [hbm4b:s3+s10], $0x20, s17, s10, $0xb8;
	[tilespmem:$0x16800] =	vst v63  }
0x1f: {  	s17 =	simm.s32 $0x200  }
0x20: {  	[tilespmem:s18], [sflag:$0x1] =	stream.indirect.gather [hbm4b:s3+s10], $0x20, s17, s10, $0xb8;
	[tilespmem:$0x16800] =	vst v63  }
0x21: {  	_ =	swait.ge [sflag:s19], $0x1000  }
0x22: {  	[sflag:s19] =	ssyncset.done $0x0  }
0x23: {  	[sflag:s19] =	ssyncadd.s32 $0xFFFFF000  }
0x24: {  	_ =	swait.ge [sflag:s19], $0x1000  }
0x25: {  	[sflag:s19] =	ssyncset.done $0x0  }
0x26: {  	[sflag:s19] =	ssyncadd.s32 $0xFFFFF000  }
0x27: {  	_ =	swait.ge [sflag:s19], $0x1000  }
0x28: {  	[sflag:s19] =	ssyncset.done $0x0  }
0x29: {  	[sflag:s19] =	ssyncadd.s32 $0xFFFFF000  }
0x2a: {  	_ =	swait.ge [sflag:s19], $0x1000  }
0x2b: {  	[sflag:s19] =	ssyncset.done $0x0  }
0x2c: {  	[sflag:s19] =	ssyncadd.s32 $0xFFFFF000  }
0x2d: {  	_ =	swait.ge [sflag:s19], $0x1000  }
0x2e: {  	[sflag:s19] =	ssyncset.done $0x0  }
0x2f: {  	[sflag:s19] =	ssyncadd.s32 $0xFFFFF000  }
0x30: {  	[hbm4b:s4+s10] =	stream.indirect.scatter [tilespmem:s11], [sflag:$0x3], $0x20, s9, s10, $0xb8;
	[tilespmem:$0x16800] =	vst v63  }
0x31: {  	s17 =	simm.s32 $0x6480  }
0x32: {  	[hbm4b:s4+s10] =	stream.indirect.scatter [tilespmem:s12], [sflag:$0x3], $0x20, s17, s10, $0xb8;
	[tilespmem:$0x16800] =	vst v63  }
0x33: {  	s17 =	simm.s32 $0x6500  }
0x34: {  	[hbm4b:s4+s10] =	stream.indirect.scatter [tilespmem:s14], [sflag:$0x3], $0x20, s17, s10, $0xb8;
	[tilespmem:$0x16800] =	vst v63  }
0x35: {  	s17 =	simm.s32 $0x6580  }
0x36: {  	[hbm4b:s4+s10] =	stream.indirect.scatter [tilespmem:s16], [sflag:$0x3], $0x20, s17, s10, $0xb8;
	[tilespmem:$0x16800] =	vst v63  }
0x37: {  	s17 =	simm.s32 $0x6600  }
0x38: {  	[hbm4b:s4+s10] =	stream.indirect.scatter [tilespmem:s18], [sflag:$0x3], $0x20, s17, s10, $0xb8;
	[tilespmem:$0x16800] =	vst v63  }
0x39: {  	s17 =	simm.s32 $0x280  }
0x3a: {  	[tilespmem:s25], [sflag:$0x2] =	stream.indirect.gather [hbm4b:s3+s10], $0x20, s17, s10, $0xb8;
	[tilespmem:$0x16800] =	vst v63  }
0x3b: {  	s17 =	simm.s32 $0x300  }
0x3c: {  	[tilespmem:s28], [sflag:$0x2] =	stream.indirect.gather [hbm4b:s3+s10], $0x20, s17, s10, $0xb8;
	[tilespmem:$0x16800] =	vst v63  }
0x3d: {  	s17 =	simm.s32 $0x380  }
0x3e: {  	[tilespmem:s30], [sflag:$0x2] =	stream.indirect.gather [hbm4b:s3+s10], $0x20, s17, s10, $0xb8;
	[tilespmem:$0x16800] =	vst v63  }
0x3f: {  	s17 =	simm.s32 $0x400  }
0x40: {  	[tilespmem:s1], [sflag:$0x2] =	stream.indirect.gather [hbm4b:s3+s10], $0x20, s17, s10, $0xb8;
	[tilespmem:$0x16800] =	vst v63  }
0x41: {  	s17 =	simm.s32 $0x480  }
0x42: {  	[tilespmem:s13], [sflag:$0x2] =	stream.indirect.gather [hbm4b:s3+s10], $0x20, s17, s10, $0xb8;
	[tilespmem:$0x16800] =	vst v63  }
0x43: {  	_ =	swait.ge [sflag:s15], $0x1000  }
0x44: {  	[sflag:s15] =	ssyncset.done $0x0  }
0x45: {  	[sflag:s15] =	ssyncadd.s32 $0xFFFFF000  }
0x46: {  	_ =	swait.ge [sflag:s15], $0x1000  }
0x47: {  	[sflag:s15] =	ssyncset.done $0x0  }
0x48: {  	[sflag:s15] =	ssyncadd.s32 $0xFFFFF000  }
0x49: {  	_ =	swait.ge [sflag:s15], $0x1000  }
0x4a: {  	[sflag:s15] =	ssyncset.done $0x0  }
0x4b: {  	[sflag:s15] =	ssyncadd.s32 $0xFFFFF000  }
0x4c: {  	_ =	swait.ge [sflag:s15], $0x1000  }
0x4d: {  	[sflag:s15] =	ssyncset.done $0x0  }
0x4e: {  	[sflag:s15] =	ssyncadd.s32 $0xFFFFF000  }
0x4f: {  	_ =	swait.ge [sflag:s15], $0x1000  }
0x50: {  	[sflag:s15] =	ssyncset.done $0x0  }
0x51: {  	s17 =	simm.s32 $0x6680;
	[sflag:s15] =	ssyncadd.s32 $0xFFFFF000  }
0x52: {  	[hbm4b:s4+s10] =	stream.indirect.scatter [tilespmem:s25], [sflag:$0x4], $0x20, s17, s10, $0xb8;
	[tilespmem:$0x16800] =	vst v63  }
0x53: {  	_ = 	snop  }
0x54: {  	[hbm4b:s4+s10] =	stream.indirect.scatter [tilespmem:s28], [sflag:$0x4], $0x20, s20, s10, $0xb8;
	[tilespmem:$0x16800] =	vst v63  }
0x55: {  	_ = 	snop  }
0x56: {  	[hbm4b:s4+s10] =	stream.indirect.scatter [tilespmem:s30], [sflag:$0x4], $0x20, s21, s10, $0xb8;
	[tilespmem:$0x16800] =	vst v63  }
0x57: {  	_ = 	snop  }
0x58: {  	[hbm4b:s4+s10] =	stream.indirect.scatter [tilespmem:s1], [sflag:$0x4], $0x20, s22, s10, $0xb8;
	[tilespmem:$0x16800] =	vst v63  }
0x59: {  	_ = 	snop  }
0x5a: {  	[hbm4b:s4+s10] =	stream.indirect.scatter [tilespmem:s13], [sflag:$0x4], $0x20, s23, s10, $0xb8;
	[tilespmem:$0x16800] =	vst v63  }
0x5b: {  	_ =	swait.ge [sflag:s24], $0x1000  }
0x5c: {  	[sflag:s24] =	ssyncset.done $0x0  }
0x5d: {  	[sflag:s24] =	ssyncadd.s32 $0xFFFFF000  }
0x5e: {  	_ =	swait.ge [sflag:s24], $0x1000  }
0x5f: {  	[sflag:s24] =	ssyncset.done $0x0  }
0x60: {  	[sflag:s24] =	ssyncadd.s32 $0xFFFFF000  }
0x61: {  	_ =	swait.ge [sflag:s24], $0x1000  }
0x62: {  	[sflag:s24] =	ssyncset.done $0x0  }
0x63: {  	[sflag:s24] =	ssyncadd.s32 $0xFFFFF000  }
0x64: {  	_ =	swait.ge [sflag:s24], $0x1000  }
0x65: {  	[sflag:s24] =	ssyncset.done $0x0  }
0x66: {  	[sflag:s24] =	ssyncadd.s32 $0xFFFFF000  }
0x67: {  	_ =	swait.ge [sflag:s24], $0x1000  }
0x68: {  	[sflag:s24] =	ssyncset.done $0x0  }
0x69: {  	s17 =	simm.s32 $0x500;
	[sflag:s24] =	ssyncadd.s32 $0xFFFFF000  }
0x6a: {  	[tilespmem:s11], [sflag:$0x1] =	stream.indirect.gather [hbm4b:s3+s10], $0x20, s17, s10, $0xb8;
	[tilespmem:$0x16800] =	vst v63  }
0x6b: {  	s17 =	simm.s32 $0x580  }
0x6c: {  	[tilespmem:s12], [sflag:$0x1] =	stream.indirect.gather [hbm4b:s3+s10], $0x20, s17, s10, $0xb8;
	[tilespmem:$0x16800] =	vst v63  }
0x6d: {  	s17 =	simm.s32 $0x600  }
0x6e: {  	[tilespmem:s14], [sflag:$0x1] =	stream.indirect.gather [hbm4b:s3+s10], $0x20, s17, s10, $0xb8;
	[tilespmem:$0x16800] =	vst v63  }
0x6f: {  	s17 =	simm.s32 $0x680  }
0x70: {  	[tilespmem:s16], [sflag:$0x1] =	stream.indirect.gather [hbm4b:s3+s10], $0x20, s17, s10, $0xb8;
	[tilespmem:$0x16800] =	vst v63  }
0x71: {  	s17 =	simm.s32 $0x700  }
0x72: {  	[tilespmem:s18], [sflag:$0x1] =	stream.indirect.gather [hbm4b:s3+s10], $0x20, s17, s10, $0xb8;
	[tilespmem:$0x16800] =	vst v63  }
0x73: {  	_ =	swait.ge [sflag:s19], $0x1000  }
0x74: {  	[sflag:s19] =	ssyncset.done $0x0  }
0x75: {  	[sflag:s19] =	ssyncadd.s32 $0xFFFFF000  }
0x76: {  	_ =	swait.ge [sflag:s19], $0x1000  }
0x77: {  	[sflag:s19] =	ssyncset.done $0x0  }
0x78: {  	[sflag:s19] =	ssyncadd.s32 $0xFFFFF000  }
0x79: {  	_ =	swait.ge [sflag:s19], $0x1000  }
0x7a: {  	[sflag:s19] =	ssyncset.done $0x0  }
0x7b: {  	[sflag:s19] =	ssyncadd.s32 $0xFFFFF000  }
0x7c: {  	_ =	swait.ge [sflag:s19], $0x1000  }
0x7d: {  	[sflag:s19] =	ssyncset.done $0x0  }
0x7e: {  	[sflag:s19] =	ssyncadd.s32 $0xFFFFF000  }
0x7f: {  	_ =	swait.ge [sflag:s19], $0x1000  }
0x80: {  	[sflag:s19] =	ssyncset.done $0x0  }
0x81: {  	s17 =	simm.s32 $0x6900;
	[sflag:s19] =	ssyncadd.s32 $0xFFFFF000  }
0x82: {  	[hbm4b:s4+s10] =	stream.indirect.scatter [tilespmem:s11], [sflag:$0x3], $0x20, s17, s10, $0xb8;
	[tilespmem:$0x16800] =	vst v63  }
0x83: {  	s17 =	simm.s32 $0x6980  }
0x84: {  	[hbm4b:s4+s10] =	stream.indirect.scatter [tilespmem:s12], [sflag:$0x3], $0x20, s17, s10, $0xb8;
	[tilespmem:$0x16800] =	vst v63  }
0x85: {  	s17 =	simm.s32 $0x6A00  }
0x86: {  	[hbm4b:s4+s10] =	stream.indirect.scatter [tilespmem:s14], [sflag:$0x3], $0x20, s17, s10, $0xb8;
	[tilespmem:$0x16800] =	vst v63  }
0x87: {  	s17 =	simm.s32 $0x6A80  }
0x88: {  	[hbm4b:s4+s10] =	stream.indirect.scatter [tilespmem:s16], [sflag:$0x3], $0x20, s17, s10, $0xb8;
	[tilespmem:$0x16800] =	vst v63  }
0x89: {  	s17 =	simm.s32 $0x6B00  }
0x8a: {  	[hbm4b:s4+s10] =	stream.indirect.scatter [tilespmem:s18], [sflag:$0x3], $0x20, s17, s10, $0xb8;
	[tilespmem:$0x16800] =	vst v63  }
0x8b: {  	_ =	swait.ge [sflag:s26], $0x1000  }
0x8c: {  	[sflag:s26] =	ssyncset.done $0x0  }
0x8d: {  	[sflag:s26] =	ssyncadd.s32 $0xFFFFF000  }
0x8e: {  	_ =	swait.ge [sflag:s26], $0x1000  }
0x8f: {  	[sflag:s26] =	ssyncset.done $0x0  }
0x90: {  	[sflag:s26] =	ssyncadd.s32 $0xFFFFF000  }
0x91: {  	_ =	swait.ge [sflag:s26], $0x1000  }
0x92: {  	[sflag:s26] =	ssyncset.done $0x0  }
0x93: {  	[sflag:s26] =	ssyncadd.s32 $0xFFFFF000  }
0x94: {  	_ =	swait.ge [sflag:s26], $0x1000  }
0x95: {  	[sflag:s26] =	ssyncset.done $0x0  }
0x96: {  	[sflag:s26] =	ssyncadd.s32 $0xFFFFF000  }
0x97: {  	_ =	swait.ge [sflag:s26], $0x1000  }
0x98: {  	[sflag:s26] =	ssyncset.done $0x0  }
0x99: {  	s17 =	simm.s32 $0x780;
	[sflag:s26] =	ssyncadd.s32 $0xFFFFF000  }
0x9a: {  	[tilespmem:s25], [sflag:$0x2] =	stream.indirect.gather [hbm4b:s3+s10], $0x20, s17, s10, $0xb8;
	[tilespmem:$0x16800] =	vst v63  }
0x9b: {  	s17 =	simm.s32 $0x800  }
0x9c: {  	[tilespmem:s28], [sflag:$0x2] =	stream.indirect.gather [hbm4b:s3+s10], $0x20, s17, s10, $0xb8;
	[tilespmem:$0x16800] =	vst v63  }
0x9d: {  	s17 =	simm.s32 $0x880  }
0x9e: {  	[tilespmem:s30], [sflag:$0x2] =	stream.indirect.gather [hbm4b:s3+s10], $0x20, s17, s10, $0xb8;
	[tilespmem:$0x16800] =	vst v63  }
0x9f: {  	s17 =	simm.s32 $0x900  }
0xa0: {  	[tilespmem:s1], [sflag:$0x2] =	stream.indirect.gather [hbm4b:s3+s10], $0x20, s17, s10, $0xb8;
	[tilespmem:$0x16800] =	vst v63  }
0xa1: {  	s17 =	simm.s32 $0x980  }
0xa2: {  	[tilespmem:s13], [sflag:$0x2] =	stream.indirect.gather [hbm4b:s3+s10], $0x20, s17, s10, $0xb8;
	[tilespmem:$0x16800] =	vst v63  }
0xa3: {  	_ =	swait.ge [sflag:s15], $0x1000  }
0xa4: {  	[sflag:s15] =	ssyncset.done $0x0  }
0xa5: {  	[sflag:s15] =	ssyncadd.s32 $0xFFFFF000  }
0xa6: {  	_ =	swait.ge [sflag:s15], $0x1000  }
0xa7: {  	[sflag:s15] =	ssyncset.done $0x0  }
0xa8: {  	[sflag:s15] =	ssyncadd.s32 $0xFFFFF000  }
0xa9: {  	_ =	swait.ge [sflag:s15], $0x1000  }
0xaa: {  	[sflag:s15] =	ssyncset.done $0x0  }
0xab: {  	[sflag:s15] =	ssyncadd.s32 $0xFFFFF000  }
0xac: {  	_ =	swait.ge [sflag:s15], $0x1000  }
0xad: {  	[sflag:s15] =	ssyncset.done $0x0  }
0xae: {  	[sflag:s15] =	ssyncadd.s32 $0xFFFFF000  }
0xaf: {  	_ =	swait.ge [sflag:s15], $0x1000  }
0xb0: {  	[sflag:s15] =	ssyncset.done $0x0  }
0xb1: {  	s17 =	simm.s32 $0x6B80;
	[sflag:s15] =	ssyncadd.s32 $0xFFFFF000  }
0xb2: {  	[hbm4b:s4+s10] =	stream.indirect.scatter [tilespmem:s25], [sflag:$0x4], $0x20, s17, s10, $0xb8;
	[tilespmem:$0x16800] =	vst v63  }
0xb3: {  	s17 =	simm.s32 $0x6C00  }
0xb4: {  	[hbm4b:s4+s10] =	stream.indirect.scatter [tilespmem:s28], [sflag:$0x4], $0x20, s17, s10, $0xb8;
	[tilespmem:$0x16800] =	vst v63  }
0xb5: {  	s17 =	simm.s32 $0x6C80  }
0xb6: {  	[hbm4b:s4+s10] =	stream.indirect.scatter [tilespmem:s30], [sflag:$0x4], $0x20, s17, s10, $0xb8;
	[tilespmem:$0x16800] =	vst v63  }
0xb7: {  	s31 =	simm.s32 $0x1400;
	s0 =	simm.s32 $0x6D80;
	s17 =	simm.s32 $0x6D00  }
0xb8: {  	[hbm4b:s4+s10] =	stream.indirect.scatter [tilespmem:s1], [sflag:$0x4], $0x20, s17, s10, $0xb8;
	[tilespmem:$0x16800] =	vst v63  }
.LBB2_2:
0xb9: {  	[hbm4b:s4+s10] =	stream.indirect.scatter [tilespmem:s13], [sflag:$0x4], $0x20, s0, s10, $0xb8;
	[tilespmem:$0x16800] =	vst v63  }
0xba: {  	s0 =	smov.u32 s31  }
0xbb: {  	p0 =	sne.s32 s31, $0x16800;
	s31 =	sadd.s32 $0x1400, s31;
	_ =	swait.ge [sflag:s24], $0x1000  }
0xbc: {  	[sflag:s24] =	ssyncset.done $0x0  }
0xbd: {  	[sflag:s24] =	ssyncadd.s32 $0xFFFFF000  }
0xbe: {  	_ =	swait.ge [sflag:s24], $0x1000  }
0xbf: {  	[sflag:s24] =	ssyncset.done $0x0  }
0xc0: {  	[sflag:s24] =	ssyncadd.s32 $0xFFFFF000  }
0xc1: {  	_ =	swait.ge [sflag:s24], $0x1000  }
0xc2: {  	[sflag:s24] =	ssyncset.done $0x0  }
0xc3: {  	[sflag:s24] =	ssyncadd.s32 $0xFFFFF000  }
0xc4: {  	_ =	swait.ge [sflag:s24], $0x1000  }
0xc5: {  	[sflag:s24] =	ssyncset.done $0x0  }
0xc6: {  	[sflag:s24] =	ssyncadd.s32 $0xFFFFF000  }
0xc7: {  	_ =	swait.ge [sflag:s24], $0x1000  }
0xc8: {  	s0 =	sshra.s32 s0, $0x2;
	[sflag:s24] =	ssyncset.done $0x0  }
0xc9: {  	s17 =	sadd.s32 $0x500, s0;
	[sflag:s24] =	ssyncadd.s32 $0xFFFFF000  }
0xca: {  	[tilespmem:s11], [sflag:$0x1] =	stream.indirect.gather [hbm4b:s3+s10], $0x20, s17, s10, $0xb8;
	[tilespmem:$0x16800] =	vst v63  }
0xcb: {  	s17 =	sadd.s32 $0x580, s0  }
0xcc: {  	[tilespmem:s12], [sflag:$0x1] =	stream.indirect.gather [hbm4b:s3+s10], $0x20, s17, s10, $0xb8;
	[tilespmem:$0x16800] =	vst v63  }
0xcd: {  	s17 =	sadd.s32 $0x600, s0  }
0xce: {  	[tilespmem:s14], [sflag:$0x1] =	stream.indirect.gather [hbm4b:s3+s10], $0x20, s17, s10, $0xb8;
	[tilespmem:$0x16800] =	vst v63  }
0xcf: {  	s17 =	sadd.s32 $0x680, s0  }
0xd0: {  	[tilespmem:s16], [sflag:$0x1] =	stream.indirect.gather [hbm4b:s3+s10], $0x20, s17, s10, $0xb8;
	[tilespmem:$0x16800] =	vst v63  }
0xd1: {  	s17 =	sadd.s32 $0x700, s0  }
0xd2: {  	[tilespmem:s18], [sflag:$0x1] =	stream.indirect.gather [hbm4b:s3+s10], $0x20, s17, s10, $0xb8;
	[tilespmem:$0x16800] =	vst v63  }
0xd3: {  	_ =	swait.ge [sflag:s19], $0x1000  }
0xd4: {  	[sflag:s19] =	ssyncset.done $0x0  }
0xd5: {  	[sflag:s19] =	ssyncadd.s32 $0xFFFFF000  }
0xd6: {  	_ =	swait.ge [sflag:s19], $0x1000  }
0xd7: {  	[sflag:s19] =	ssyncset.done $0x0  }
0xd8: {  	[sflag:s19] =	ssyncadd.s32 $0xFFFFF000  }
0xd9: {  	_ =	swait.ge [sflag:s19], $0x1000  }
0xda: {  	[sflag:s19] =	ssyncset.done $0x0  }
0xdb: {  	[sflag:s19] =	ssyncadd.s32 $0xFFFFF000  }
0xdc: {  	_ =	swait.ge [sflag:s19], $0x1000  }
0xdd: {  	[sflag:s19] =	ssyncset.done $0x0  }
0xde: {  	[sflag:s19] =	ssyncadd.s32 $0xFFFFF000  }
0xdf: {  	_ =	swait.ge [sflag:s19], $0x1000  }
0xe0: {  	[sflag:s19] =	ssyncset.done $0x0  }
0xe1: {  	s17 =	sadd.s32 $0x6900, s0;
	[sflag:s19] =	ssyncadd.s32 $0xFFFFF000  }
0xe2: {  	[hbm4b:s4+s10] =	stream.indirect.scatter [tilespmem:s11], [sflag:$0x3], $0x20, s17, s10, $0xb8;
	[tilespmem:$0x16800] =	vst v63  }
0xe3: {  	s17 =	sadd.s32 $0x6980, s0  }
0xe4: {  	[hbm4b:s4+s10] =	stream.indirect.scatter [tilespmem:s12], [sflag:$0x3], $0x20, s17, s10, $0xb8;
	[tilespmem:$0x16800] =	vst v63  }
0xe5: {  	s17 =	sadd.s32 $0x6A00, s0  }
0xe6: {  	[hbm4b:s4+s10] =	stream.indirect.scatter [tilespmem:s14], [sflag:$0x3], $0x20, s17, s10, $0xb8;
	[tilespmem:$0x16800] =	vst v63  }
0xe7: {  	s17 =	sadd.s32 $0x6A80, s0  }
0xe8: {  	[hbm4b:s4+s10] =	stream.indirect.scatter [tilespmem:s16], [sflag:$0x3], $0x20, s17, s10, $0xb8;
	[tilespmem:$0x16800] =	vst v63  }
0xe9: {  	s17 =	sadd.s32 $0x6B00, s0  }
0xea: {  	[hbm4b:s4+s10] =	stream.indirect.scatter [tilespmem:s18], [sflag:$0x3], $0x20, s17, s10, $0xb8;
	[tilespmem:$0x16800] =	vst v63  }
0xeb: {  	_ =	swait.ge [sflag:s26], $0x1000  }
0xec: {  	[sflag:s26] =	ssyncset.done $0x0  }
0xed: {  	[sflag:s26] =	ssyncadd.s32 $0xFFFFF000  }
0xee: {  	_ =	swait.ge [sflag:s26], $0x1000  }
0xef: {  	[sflag:s26] =	ssyncset.done $0x0  }
0xf0: {  	[sflag:s26] =	ssyncadd.s32 $0xFFFFF000  }
0xf1: {  	_ =	swait.ge [sflag:s26], $0x1000  }
0xf2: {  	[sflag:s26] =	ssyncset.done $0x0  }
0xf3: {  	[sflag:s26] =	ssyncadd.s32 $0xFFFFF000  }
0xf4: {  	_ =	swait.ge [sflag:s26], $0x1000  }
0xf5: {  	[sflag:s26] =	ssyncset.done $0x0  }
0xf6: {  	[sflag:s26] =	ssyncadd.s32 $0xFFFFF000  }
0xf7: {  	_ =	swait.ge [sflag:s26], $0x1000  }
0xf8: {  	[sflag:s26] =	ssyncset.done $0x0  }
0xf9: {  	s17 =	sadd.s32 $0x780, s0;
	[sflag:s26] =	ssyncadd.s32 $0xFFFFF000  }
0xfa: {  	[tilespmem:s25], [sflag:$0x2] =	stream.indirect.gather [hbm4b:s3+s10], $0x20, s17, s10, $0xb8;
	[tilespmem:$0x16800] =	vst v63  }
0xfb: {  	s17 =	sadd.s32 $0x800, s0  }
0xfc: {  	[tilespmem:s28], [sflag:$0x2] =	stream.indirect.gather [hbm4b:s3+s10], $0x20, s17, s10, $0xb8;
	[tilespmem:$0x16800] =	vst v63  }
0xfd: {  	s17 =	sadd.s32 $0x880, s0  }
0xfe: {  	[tilespmem:s30], [sflag:$0x2] =	stream.indirect.gather [hbm4b:s3+s10], $0x20, s17, s10, $0xb8;
	[tilespmem:$0x16800] =	vst v63  }
0xff: {  	s17 =	sadd.s32 $0x900, s0  }
0x100: {  	[tilespmem:s1], [sflag:$0x2] =	stream.indirect.gather [hbm4b:s3+s10], $0x20, s17, s10, $0xb8;
	[tilespmem:$0x16800] =	vst v63  }
0x101: {  	s17 =	sadd.s32 $0x980, s0  }
0x102: {  	[tilespmem:s13], [sflag:$0x2] =	stream.indirect.gather [hbm4b:s3+s10], $0x20, s17, s10, $0xb8;
	[tilespmem:$0x16800] =	vst v63  }
0x103: {  	_ =	swait.ge [sflag:s15], $0x1000  }
0x104: {  	[sflag:s15] =	ssyncset.done $0x0  }
0x105: {  	[sflag:s15] =	ssyncadd.s32 $0xFFFFF000  }
0x106: {  	_ =	swait.ge [sflag:s15], $0x1000  }
0x107: {  	[sflag:s15] =	ssyncset.done $0x0  }
0x108: {  	[sflag:s15] =	ssyncadd.s32 $0xFFFFF000  }
0x109: {  	_ =	swait.ge [sflag:s15], $0x1000  }
0x10a: {  	[sflag:s15] =	ssyncset.done $0x0  }
0x10b: {  	[sflag:s15] =	ssyncadd.s32 $0xFFFFF000  }
0x10c: {  	_ =	swait.ge [sflag:s15], $0x1000  }
0x10d: {  	[sflag:s15] =	ssyncset.done $0x0  }
0x10e: {  	[sflag:s15] =	ssyncadd.s32 $0xFFFFF000  }
0x10f: {  	_ =	swait.ge [sflag:s15], $0x1000  }
0x110: {  	[sflag:s15] =	ssyncset.done $0x0  }
0x111: {  	s17 =	sadd.s32 $0x6B80, s0;
	[sflag:s15] =	ssyncadd.s32 $0xFFFFF000  }
0x112: {  	[hbm4b:s4+s10] =	stream.indirect.scatter [tilespmem:s25], [sflag:$0x4], $0x20, s17, s10, $0xb8;
	[tilespmem:$0x16800] =	vst v63  }
0x113: {  	s17 =	sadd.s32 $0x6C00, s0  }
0x114: {  	[hbm4b:s4+s10] =	stream.indirect.scatter [tilespmem:s28], [sflag:$0x4], $0x20, s17, s10, $0xb8;
	[tilespmem:$0x16800] =	vst v63  }
.Ltmp0:
0x115: {  	s17 =	sadd.s32 $0x6C80, s0;
	(pc) =	sbr.rel @p0 .LBB2_2-.Ltmp0, $4  }
0x116: {  	[hbm4b:s4+s10] =	stream.indirect.scatter [tilespmem:s30], [sflag:$0x4], $0x20, s17, s10, $0xb8;
	[tilespmem:$0x16800] =	vst v63  }
0x117: {  	s17 =	sadd.s32 $0x6D00, s0  }
0x118: {  	[hbm4b:s4+s10] =	stream.indirect.scatter [tilespmem:s1], [sflag:$0x4], $0x20, s17, s10, $0xb8;
	[tilespmem:$0x16800] =	vst v63  }
0x119: {  	s0 =	sadd.s32 $0x6D80, s0  }
0x11a: {  	[hbm4b:s4+s10] =	stream.indirect.scatter [tilespmem:s13], [sflag:$0x4], $0x20, s0, s10, $0xb8;
	[tilespmem:$0x16800] =	vst v63  }
0x11b: {  	_ =	swait.ge [sflag:s24], $0x1000  }
0x11c: {  	[sflag:s24] =	ssyncset.done $0x0  }
0x11d: {  	[sflag:s24] =	ssyncadd.s32 $0xFFFFF000  }
0x11e: {  	_ =	swait.ge [sflag:s24], $0x1000  }
0x11f: {  	[sflag:s24] =	ssyncset.done $0x0  }
0x120: {  	[sflag:s24] =	ssyncadd.s32 $0xFFFFF000  }
0x121: {  	_ =	swait.ge [sflag:s24], $0x1000  }
0x122: {  	[sflag:s24] =	ssyncset.done $0x0  }
0x123: {  	[sflag:s24] =	ssyncadd.s32 $0xFFFFF000  }
0x124: {  	_ =	swait.ge [sflag:s24], $0x1000  }
0x125: {  	[sflag:s24] =	ssyncset.done $0x0  }
0x126: {  	[sflag:s24] =	ssyncadd.s32 $0xFFFFF000  }
0x127: {  	_ =	swait.ge [sflag:s24], $0x1000  }
0x128: {  	[sflag:s24] =	ssyncset.done $0x0  }
0x129: {  	[sflag:s24] =	ssyncadd.s32 $0xFFFFF000  }
0x12a: {  	_ =	swait.ge [sflag:s26], $0x1000  }
0x12b: {  	[sflag:s26] =	ssyncset.done $0x0  }
0x12c: {  	[sflag:s26] =	ssyncadd.s32 $0xFFFFF000  }
0x12d: {  	_ =	swait.ge [sflag:s26], $0x1000  }
0x12e: {  	[sflag:s26] =	ssyncset.done $0x0  }
0x12f: {  	[sflag:s26] =	ssyncadd.s32 $0xFFFFF000  }
0x130: {  	_ =	swait.ge [sflag:s26], $0x1000  }
0x131: {  	[sflag:s26] =	ssyncset.done $0x0  }
0x132: {  	s29 =	sadd.s32 $0x1, s29;
	[sflag:s26] =	ssyncadd.s32 $0xFFFFF000  }
0x133: {  	p0 =	sne.s32 s29, s7;
	_ =	swait.ge [sflag:s26], $0x1000  }
.Ltmp1:
0x134: {  	[sflag:s26] =	ssyncset.done $0x0;
	(pc) =	sbr.rel @p0 .LBB2_1-.Ltmp1, $4  }
0x135: {  	[sflag:s26] =	ssyncadd.s32 $0xFFFFF000  }
0x136: {  	_ =	swait.ge [sflag:s26], $0x1000  }
0x137: {  	[sflag:s26] =	ssyncset.done $0x0  }
0x138: {  	[sflag:s26] =	ssyncadd.s32 $0xFFFFF000  }
0x139: {  	_ =	sfence.sel $0x180000  }
0x13a: {  	[bflag:$0x0] =	sbarrier.arrive $0xFFFF  }
0x13b: {  	_ =	strace $0x90000047  }
0x13c: {  	s0 =	stileid.u32;
	[bflag:$0x2] =	sbarrier.arrive $0xFFFF  }
0x13d: {  	p0 =	sne.s32 s0, $0x0;
	s0 =	rddreg [dreg:$0x2]  }
0x13e: {  	s0 =	sadd.s32 @!p0 $0x100000, s0  }
0x13f: {  	[sflag:s0] =	ssyncadd.tile.s32 @!p0 $0x1;
	_ =	shalt  }
.Lfunc_end2:
_tile_overlayer_lowered:
.L_overlay_start_2:
0x140: {  	(tag) =	ssettag $0x2  }
0x141: {  	s0 =	rddreg [dreg:$0x0];
	s2 =	stileid.u32  }
0x142: {  	s1 =	rddreg [dreg:$0x1];
	p0 =	sne.s32 s2, $0x0  }
0x143: {  	s3 =	rddreg [dreg:$0x2];
	[bflag:$0x3] =	sbarrier.arrive $0xFFFF;
	s2 =	simm.s32 @!p0 $0x1C05  }
0x144: {  	[timem:s3], [sflag:s2] =	dma.local @!p0 [hbm:s0], s1  }
0x145: {  	s0 =	simm.s32 @!p0 $0x5  }
0x146: {  	_ =	swait.ge @!p0 [sflag:s0], s1  }
0x147: {  	s1 =	ssub.s32 @!p0 $0x0, s1;
	[sflag:s0] =	ssyncset.done @!p0 $0x0  }
0x148: {  	[sflag:s0] =	ssyncadd.s32 @!p0 s1  }
0x149: {  	[bflag:$0x3] =	sbarrier.arrive $0xFFFF  }
0x14a: {  	_ =	shalt  }

</sc_bundles>
